<compile_context>
chip_gen: v7x
topology: tpu7x:2x2x1
jax: 0.10.2.dev20260603
libtpu: 0.0.44.dev20260713+nightly
codegen_flags: <defaults>
</compile_context>

<pallas_src>
import functools

import jax
import jax.numpy as jnp
from jax import lax
from jax.experimental import pallas as pl
from jax.experimental.pallas import tpu as pltpu
from jax.experimental.pallas import tpu_sc as plsc

B, L = 1024, 256
N = B * L
D = 50
DP = 64
WS = 2
NC, NS = 2, 16
NW = NC * NS
PW = N // NW
CH = 128
G = PW // CH
OW = CH * 128

CHAR_COPIES = ((0, 0), (16, 16), (32, 32), (34, 34))
WORD_COPIES = ((2, 50), (18, 66), (34, 82), (36, 84))


def _gather_body(idxc_hbm, idxw_hbm, char_hbm, word_hbm, out_hbm,
                 idxc_v, idxw_v, bufc, bufw, bufp, semc, semw, semo):
    w = lax.axis_index("s") * NC + lax.axis_index("c")

    pltpu.sync_copy(idxc_hbm.at[w], idxc_v)
    pltpu.sync_copy(idxw_hbm.at[w], idxw_v)

    def fire(g, s):
        pltpu.async_copy(char_hbm.at[idxc_v.at[g]], bufc.at[s], semc)
        pltpu.async_copy(word_hbm.at[idxw_v.at[g]], bufw.at[s], semw)

    def wait_gather(s):
        pltpu.make_async_copy(char_hbm.at[idxc_v.at[0]], bufc.at[s], semc).wait()
        pltpu.make_async_copy(word_hbm.at[idxw_v.at[0]], bufw.at[s], semw).wait()

    def pack_and_out(g, s):
        def pack(p, carry2):
            for r8 in range(8):
                row = p * 8 + r8
                dst = p * 1024 + r8 * 128
                for so, do in CHAR_COPIES:
                    bufp[s, pl.ds(dst + do, 16)] = bufc[s, row, pl.ds(so, 16)]
                for so, do in WORD_COPIES:
                    bufp[s, pl.ds(dst + do, 16)] = bufw[s, row, pl.ds(so, 16)]
            return carry2

        lax.fori_loop(0, CH // 8, pack, 0)
        pltpu.async_copy(bufp.at[s], out_hbm.at[pl.ds((w * G + g) * OW, OW)], semo)

    def wait_out(g, s):
        pltpu.make_async_copy(bufp.at[s], out_hbm.at[pl.ds((w * G + g) * OW, OW)], semo).wait()

    fire(0, 0)

    def step(gg, carry):
        g0 = 2 * gg
        g1 = g0 + 1
        g2 = g0 + 2

        wait_gather(0)
        fire(g1, 1)

        @pl.when(gg >= 1)
        def _():
            wait_out(g0, 0)

        pack_and_out(g0, 0)

        @pl.when(gg < G // 2 - 1)
        def _():
            fire(g2, 0)

        wait_gather(1)

        @pl.when(gg >= 1)
        def _():
            wait_out(g1, 1)

        pack_and_out(g1, 1)
        return carry

    lax.fori_loop(0, G // 2, step, 0)
    wait_out(0, 0)
    wait_out(1, 1)


@jax.jit
def _lookup(idxc, idxw, char_table, word_table):
    mesh = plsc.VectorSubcoreMesh(core_axis_name="c", subcore_axis_name="s")
    gather = functools.partial(
        pl.kernel,
        mesh=mesh,
        out_type=jax.ShapeDtypeStruct((N * 128,), jnp.float32),
        scratch_types=[
            pltpu.VMEM((G, CH), jnp.int32),
            pltpu.VMEM((G, CH), jnp.int32),
            pltpu.VMEM((2, CH, DP), jnp.float32),
            pltpu.VMEM((2, CH, DP), jnp.float32),
            pltpu.VMEM((2, OW), jnp.float32),
            pltpu.SemaphoreType.DMA,
            pltpu.SemaphoreType.DMA,
            pltpu.SemaphoreType.DMA,
        ],
        compiler_params=pltpu.CompilerParams(use_tc_tiling_on_sc=False),
    )(_gather_body)
    emb = gather(idxc, idxw, char_table, word_table)
    return emb.reshape(B, L, 128)[:, :, : 2 * D]


def kernel(seqs_char, seqs_word, att_mask, char_table, word_table):
    idxc = seqs_char.astype(jnp.int32).reshape(NW, G, CH)
    idxw = seqs_word.astype(jnp.int32).reshape(NW, G, CH)
    ct = jnp.pad(char_table, ((0, 0), (0, DP - D)))
    wt = jnp.pad(word_table, ((0, 0), (WS, DP - D - WS)))
    return _lookup(idxc, idxw, ct, wt)

# --- scband reference (transcript-rebuilt; emitter-appended) ---
"""Pipeline reference for scband-base-wlfencoder-27539330302058 (READ-ONLY COPY).

The authoritative reference and input builder live on the scoring server;
editing this copy changes nothing except your own understanding.
"""

import jax, jax.numpy as jnp
import numpy as np

NUM_CHAR = 7002   # 7000 chars + [UNK] + [PAD]
NUM_WORD = 100002 # 100000 words + [UNK] + [PAD]
CHAR_SIZE = 50
WORD_SIZE = 50
B, L = 1024, 256


def setup_inputs(seed: int = 0) -> dict:
    key = jax.random.key(seed)
    k1, k2, k3, k4 = jax.random.split(key, 4)
    seqs_char = jax.random.randint(k1, (B, L), 0, 7000, dtype=jnp.int64 if jax.config.jax_enable_x64 else jnp.int32)
    seqs_word = jax.random.randint(k2, (B, L), 0, 100000, dtype=jnp.int64 if jax.config.jax_enable_x64 else jnp.int32)
    att_mask = jnp.ones((B, L), dtype=jnp.int32)
    char_table = jax.random.normal(k3, (NUM_CHAR, CHAR_SIZE), dtype=jnp.float32)
    word_table = jax.random.normal(k4, (NUM_WORD, WORD_SIZE), dtype=jnp.float32)
    return {
        "seqs_char": seqs_char,
        "seqs_word": seqs_word,
        "att_mask": att_mask,
        "char_table": char_table,
        "word_table": word_table,
    }


def reference(seqs_char, seqs_word, att_mask, char_table, word_table):
    # Faithful translation of BaseWLFEncoder.forward:
    # concat(char_embedding(seqs_char), word_embedding(seqs_word)) along last dim.
    char_emb = jnp.take(char_table, seqs_char, axis=0)  # (B, L, char_size)
    word_emb = jnp.take(word_table, seqs_word, axis=0)  # (B, L, word_size)
    inputs_embed = jnp.concatenate([char_emb, word_emb], axis=-1)  # (B, L, H)
    return inputs_embed

if __name__ == "__main__":
    import jax
    _d = setup_inputs()
    print(jax.jit(kernel)(*tuple(_d.values())))

</pallas_src>

<mosaic_0001>
#map = affine_map<(d0, d1) -> (0, 0, 0)>
#map1 = affine_map<(d0, d1) -> (0, 0)>
#map2 = affine_map<(d0, d1) -> (0)>
module attributes {stable_mosaic.version = 14 : i64} {
  func.func @_gather_body(%arg0: i32, %arg1: i32, %arg2: memref<32x64x128xi32, #tpu.memory_space<hbm>>, %arg3: memref<32x64x128xi32, #tpu.memory_space<hbm>>, %arg4: memref<7002x64xf32, #tpu.memory_space<hbm>>, %arg5: memref<100002x64xf32, #tpu.memory_space<hbm>>, %arg6: memref<33554432xf32, #tpu.memory_space<hbm>>, %arg7: memref<64x128xi32, #tpu.memory_space<vmem>>, %arg8: memref<64x128xi32, #tpu.memory_space<vmem>>, %arg9: memref<2x128x64xf32, #tpu.memory_space<vmem>>, %arg10: memref<2x128x64xf32, #tpu.memory_space<vmem>>, %arg11: memref<2x16384xf32, #tpu.memory_space<vmem>>, %arg12: memref<!tpu.dma_semaphore, #tpu.memory_space<semaphore_mem>>, %arg13: memref<!tpu.dma_semaphore, #tpu.memory_space<semaphore_mem>>, %arg14: memref<!tpu.dma_semaphore, #tpu.memory_space<semaphore_mem>>) attributes {dimension_semantics = [#tpu.dimension_semantics<core_parallel>, #tpu.dimension_semantics<subcore_parallel>], iteration_bounds = array<i64: 2, 16>, scalar_prefetch = 0 : i64, scratch_operands = 8 : i64, tpu.core_type = #tpu.core_type<sc_vector_subcore>, window_params = [{transform_indices = #map}, {transform_indices = #map}, {transform_indices = #map1}, {transform_indices = #map1}, {transform_indices = #map2}]} {
    %mul3A = arith.constant 2 : i32
    %mul3A_0 = arith.muli %arg1, %mul3A : i32
    %add3A = arith.addi %mul3A_0, %arg0 : i32
    "tpu.region"() ({
      %run_scoped3A = tpu.sem_alloc : memref<!tpu.dma_semaphore, #tpu.memory_space<semaphore_mem>>
      %dma_start3A_58 = arith.constant 0 : i32
      %dma_start3A_59 = arith.constant 0 : i32
      %dma_start3A_60 = tpu.memref_slice %arg2[%add3A, %dma_start3A_58, %dma_start3A_59] : memref<32x64x128xi32, #tpu.memory_space<hbm>> -> memref<1x64x128xi32, #tpu.memory_space<hbm>>
      %dma_start3A_61 = tpu.memref_squeeze %dma_start3A_60 : memref<1x64x128xi32, #tpu.memory_space<hbm>> -> memref<64x128xi32, #tpu.memory_space<hbm>>
      %dma_start3A_62 = arith.constant 0 : i32
      %dma_start3A_63 = arith.constant 0 : i32
      %dma_start3A_64 = tpu.memref_slice %arg2[%add3A, %dma_start3A_62, %dma_start3A_63] : memref<32x64x128xi32, #tpu.memory_space<hbm>> -> memref<1x64x128xi32, #tpu.memory_space<hbm>>
      %dma_start3A_65 = tpu.memref_squeeze %dma_start3A_64 : memref<1x64x128xi32, #tpu.memory_space<hbm>> -> memref<64x128xi32, #tpu.memory_space<hbm>>
      tpu.enqueue_dma source(%dma_start3A_65 : memref<64x128xi32, #tpu.memory_space<hbm>>) target(%arg7 : memref<64x128xi32, #tpu.memory_space<vmem>>) target_semaphore(%run_scoped3A : memref<!tpu.dma_semaphore, #tpu.memory_space<semaphore_mem>>)
      %dma_wait3A_66 = arith.constant 0 : i32
      %dma_wait3A_67 = arith.constant 0 : i32
      %dma_wait3A_68 = tpu.memref_slice %arg2[%add3A, %dma_wait3A_66, %dma_wait3A_67] : memref<32x64x128xi32, #tpu.memory_space<hbm>> -> memref<1x64x128xi32, #tpu.memory_space<hbm>>
      %dma_wait3A_69 = tpu.memref_squeeze %dma_wait3A_68 : memref<1x64x128xi32, #tpu.memory_space<hbm>> -> memref<64x128xi32, #tpu.memory_space<hbm>>
      %dma_wait3A_70 = arith.constant 0 : i32
      %dma_wait3A_71 = arith.constant 0 : i32
      %dma_wait3A_72 = tpu.memref_slice %arg2[%add3A, %dma_wait3A_70, %dma_wait3A_71] : memref<32x64x128xi32, #tpu.memory_space<hbm>> -> memref<1x64x128xi32, #tpu.memory_space<hbm>>
      %dma_wait3A_73 = tpu.memref_squeeze %dma_wait3A_72 : memref<1x64x128xi32, #tpu.memory_space<hbm>> -> memref<64x128xi32, #tpu.memory_space<hbm>>
      tpu.wait_dma2 semaphore(%run_scoped3A : memref<!tpu.dma_semaphore, #tpu.memory_space<semaphore_mem>>) src(%dma_wait3A_73 : memref<64x128xi32, #tpu.memory_space<hbm>>) dst(%arg7 : memref<64x128xi32, #tpu.memory_space<vmem>>)
      tpu.yield
    }) : () -> ()
    "tpu.region"() ({
      %run_scoped3A = tpu.sem_alloc : memref<!tpu.dma_semaphore, #tpu.memory_space<semaphore_mem>>
      %dma_start3A_58 = arith.constant 0 : i32
      %dma_start3A_59 = arith.constant 0 : i32
      %dma_start3A_60 = tpu.memref_slice %arg3[%add3A, %dma_start3A_58, %dma_start3A_59] : memref<32x64x128xi32, #tpu.memory_space<hbm>> -> memref<1x64x128xi32, #tpu.memory_space<hbm>>
      %dma_start3A_61 = tpu.memref_squeeze %dma_start3A_60 : memref<1x64x128xi32, #tpu.memory_space<hbm>> -> memref<64x128xi32, #tpu.memory_space<hbm>>
      %dma_start3A_62 = arith.constant 0 : i32
      %dma_start3A_63 = arith.constant 0 : i32
      %dma_start3A_64 = tpu.memref_slice %arg3[%add3A, %dma_start3A_62, %dma_start3A_63] : memref<32x64x128xi32, #tpu.memory_space<hbm>> -> memref<1x64x128xi32, #tpu.memory_space<hbm>>
      %dma_start3A_65 = tpu.memref_squeeze %dma_start3A_64 : memref<1x64x128xi32, #tpu.memory_space<hbm>> -> memref<64x128xi32, #tpu.memory_space<hbm>>
      tpu.enqueue_dma source(%dma_start3A_65 : memref<64x128xi32, #tpu.memory_space<hbm>>) target(%arg8 : memref<64x128xi32, #tpu.memory_space<vmem>>) target_semaphore(%run_scoped3A : memref<!tpu.dma_semaphore, #tpu.memory_space<semaphore_mem>>)
      %dma_wait3A_66 = arith.constant 0 : i32
      %dma_wait3A_67 = arith.constant 0 : i32
      %dma_wait3A_68 = tpu.memref_slice %arg3[%add3A, %dma_wait3A_66, %dma_wait3A_67] : memref<32x64x128xi32, #tpu.memory_space<hbm>> -> memref<1x64x128xi32, #tpu.memory_space<hbm>>
      %dma_wait3A_69 = tpu.memref_squeeze %dma_wait3A_68 : memref<1x64x128xi32, #tpu.memory_space<hbm>> -> memref<64x128xi32, #tpu.memory_space<hbm>>
      %dma_wait3A_70 = arith.constant 0 : i32
      %dma_wait3A_71 = arith.constant 0 : i32
      %dma_wait3A_72 = tpu.memref_slice %arg3[%add3A, %dma_wait3A_70, %dma_wait3A_71] : memref<32x64x128xi32, #tpu.memory_space<hbm>> -> memref<1x64x128xi32, #tpu.memory_space<hbm>>
      %dma_wait3A_73 = tpu.memref_squeeze %dma_wait3A_72 : memref<1x64x128xi32, #tpu.memory_space<hbm>> -> memref<64x128xi32, #tpu.memory_space<hbm>>
      tpu.wait_dma2 semaphore(%run_scoped3A : memref<!tpu.dma_semaphore, #tpu.memory_space<semaphore_mem>>) src(%dma_wait3A_73 : memref<64x128xi32, #tpu.memory_space<hbm>>) dst(%arg8 : memref<64x128xi32, #tpu.memory_space<vmem>>)
      tpu.yield
    }) : () -> ()
    %dma_start3A = arith.constant 0 : i32
    %dma_start3A_1 = arith.constant 0 : i32
    %dma_start3A_2 = arith.constant 0 : i32
    %dma_start3A_3 = arith.constant 0 : i32
    %dma_start3A_4 = tpu.memref_slice %arg9[%dma_start3A_1, %dma_start3A_2, %dma_start3A_3] : memref<2x128x64xf32, #tpu.memory_space<vmem>> -> memref<1x128x64xf32, #tpu.memory_space<vmem>>
    %dma_start3A_5 = tpu.memref_squeeze %dma_start3A_4 : memref<1x128x64xf32, #tpu.memory_space<vmem>> -> memref<128x64xf32, #tpu.memory_space<vmem>>
    %dma_start3A_6 = arith.constant 0 : i32
    %dma_start3A_7 = tpu.memref_slice %arg7[%dma_start3A, %dma_start3A_6] : memref<64x128xi32, #tpu.memory_space<vmem>> -> memref<1x128xi32, #tpu.memory_space<vmem>>
    %dma_start3A_8 = tpu.memref_squeeze %dma_start3A_7 : memref<1x128xi32, #tpu.memory_space<vmem>> -> memref<128xi32, #tpu.memory_space<vmem>>
    %dma_start3A_9 = arith.constant 0 : i32
    %dma_start3A_10 = arith.constant 0 : i32
    %dma_start3A_11 = tpu.memref_slice %arg4[%dma_start3A_9, %dma_start3A_10] : memref<7002x64xf32, #tpu.memory_space<hbm>> -> memref<7002x64xf32, #tpu.memory_space<hbm>>
    tpu.enqueue_indirect_dma source(%dma_start3A_11 : memref<7002x64xf32, #tpu.memory_space<hbm>>) target(%dma_start3A_5 : memref<128x64xf32, #tpu.memory_space<vmem>>) offsets(%dma_start3A_8 : memref<128xi32, #tpu.memory_space<vmem>>) semaphore(%arg12 : memref<!tpu.dma_semaphore, #tpu.memory_space<semaphore_mem>>)
    %dma_start3A_12 = arith.constant 0 : i32
    %dma_start3A_13 = arith.constant 0 : i32
    %dma_start3A_14 = arith.constant 0 : i32
    %dma_start3A_15 = arith.constant 0 : i32
    %dma_start3A_16 = tpu.memref_slice %arg10[%dma_start3A_13, %dma_start3A_14, %dma_start3A_15] : memref<2x128x64xf32, #tpu.memory_space<vmem>> -> memref<1x128x64xf32, #tpu.memory_space<vmem>>
    %dma_start3A_17 = tpu.memref_squeeze %dma_start3A_16 : memref<1x128x64xf32, #tpu.memory_space<vmem>> -> memref<128x64xf32, #tpu.memory_space<vmem>>
    %dma_start3A_18 = arith.constant 0 : i32
    %dma_start3A_19 = tpu.memref_slice %arg8[%dma_start3A_12, %dma_start3A_18] : memref<64x128xi32, #tpu.memory_space<vmem>> -> memref<1x128xi32, #tpu.memory_space<vmem>>
    %dma_start3A_20 = tpu.memref_squeeze %dma_start3A_19 : memref<1x128xi32, #tpu.memory_space<vmem>> -> memref<128xi32, #tpu.memory_space<vmem>>
    %dma_start3A_21 = arith.constant 0 : i32
    %dma_start3A_22 = arith.constant 0 : i32
    %dma_start3A_23 = tpu.memref_slice %arg5[%dma_start3A_21, %dma_start3A_22] : memref<100002x64xf32, #tpu.memory_space<hbm>> -> memref<100002x64xf32, #tpu.memory_space<hbm>>
    tpu.enqueue_indirect_dma source(%dma_start3A_23 : memref<100002x64xf32, #tpu.memory_space<hbm>>) target(%dma_start3A_17 : memref<128x64xf32, #tpu.memory_space<vmem>>) offsets(%dma_start3A_20 : memref<128xi32, #tpu.memory_space<vmem>>) semaphore(%arg13 : memref<!tpu.dma_semaphore, #tpu.memory_space<semaphore_mem>>)
    %scan3A = arith.constant 0 : i32
    %scan3A_24 = arith.constant 0 : i32
    %scan3A_25 = arith.constant 32 : i32
    %scan3A_26 = arith.addi %scan3A_24, %scan3A_25 : i32
    %scan3A_27 = arith.constant 1 : i32
    scf.for %scan3A_58 = %scan3A_24 to %scan3A_26 step %scan3A_27  : i32 {
      %mul3A_59 = arith.constant 2 : i32
      %mul3A_60 = arith.muli %mul3A_59, %scan3A_58 : i32
      %add3A_61 = arith.constant 1 : i32
      %add3A_62 = arith.addi %mul3A_60, %add3A_61 : i32
      %add3A_63 = arith.constant 2 : i32
      %add3A_64 = arith.addi %mul3A_60, %add3A_63 : i32
      %dma_wait3A_65 = arith.constant 0 : i32
      %dma_wait3A_66 = arith.constant 0 : i32
      %dma_wait3A_67 = arith.constant 0 : i32
      %dma_wait3A_68 = arith.constant 0 : i32
      %dma_wait3A_69 = tpu.memref_slice %arg9[%dma_wait3A_66, %dma_wait3A_67, %dma_wait3A_68] : memref<2x128x64xf32, #tpu.memory_space<vmem>> -> memref<1x128x64xf32, #tpu.memory_space<vmem>>
      %dma_wait3A_70 = tpu.memref_squeeze %dma_wait3A_69 : memref<1x128x64xf32, #tpu.memory_space<vmem>> -> memref<128x64xf32, #tpu.memory_space<vmem>>
      %dma_wait3A_71 = arith.constant 0 : i32
      %dma_wait3A_72 = tpu.memref_slice %arg7[%dma_wait3A_65, %dma_wait3A_71] : memref<64x128xi32, #tpu.memory_space<vmem>> -> memref<1x128xi32, #tpu.memory_space<vmem>>
      %dma_wait3A_73 = tpu.memref_squeeze %dma_wait3A_72 : memref<1x128xi32, #tpu.memory_space<vmem>> -> memref<128xi32, #tpu.memory_space<vmem>>
      %dma_wait3A_74 = arith.constant 0 : i32
      %dma_wait3A_75 = arith.constant 0 : i32
      %dma_wait3A_76 = tpu.memref_slice %arg4[%dma_wait3A_74, %dma_wait3A_75] : memref<7002x64xf32, #tpu.memory_space<hbm>> -> memref<7002x64xf32, #tpu.memory_space<hbm>>
      tpu.wait_indirect_dma semaphore(%arg12 : memref<!tpu.dma_semaphore, #tpu.memory_space<semaphore_mem>>) src(%dma_wait3A_76 : memref<7002x64xf32, #tpu.memory_space<hbm>>) dst(%dma_wait3A_70 : memref<128x64xf32, #tpu.memory_space<vmem>>)
      %dma_wait3A_77 = arith.constant 0 : i32
      %dma_wait3A_78 = arith.constant 0 : i32
      %dma_wait3A_79 = arith.constant 0 : i32
      %dma_wait3A_80 = arith.constant 0 : i32
      %dma_wait3A_81 = tpu.memref_slice %arg10[%dma_wait3A_78, %dma_wait3A_79, %dma_wait3A_80] : memref<2x128x64xf32, #tpu.memory_space<vmem>> -> memref<1x128x64xf32, #tpu.memory_space<vmem>>
      %dma_wait3A_82 = tpu.memref_squeeze %dma_wait3A_81 : memref<1x128x64xf32, #tpu.memory_space<vmem>> -> memref<128x64xf32, #tpu.memory_space<vmem>>
      %dma_wait3A_83 = arith.constant 0 : i32
      %dma_wait3A_84 = tpu.memref_slice %arg8[%dma_wait3A_77, %dma_wait3A_83] : memref<64x128xi32, #tpu.memory_space<vmem>> -> memref<1x128xi32, #tpu.memory_space<vmem>>
      %dma_wait3A_85 = tpu.memref_squeeze %dma_wait3A_84 : memref<1x128xi32, #tpu.memory_space<vmem>> -> memref<128xi32, #tpu.memory_space<vmem>>
      %dma_wait3A_86 = arith.constant 0 : i32
      %dma_wait3A_87 = arith.constant 0 : i32
      %dma_wait3A_88 = tpu.memref_slice %arg5[%dma_wait3A_86, %dma_wait3A_87] : memref<100002x64xf32, #tpu.memory_space<hbm>> -> memref<100002x64xf32, #tpu.memory_space<hbm>>
      tpu.wait_indirect_dma semaphore(%arg13 : memref<!tpu.dma_semaphore, #tpu.memory_space<semaphore_mem>>) src(%dma_wait3A_88 : memref<100002x64xf32, #tpu.memory_space<hbm>>) dst(%dma_wait3A_82 : memref<128x64xf32, #tpu.memory_space<vmem>>)
      %dma_start3A_89 = arith.constant 1 : i32
      %dma_start3A_90 = arith.constant 0 : i32
      %dma_start3A_91 = arith.constant 0 : i32
      %dma_start3A_92 = tpu.memref_slice %arg9[%dma_start3A_89, %dma_start3A_90, %dma_start3A_91] : memref<2x128x64xf32, #tpu.memory_space<vmem>> -> memref<1x128x64xf32, #tpu.memory_space<vmem>>
      %dma_start3A_93 = tpu.memref_squeeze %dma_start3A_92 : memref<1x128x64xf32, #tpu.memory_space<vmem>> -> memref<128x64xf32, #tpu.memory_space<vmem>>
      %dma_start3A_94 = arith.constant 0 : i32
      %dma_start3A_95 = tpu.memref_slice %arg7[%add3A_62, %dma_start3A_94] : memref<64x128xi32, #tpu.memory_space<vmem>> -> memref<1x128xi32, #tpu.memory_space<vmem>>
      %dma_start3A_96 = tpu.memref_squeeze %dma_start3A_95 : memref<1x128xi32, #tpu.memory_space<vmem>> -> memref<128xi32, #tpu.memory_space<vmem>>
      %dma_start3A_97 = arith.constant 0 : i32
      %dma_start3A_98 = arith.constant 0 : i32
      %dma_start3A_99 = tpu.memref_slice %arg4[%dma_start3A_97, %dma_start3A_98] : memref<7002x64xf32, #tpu.memory_space<hbm>> -> memref<7002x64xf32, #tpu.memory_space<hbm>>
      tpu.enqueue_indirect_dma source(%dma_start3A_99 : memref<7002x64xf32, #tpu.memory_space<hbm>>) target(%dma_start3A_93 : memref<128x64xf32, #tpu.memory_space<vmem>>) offsets(%dma_start3A_96 : memref<128xi32, #tpu.memory_space<vmem>>) semaphore(%arg12 : memref<!tpu.dma_semaphore, #tpu.memory_space<semaphore_mem>>)
      %dma_start3A_100 = arith.constant 1 : i32
      %dma_start3A_101 = arith.constant 0 : i32
      %dma_start3A_102 = arith.constant 0 : i32
      %dma_start3A_103 = tpu.memref_slice %arg10[%dma_start3A_100, %dma_start3A_101, %dma_start3A_102] : memref<2x128x64xf32, #tpu.memory_space<vmem>> -> memref<1x128x64xf32, #tpu.memory_space<vmem>>
      %dma_start3A_104 = tpu.memref_squeeze %dma_start3A_103 : memref<1x128x64xf32, #tpu.memory_space<vmem>> -> memref<128x64xf32, #tpu.memory_space<vmem>>
      %dma_start3A_105 = arith.constant 0 : i32
      %dma_start3A_106 = tpu.memref_slice %arg8[%add3A_62, %dma_start3A_105] : memref<64x128xi32, #tpu.memory_space<vmem>> -> memref<1x128xi32, #tpu.memory_space<vmem>>
      %dma_start3A_107 = tpu.memref_squeeze %dma_start3A_106 : memref<1x128xi32, #tpu.memory_space<vmem>> -> memref<128xi32, #tpu.memory_space<vmem>>
      %dma_start3A_108 = arith.constant 0 : i32
      %dma_start3A_109 = arith.constant 0 : i32
      %dma_start3A_110 = tpu.memref_slice %arg5[%dma_start3A_108, %dma_start3A_109] : memref<100002x64xf32, #tpu.memory_space<hbm>> -> memref<100002x64xf32, #tpu.memory_space<hbm>>
      tpu.enqueue_indirect_dma source(%dma_start3A_110 : memref<100002x64xf32, #tpu.memory_space<hbm>>) target(%dma_start3A_104 : memref<128x64xf32, #tpu.memory_space<vmem>>) offsets(%dma_start3A_107 : memref<128xi32, #tpu.memory_space<vmem>>) semaphore(%arg13 : memref<!tpu.dma_semaphore, #tpu.memory_space<semaphore_mem>>)
      %ge3A = arith.constant 1 : i32
      %ge3A_111 = arith.cmpi sge, %scan3A_58, %ge3A : i32
      %convert_element_type3A = arith.extui %ge3A_111 : i1 to i32
      %cond3A = arith.constant 0 : i32
      %cond3A_112 = arith.cmpi ne, %convert_element_type3A, %cond3A : i32
      scf.if %cond3A_112 {
        %mul3A_186 = arith.constant 64 : i32
        %mul3A_187 = arith.muli %add3A, %mul3A_186 : i32
        %add3A_188 = arith.addi %mul3A_187, %mul3A_60 : i32
        %mul3A_189 = arith.constant 16384 : i32
        %mul3A_190 = arith.muli %add3A_188, %mul3A_189 : i32
        %dma_wait3A_191 = arith.constant 0 : i32
        %dma_wait3A_192 = arith.constant 0 : i32
        %dma_wait3A_193 = tpu.memref_slice %arg11[%dma_wait3A_191, %dma_wait3A_192] : memref<2x16384xf32, #tpu.memory_space<vmem>> -> memref<1x16384xf32, #tpu.memory_space<vmem>>
        %dma_wait3A_194 = tpu.memref_squeeze %dma_wait3A_193 : memref<1x16384xf32, #tpu.memory_space<vmem>> -> memref<16384xf32, #tpu.memory_space<vmem>>
        %dma_wait3A_195 = tpu.memref_slice %arg6[%mul3A_190] : memref<33554432xf32, #tpu.memory_space<hbm>> -> memref<16384xf32, #tpu.memory_space<hbm>>
        %dma_wait3A_196 = tpu.memref_slice %arg6[%mul3A_190] : memref<33554432xf32, #tpu.memory_space<hbm>> -> memref<16384xf32, #tpu.memory_space<hbm>>
        %dma_wait3A_197 = arith.constant 0 : i32
        %dma_wait3A_198 = tpu.memref_slice %arg11[%dma_wait3A_191, %dma_wait3A_197] : memref<2x16384xf32, #tpu.memory_space<vmem>> -> memref<1x16384xf32, #tpu.memory_space<vmem>>
        %dma_wait3A_199 = tpu.memref_squeeze %dma_wait3A_198 : memref<1x16384xf32, #tpu.memory_space<vmem>> -> memref<16384xf32, #tpu.memory_space<vmem>>
        tpu.wait_dma2 semaphore(%arg14 : memref<!tpu.dma_semaphore, #tpu.memory_space<semaphore_mem>>) src(%dma_wait3A_199 : memref<16384xf32, #tpu.memory_space<vmem>>) dst(%dma_wait3A_196 : memref<16384xf32, #tpu.memory_space<hbm>>)
      } else {
      }
      %scan3A_113 = arith.constant 0 : i32
      %scan3A_114 = arith.constant 0 : i32
      %scan3A_115 = arith.constant 16 : i32
      %scan3A_116 = arith.addi %scan3A_114, %scan3A_115 : i32
      %scan3A_117 = arith.constant 1 : i32
      scf.for %scan3A_186 = %scan3A_114 to %scan3A_116 step %scan3A_117  : i32 {
        %mul3A_187 = arith.constant 8 : i32
        %mul3A_188 = arith.muli %scan3A_186, %mul3A_187 : i32
        %add3A_189 = arith.constant 0 : i32
        %add3A_190 = arith.addi %mul3A_188, %add3A_189 : i32
        %mul3A_191 = arith.constant 1024 : i32
        %mul3A_192 = arith.muli %scan3A_186, %mul3A_191 : i32
        %add3A_193 = arith.constant 0 : i32
        %add3A_194 = arith.addi %mul3A_192, %add3A_193 : i32
        %get3A = arith.constant 0 : i32
        %get3A_195 = arith.index_cast %get3A : i32 to index
        %get3A_196 = arith.index_cast %add3A_190 : i32 to index
        %get3A_197 = arith.constant 0 : index
        %get3A_198 = tpu.vector_load %arg9[%get3A_195, %get3A_196, %get3A_197] {strides = array<i32>} : memref<2x128x64xf32, #tpu.memory_space<vmem>>, vector<1x1x16xf32>,
        %get3A_199 = vector.shape_cast %get3A_198 : vector<1x1x16xf32> to vector<16xf32>
        %add3A_200 = arith.constant 0 : i32
        %add3A_201 = arith.addi %add3A_194, %add3A_200 : i32
        %swap3A = arith.constant 0 : i32
        %swap3A_202 = arith.index_cast %swap3A : i32 to index
        %swap3A_203 = arith.index_cast %add3A_201 : i32 to index
        %swap3A_204 = tpu.vector_load %arg11[%swap3A_202, %swap3A_203] {strides = array<i32>} : memref<2x16384xf32, #tpu.memory_space<vmem>>, vector<1x16xf32>,
        %swap3A_205 = vector.shape_cast %swap3A_204 : vector<1x16xf32> to vector<16xf32>
        %swap3A_206 = vector.shape_cast %get3A_199 : vector<16xf32> to vector<1x16xf32>
        tpu.vector_store %arg11[%swap3A_202, %swap3A_203], %swap3A_206 {strides = array<i32>} : memref<2x16384xf32, #tpu.memory_space<vmem>>, vector<1x16xf32>,
        %get3A_207 = arith.constant 0 : i32
        %get3A_208 = arith.index_cast %get3A_207 : i32 to index
        %get3A_209 = arith.index_cast %add3A_190 : i32 to index
        %get3A_210 = arith.constant 16 : index
        %get3A_211 = tpu.vector_load %arg9[%get3A_208, %get3A_209, %get3A_210] {strides = array<i32>} : memref<2x128x64xf32, #tpu.memory_space<vmem>>, vector<1x1x16xf32>,
        %get3A_212 = vector.shape_cast %get3A_211 : vector<1x1x16xf32> to vector<16xf32>
        %add3A_213 = arith.constant 16 : i32
        %add3A_214 = arith.addi %add3A_194, %add3A_213 : i32
        %swap3A_215 = arith.constant 0 : i32
        %swap3A_216 = arith.index_cast %swap3A_215 : i32 to index
        %swap3A_217 = arith.index_cast %add3A_214 : i32 to index
        %swap3A_218 = tpu.vector_load %arg11[%swap3A_216, %swap3A_217] {strides = array<i32>} : memref<2x16384xf32, #tpu.memory_space<vmem>>, vector<1x16xf32>,
        %swap3A_219 = vector.shape_cast %swap3A_218 : vector<1x16xf32> to vector<16xf32>
        %swap3A_220 = vector.shape_cast %get3A_212 : vector<16xf32> to vector<1x16xf32>
        tpu.vector_store %arg11[%swap3A_216, %swap3A_217], %swap3A_220 {strides = array<i32>} : memref<2x16384xf32, #tpu.memory_space<vmem>>, vector<1x16xf32>,
        %get3A_221 = arith.constant 0 : i32
        %get3A_222 = arith.index_cast %get3A_221 : i32 to index
        %get3A_223 = arith.index_cast %add3A_190 : i32 to index
        %get3A_224 = arith.constant 32 : index
        %get3A_225 = tpu.vector_load %arg9[%get3A_222, %get3A_223, %get3A_224] {strides = array<i32>} : memref<2x128x64xf32, #tpu.memory_space<vmem>>, vector<1x1x16xf32>,
        %get3A_226 = vector.shape_cast %get3A_225 : vector<1x1x16xf32> to vector<16xf32>
        %add3A_227 = arith.constant 32 : i32
        %add3A_228 = arith.addi %add3A_194, %add3A_227 : i32
        %swap3A_229 = arith.constant 0 : i32
        %swap3A_230 = arith.index_cast %swap3A_229 : i32 to index
        %swap3A_231 = arith.index_cast %add3A_228 : i32 to index
        %swap3A_232 = tpu.vector_load %arg11[%swap3A_230, %swap3A_231] {strides = array<i32>} : memref<2x16384xf32, #tpu.memory_space<vmem>>, vector<1x16xf32>,
        %swap3A_233 = vector.shape_cast %swap3A_232 : vector<1x16xf32> to vector<16xf32>
        %swap3A_234 = vector.shape_cast %get3A_226 : vector<16xf32> to vector<1x16xf32>
        tpu.vector_store %arg11[%swap3A_230, %swap3A_231], %swap3A_234 {strides = array<i32>} : memref<2x16384xf32, #tpu.memory_space<vmem>>, vector<1x16xf32>,
        %get3A_235 = arith.constant 0 : i32
        %get3A_236 = arith.index_cast %get3A_235 : i32 to index
        %get3A_237 = arith.index_cast %add3A_190 : i32 to index
        %get3A_238 = arith.constant 34 : index
        %get3A_239 = tpu.vector_load %arg9[%get3A_236, %get3A_237, %get3A_238] {strides = array<i32>} : memref<2x128x64xf32, #tpu.memory_space<vmem>>, vector<1x1x16xf32>,
        %get3A_240 = vector.shape_cast %get3A_239 : vector<1x1x16xf32> to vector<16xf32>
        %add3A_241 = arith.constant 34 : i32
        %add3A_242 = arith.addi %add3A_194, %add3A_241 : i32
        %swap3A_243 = arith.constant 0 : i32
        %swap3A_244 = arith.index_cast %swap3A_243 : i32 to index
        %swap3A_245 = arith.index_cast %add3A_242 : i32 to index
        %swap3A_246 = tpu.vector_load %arg11[%swap3A_244, %swap3A_245] {strides = array<i32>} : memref<2x16384xf32, #tpu.memory_space<vmem>>, vector<1x16xf32>,
        %swap3A_247 = vector.shape_cast %swap3A_246 : vector<1x16xf32> to vector<16xf32>
        %swap3A_248 = vector.shape_cast %get3A_240 : vector<16xf32> to vector<1x16xf32>
        tpu.vector_store %arg11[%swap3A_244, %swap3A_245], %swap3A_248 {strides = array<i32>} : memref<2x16384xf32, #tpu.memory_space<vmem>>, vector<1x16xf32>,
        %get3A_249 = arith.constant 0 : i32
        %get3A_250 = arith.index_cast %get3A_249 : i32 to index
        %get3A_251 = arith.index_cast %add3A_190 : i32 to index
        %get3A_252 = arith.constant 2 : index
        %get3A_253 = tpu.vector_load %arg10[%get3A_250, %get3A_251, %get3A_252] {strides = array<i32>} : memref<2x128x64xf32, #tpu.memory_space<vmem>>, vector<1x1x16xf32>,
        %get3A_254 = vector.shape_cast %get3A_253 : vector<1x1x16xf32> to vector<16xf32>
        %add3A_255 = arith.constant 50 : i32
        %add3A_256 = arith.addi %add3A_194, %add3A_255 : i32
        %swap3A_257 = arith.constant 0 : i32
        %swap3A_258 = arith.index_cast %swap3A_257 : i32 to index
        %swap3A_259 = arith.index_cast %add3A_256 : i32 to index
        %swap3A_260 = tpu.vector_load %arg11[%swap3A_258, %swap3A_259] {strides = array<i32>} : memref<2x16384xf32, #tpu.memory_space<vmem>>, vector<1x16xf32>,
        %swap3A_261 = vector.shape_cast %swap3A_260 : vector<1x16xf32> to vector<16xf32>
        %swap3A_262 = vector.shape_cast %get3A_254 : vector<16xf32> to vector<1x16xf32>
        tpu.vector_store %arg11[%swap3A_258, %swap3A_259], %swap3A_262 {strides = array<i32>} : memref<2x16384xf32, #tpu.memory_space<vmem>>, vector<1x16xf32>,
        %get3A_263 = arith.constant 0 : i32
        %get3A_264 = arith.index_cast %get3A_263 : i32 to index
        %get3A_265 = arith.index_cast %add3A_190 : i32 to index
        %get3A_266 = arith.constant 18 : index
        %get3A_267 = tpu.vector_load %arg10[%get3A_264, %get3A_265, %get3A_266] {strides = array<i32>} : memref<2x128x64xf32, #tpu.memory_space<vmem>>, vector<1x1x16xf32>,
        %get3A_268 = vector.shape_cast %get3A_267 : vector<1x1x16xf32> to vector<16xf32>
        %add3A_269 = arith.constant 66 : i32
        %add3A_270 = arith.addi %add3A_194, %add3A_269 : i32
        %swap3A_271 = arith.constant 0 : i32
        %swap3A_272 = arith.index_cast %swap3A_271 : i32 to index
        %swap3A_273 = arith.index_cast %add3A_270 : i32 to index
        %swap3A_274 = tpu.vector_load %arg11[%swap3A_272, %swap3A_273] {strides = array<i32>} : memref<2x16384xf32, #tpu.memory_space<vmem>>, vector<1x16xf32>,
        %swap3A_275 = vector.shape_cast %swap3A_274 : vector<1x16xf32> to vector<16xf32>
        %swap3A_276 = vector.shape_cast %get3A_268 : vector<16xf32> to vector<1x16xf32>
        tpu.vector_store %arg11[%swap3A_272, %swap3A_273], %swap3A_276 {strides = array<i32>} : memref<2x16384xf32, #tpu.memory_space<vmem>>, vector<1x16xf32>,
        %get3A_277 = arith.constant 0 : i32
        %get3A_278 = arith.index_cast %get3A_277 : i32 to index
        %get3A_279 = arith.index_cast %add3A_190 : i32 to index
        %get3A_280 = arith.constant 34 : index
        %get3A_281 = tpu.vector_load %arg10[%get3A_278, %get3A_279, %get3A_280] {strides = array<i32>} : memref<2x128x64xf32, #tpu.memory_space<vmem>>, vector<1x1x16xf32>,
        %get3A_282 = vector.shape_cast %get3A_281 : vector<1x1x16xf32> to vector<16xf32>
        %add3A_283 = arith.constant 82 : i32
        %add3A_284 = arith.addi %add3A_194, %add3A_283 : i32
        %swap3A_285 = arith.constant 0 : i32
        %swap3A_286 = arith.index_cast %swap3A_285 : i32 to index
        %swap3A_287 = arith.index_cast %add3A_284 : i32 to index
        %swap3A_288 = tpu.vector_load %arg11[%swap3A_286, %swap3A_287] {strides = array<i32>} : memref<2x16384xf32, #tpu.memory_space<vmem>>, vector<1x16xf32>,
        %swap3A_289 = vector.shape_cast %swap3A_288 : vector<1x16xf32> to vector<16xf32>
        %swap3A_290 = vector.shape_cast %get3A_282 : vector<16xf32> to vector<1x16xf32>
        tpu.vector_store %arg11[%swap3A_286, %swap3A_287], %swap3A_290 {strides = array<i32>} : memref<2x16384xf32, #tpu.memory_space<vmem>>, vector<1x16xf32>,
        %get3A_291 = arith.constant 0 : i32
        %get3A_292 = arith.index_cast %get3A_291 : i32 to index
        %get3A_293 = arith.index_cast %add3A_190 : i32 to index
        %get3A_294 = arith.constant 36 : index
        %get3A_295 = tpu.vector_load %arg10[%get3A_292, %get3A_293, %get3A_294] {strides = array<i32>} : memref<2x128x64xf32, #tpu.memory_space<vmem>>, vector<1x1x16xf32>,
        %get3A_296 = vector.shape_cast %get3A_295 : vector<1x1x16xf32> to vector<16xf32>
        %add3A_297 = arith.constant 84 : i32
        %add3A_298 = arith.addi %add3A_194, %add3A_297 : i32
        %swap3A_299 = arith.constant 0 : i32
        %swap3A_300 = arith.index_cast %swap3A_299 : i32 to index
        %swap3A_301 = arith.index_cast %add3A_298 : i32 to index
        %swap3A_302 = tpu.vector_load %arg11[%swap3A_300, %swap3A_301] {strides = array<i32>} : memref<2x16384xf32, #tpu.memory_space<vmem>>, vector<1x16xf32>,
        %swap3A_303 = vector.shape_cast %swap3A_302 : vector<1x16xf32> to vector<16xf32>
        %swap3A_304 = vector.shape_cast %get3A_296 : vector<16xf32> to vector<1x16xf32>
        tpu.vector_store %arg11[%swap3A_300, %swap3A_301], %swap3A_304 {strides = array<i32>} : memref<2x16384xf32, #tpu.memory_space<vmem>>, vector<1x16xf32>,
        %mul3A_305 = arith.constant 8 : i32
        %mul3A_306 = arith.muli %scan3A_186, %mul3A_305 : i32
        %add3A_307 = arith.constant 1 : i32
        %add3A_308 = arith.addi %mul3A_306, %add3A_307 : i32
        %mul3A_309 = arith.constant 1024 : i32
        %mul3A_310 = arith.muli %scan3A_186, %mul3A_309 : i32
        %add3A_311 = arith.constant 128 : i32
        %add3A_312 = arith.addi %mul3A_310, %add3A_311 : i32
        %get3A_313 = arith.constant 0 : i32
        %get3A_314 = arith.index_cast %get3A_313 : i32 to index
        %get3A_315 = arith.index_cast %add3A_308 : i32 to index
        %get3A_316 = arith.constant 0 : index
        %get3A_317 = tpu.vector_load %arg9[%get3A_314, %get3A_315, %get3A_316] {strides = array<i32>} : memref<2x128x64xf32, #tpu.memory_space<vmem>>, vector<1x1x16xf32>,
        %get3A_318 = vector.shape_cast %get3A_317 : vector<1x1x16xf32> to vector<16xf32>
        %add3A_319 = arith.constant 0 : i32
        %add3A_320 = arith.addi %add3A_312, %add3A_319 : i32
        %swap3A_321 = arith.constant 0 : i32
        %swap3A_322 = arith.index_cast %swap3A_321 : i32 to index
        %swap3A_323 = arith.index_cast %add3A_320 : i32 to index
        %swap3A_324 = tpu.vector_load %arg11[%swap3A_322, %swap3A_323] {strides = array<i32>} : memref<2x16384xf32, #tpu.memory_space<vmem>>, vector<1x16xf32>,
        %swap3A_325 = vector.shape_cast %swap3A_324 : vector<1x16xf32> to vector<16xf32>
        %swap3A_326 = vector.shape_cast %get3A_318 : vector<16xf32> to vector<1x16xf32>
        tpu.vector_store %arg11[%swap3A_322, %swap3A_323], %swap3A_326 {strides = array<i32>} : memref<2x16384xf32, #tpu.memory_space<vmem>>, vector<1x16xf32>,
        %get3A_327 = arith.constant 0 : i32
        %get3A_328 = arith.index_cast %get3A_327 : i32 to index
        %get3A_329 = arith.index_cast %add3A_308 : i32 to index
        %get3A_330 = arith.constant 16 : index
        %get3A_331 = tpu.vector_load %arg9[%get3A_328, %get3A_329, %get3A_330] {strides = array<i32>} : memref<2x128x64xf32, #tpu.memory_space<vmem>>, vector<1x1x16xf32>,
        %get3A_332 = vector.shape_cast %get3A_331 : vector<1x1x16xf32> to vector<16xf32>
        %add3A_333 = arith.constant 16 : i32
        %add3A_334 = arith.addi %add3A_312, %add3A_333 : i32
        %swap3A_335 = arith.constant 0 : i32
        %swap3A_336 = arith.index_cast %swap3A_335 : i32 to index
        %swap3A_337 = arith.index_cast %add3A_334 : i32 to index
        %swap3A_338 = tpu.vector_load %arg11[%swap3A_336, %swap3A_337] {strides = array<i32>} : memref<2x16384xf32, #tpu.memory_space<vmem>>, vector<1x16xf32>,
        %swap3A_339 = vector.shape_cast %swap3A_338 : vector<1x16xf32> to vector<16xf32>
        %swap3A_340 = vector.shape_cast %get3A_332 : vector<16xf32> to vector<1x16xf32>
        tpu.vector_store %arg11[%swap3A_336, %swap3A_337], %swap3A_340 {strides = array<i32>} : memref<2x16384xf32, #tpu.memory_space<vmem>>, vector<1x16xf32>,
        %get3A_341 = arith.constant 0 : i32
        %get3A_342 = arith.index_cast %get3A_341 : i32 to index
        %get3A_343 = arith.index_cast %add3A_308 : i32 to index
        %get3A_344 = arith.constant 32 : index
        %get3A_345 = tpu.vector_load %arg9[%get3A_342, %get3A_343, %get3A_344] {strides = array<i32>} : memref<2x128x64xf32, #tpu.memory_space<vmem>>, vector<1x1x16xf32>,
        %get3A_346 = vector.shape_cast %get3A_345 : vector<1x1x16xf32> to vector<16xf32>
        %add3A_347 = arith.constant 32 : i32
        %add3A_348 = arith.addi %add3A_312, %add3A_347 : i32
        %swap3A_349 = arith.constant 0 : i32
        %swap3A_350 = arith.index_cast %swap3A_349 : i32 to index
        %swap3A_351 = arith.index_cast %add3A_348 : i32 to index
        %swap3A_352 = tpu.vector_load %arg11[%swap3A_350, %swap3A_351] {strides = array<i32>} : memref<2x16384xf32, #tpu.memory_space<vmem>>, vector<1x16xf32>,
        %swap3A_353 = vector.shape_cast %swap3A_352 : vector<1x16xf32> to vector<16xf32>
        %swap3A_354 = vector.shape_cast %get3A_346 : vector<16xf32> to vector<1x16xf32>
        tpu.vector_store %arg11[%swap3A_350, %swap3A_351], %swap3A_354 {strides = array<i32>} : memref<2x16384xf32, #tpu.memory_space<vmem>>, vector<1x16xf32>,
        %get3A_355 = arith.constant 0 : i32
        %get3A_356 = arith.index_cast %get3A_355 : i32 to index
        %get3A_357 = arith.index_cast %add3A_308 : i32 to index
        %get3A_358 = arith.constant 34 : index
        %get3A_359 = tpu.vector_load %arg9[%get3A_356, %get3A_357, %get3A_358] {strides = array<i32>} : memref<2x128x64xf32, #tpu.memory_space<vmem>>, vector<1x1x16xf32>,
        %get3A_360 = vector.shape_cast %get3A_359 : vector<1x1x16xf32> to vector<16xf32>
        %add3A_361 = arith.constant 34 : i32
        %add3A_362 = arith.addi %add3A_312, %add3A_361 : i32
        %swap3A_363 = arith.constant 0 : i32
        %swap3A_364 = arith.index_cast %swap3A_363 : i32 to index
        %swap3A_365 = arith.index_cast %add3A_362 : i32 to index
        %swap3A_366 = tpu.vector_load %arg11[%swap3A_364, %swap3A_365] {strides = array<i32>} : memref<2x16384xf32, #tpu.memory_space<vmem>>, vector<1x16xf32>,
        %swap3A_367 = vector.shape_cast %swap3A_366 : vector<1x16xf32> to vector<16xf32>
        %swap3A_368 = vector.shape_cast %get3A_360 : vector<16xf32> to vector<1x16xf32>
        tpu.vector_store %arg11[%swap3A_364, %swap3A_365], %swap3A_368 {strides = array<i32>} : memref<2x16384xf32, #tpu.memory_space<vmem>>, vector<1x16xf32>,
        %get3A_369 = arith.constant 0 : i32
        %get3A_370 = arith.index_cast %get3A_369 : i32 to index
        %get3A_371 = arith.index_cast %add3A_308 : i32 to index
        %get3A_372 = arith.constant 2 : index
        %get3A_373 = tpu.vector_load %arg10[%get3A_370, %get3A_371, %get3A_372] {strides = array<i32>} : memref<2x128x64xf32, #tpu.memory_space<vmem>>, vector<1x1x16xf32>,
        %get3A_374 = vector.shape_cast %get3A_373 : vector<1x1x16xf32> to vector<16xf32>
        %add3A_375 = arith.constant 50 : i32
        %add3A_376 = arith.addi %add3A_312, %add3A_375 : i32
        %swap3A_377 = arith.constant 0 : i32
        %swap3A_378 = arith.index_cast %swap3A_377 : i32 to index
        %swap3A_379 = arith.index_cast %add3A_376 : i32 to index
        %swap3A_380 = tpu.vector_load %arg11[%swap3A_378, %swap3A_379] {strides = array<i32>} : memref<2x16384xf32, #tpu.memory_space<vmem>>, vector<1x16xf32>,
        %swap3A_381 = vector.shape_cast %swap3A_380 : vector<1x16xf32> to vector<16xf32>
        %swap3A_382 = vector.shape_cast %get3A_374 : vector<16xf32> to vector<1x16xf32>
        tpu.vector_store %arg11[%swap3A_378, %swap3A_379], %swap3A_382 {strides = array<i32>} : memref<2x16384xf32, #tpu.memory_space<vmem>>, vector<1x16xf32>,
        %get3A_383 = arith.constant 0 : i32
        %get3A_384 = arith.index_cast %get3A_383 : i32 to index
        %get3A_385 = arith.index_cast %add3A_308 : i32 to index
        %get3A_386 = arith.constant 18 : index
        %get3A_387 = tpu.vector_load %arg10[%get3A_384, %get3A_385, %get3A_386] {strides = array<i32>} : memref<2x128x64xf32, #tpu.memory_space<vmem>>, vector<1x1x16xf32>,
        %get3A_388 = vector.shape_cast %get3A_387 : vector<1x1x16xf32> to vector<16xf32>
        %add3A_389 = arith.constant 66 : i32
        %add3A_390 = arith.addi %add3A_312, %add3A_389 : i32
        %swap3A_391 = arith.constant 0 : i32
        %swap3A_392 = arith.index_cast %swap3A_391 : i32 to index
        %swap3A_393 = arith.index_cast %add3A_390 : i32 to index
        %swap3A_394 = tpu.vector_load %arg11[%swap3A_392, %swap3A_393] {strides = array<i32>} : memref<2x16384xf32, #tpu.memory_space<vmem>>, vector<1x16xf32>,
        %swap3A_395 = vector.shape_cast %swap3A_394 : vector<1x16xf32> to vector<16xf32>
        %swap3A_396 = vector.shape_cast %get3A_388 : vector<16xf32> to vector<1x16xf32>
        tpu.vector_store %arg11[%swap3A_392, %swap3A_393], %swap3A_396 {strides = array<i32>} : memref<2x16384xf32, #tpu.memory_space<vmem>>, vector<1x16xf32>,
        %get3A_397 = arith.constant 0 : i32
        %get3A_398 = arith.index_cast %get3A_397 : i32 to index
        %get3A_399 = arith.index_cast %add3A_308 : i32 to index
        %get3A_400 = arith.constant 34 : index
        %get3A_401 = tpu.vector_load %arg10[%get3A_398, %get3A_399, %get3A_400] {strides = array<i32>} : memref<2x128x64xf32, #tpu.memory_space<vmem>>, vector<1x1x16xf32>,
        %get3A_402 = vector.shape_cast %get3A_401 : vector<1x1x16xf32> to vector<16xf32>
        %add3A_403 = arith.constant 82 : i32
        %add3A_404 = arith.addi %add3A_312, %add3A_403 : i32
        %swap3A_405 = arith.constant 0 : i32
        %swap3A_406 = arith.index_cast %swap3A_405 : i32 to index
        %swap3A_407 = arith.index_cast %add3A_404 : i32 to index
        %swap3A_408 = tpu.vector_load %arg11[%swap3A_406, %swap3A_407] {strides = array<i32>} : memref<2x16384xf32, #tpu.memory_space<vmem>>, vector<1x16xf32>,
        %swap3A_409 = vector.shape_cast %swap3A_408 : vector<1x16xf32> to vector<16xf32>
        %swap3A_410 = vector.shape_cast %get3A_402 : vector<16xf32> to vector<1x16xf32>
        tpu.vector_store %arg11[%swap3A_406, %swap3A_407], %swap3A_410 {strides = array<i32>} : memref<2x16384xf32, #tpu.memory_space<vmem>>, vector<1x16xf32>,
        %get3A_411 = arith.constant 0 : i32
        %get3A_412 = arith.index_cast %get3A_411 : i32 to index
        %get3A_413 = arith.index_cast %add3A_308 : i32 to index
        %get3A_414 = arith.constant 36 : index
        %get3A_415 = tpu.vector_load %arg10[%get3A_412, %get3A_413, %get3A_414] {strides = array<i32>} : memref<2x128x64xf32, #tpu.memory_space<vmem>>, vector<1x1x16xf32>,
        %get3A_416 = vector.shape_cast %get3A_415 : vector<1x1x16xf32> to vector<16xf32>
        %add3A_417 = arith.constant 84 : i32
        %add3A_418 = arith.addi %add3A_312, %add3A_417 : i32
        %swap3A_419 = arith.constant 0 : i32
        %swap3A_420 = arith.index_cast %swap3A_419 : i32 to index
        %swap3A_421 = arith.index_cast %add3A_418 : i32 to index
        %swap3A_422 = tpu.vector_load %arg11[%swap3A_420, %swap3A_421] {strides = array<i32>} : memref<2x16384xf32, #tpu.memory_space<vmem>>, vector<1x16xf32>,
        %swap3A_423 = vector.shape_cast %swap3A_422 : vector<1x16xf32> to vector<16xf32>
        %swap3A_424 = vector.shape_cast %get3A_416 : vector<16xf32> to vector<1x16xf32>
        tpu.vector_store %arg11[%swap3A_420, %swap3A_421], %swap3A_424 {strides = array<i32>} : memref<2x16384xf32, #tpu.memory_space<vmem>>, vector<1x16xf32>,
        %mul3A_425 = arith.constant 8 : i32
        %mul3A_426 = arith.muli %scan3A_186, %mul3A_425 : i32
        %add3A_427 = arith.constant 2 : i32
        %add3A_428 = arith.addi %mul3A_426, %add3A_427 : i32
        %mul3A_429 = arith.constant 1024 : i32
        %mul3A_430 = arith.muli %scan3A_186, %mul3A_429 : i32
        %add3A_431 = arith.constant 256 : i32
        %add3A_432 = arith.addi %mul3A_430, %add3A_431 : i32
        %get3A_433 = arith.constant 0 : i32
        %get3A_434 = arith.index_cast %get3A_433 : i32 to index
        %get3A_435 = arith.index_cast %add3A_428 : i32 to index
        %get3A_436 = arith.constant 0 : index
        %get3A_437 = tpu.vector_load %arg9[%get3A_434, %get3A_435, %get3A_436] {strides = array<i32>} : memref<2x128x64xf32, #tpu.memory_space<vmem>>, vector<1x1x16xf32>,
        %get3A_438 = vector.shape_cast %get3A_437 : vector<1x1x16xf32> to vector<16xf32>
        %add3A_439 = arith.constant 0 : i32
        %add3A_440 = arith.addi %add3A_432, %add3A_439 : i32
        %swap3A_441 = arith.constant 0 : i32
        %swap3A_442 = arith.index_cast %swap3A_441 : i32 to index
        %swap3A_443 = arith.index_cast %add3A_440 : i32 to index
        %swap3A_444 = tpu.vector_load %arg11[%swap3A_442, %swap3A_443] {strides = array<i32>} : memref<2x16384xf32, #tpu.memory_space<vmem>>, vector<1x16xf32>,
        %swap3A_445 = vector.shape_cast %swap3A_444 : vector<1x16xf32> to vector<16xf32>
        %swap3A_446 = vector.shape_cast %get3A_438 : vector<16xf32> to vector<1x16xf32>
        tpu.vector_store %arg11[%swap3A_442, %swap3A_443], %swap3A_446 {strides = array<i32>} : memref<2x16384xf32, #tpu.memory_space<vmem>>, vector<1x16xf32>,
        %get3A_447 = arith.constant 0 : i32
        %get3A_448 = arith.index_cast %get3A_447 : i32 to index
        %get3A_449 = arith.index_cast %add3A_428 : i32 to index
        %get3A_450 = arith.constant 16 : index
        %get3A_451 = tpu.vector_load %arg9[%get3A_448, %get3A_449, %get3A_450] {strides = array<i32>} : memref<2x128x64xf32, #tpu.memory_space<vmem>>, vector<1x1x16xf32>,
        %get3A_452 = vector.shape_cast %get3A_451 : vector<1x1x16xf32> to vector<16xf32>
        %add3A_453 = arith.constant 16 : i32
        %add3A_454 = arith.addi %add3A_432, %add3A_453 : i32
        %swap3A_455 = arith.constant 0 : i32
        %swap3A_456 = arith.index_cast %swap3A_455 : i32 to index
        %swap3A_457 = arith.index_cast %add3A_454 : i32 to index
        %swap3A_458 = tpu.vector_load %arg11[%swap3A_456, %swap3A_457] {strides = array<i32>} : memref<2x16384xf32, #tpu.memory_space<vmem>>, vector<1x16xf32>,
        %swap3A_459 = vector.shape_cast %swap3A_458 : vector<1x16xf32> to vector<16xf32>
        %swap3A_460 = vector.shape_cast %get3A_452 : vector<16xf32> to vector<1x16xf32>
        tpu.vector_store %arg11[%swap3A_456, %swap3A_457], %swap3A_460 {strides = array<i32>} : memref<2x16384xf32, #tpu.memory_space<vmem>>, vector<1x16xf32>,
        %get3A_461 = arith.constant 0 : i32
        %get3A_462 = arith.index_cast %get3A_461 : i32 to index
        %get3A_463 = arith.index_cast %add3A_428 : i32 to index
        %get3A_464 = arith.constant 32 : index
        %get3A_465 = tpu.vector_load %arg9[%get3A_462, %get3A_463, %get3A_464] {strides = array<i32>} : memref<2x128x64xf32, #tpu.memory_space<vmem>>, vector<1x1x16xf32>,
        %get3A_466 = vector.shape_cast %get3A_465 : vector<1x1x16xf32> to vector<16xf32>
        %add3A_467 = arith.constant 32 : i32
        %add3A_468 = arith.addi %add3A_432, %add3A_467 : i32
        %swap3A_469 = arith.constant 0 : i32
        %swap3A_470 = arith.index_cast %swap3A_469 : i32 to index
        %swap3A_471 = arith.index_cast %add3A_468 : i32 to index
        %swap3A_472 = tpu.vector_load %arg11[%swap3A_470, %swap3A_471] {strides = array<i32>} : memref<2x16384xf32, #tpu.memory_space<vmem>>, vector<1x16xf32>,
        %swap3A_473 = vector.shape_cast %swap3A_472 : vector<1x16xf32> to vector<16xf32>
        %swap3A_474 = vector.shape_cast %get3A_466 : vector<16xf32> to vector<1x16xf32>
        tpu.vector_store %arg11[%swap3A_470, %swap3A_471], %swap3A_474 {strides = array<i32>} : memref<2x16384xf32, #tpu.memory_space<vmem>>, vector<1x16xf32>,
        %get3A_475 = arith.constant 0 : i32
        %get3A_476 = arith.index_cast %get3A_475 : i32 to index
        %get3A_477 = arith.index_cast %add3A_428 : i32 to index
        %get3A_478 = arith.constant 34 : index
        %get3A_479 = tpu.vector_load %arg9[%get3A_476, %get3A_477, %get3A_478] {strides = array<i32>} : memref<2x128x64xf32, #tpu.memory_space<vmem>>, vector<1x1x16xf32>,
        %get3A_480 = vector.shape_cast %get3A_479 : vector<1x1x16xf32> to vector<16xf32>
        %add3A_481 = arith.constant 34 : i32
        %add3A_482 = arith.addi %add3A_432, %add3A_481 : i32
        %swap3A_483 = arith.constant 0 : i32
        %swap3A_484 = arith.index_cast %swap3A_483 : i32 to index
        %swap3A_485 = arith.index_cast %add3A_482 : i32 to index
        %swap3A_486 = tpu.vector_load %arg11[%swap3A_484, %swap3A_485] {strides = array<i32>} : memref<2x16384xf32, #tpu.memory_space<vmem>>, vector<1x16xf32>,
        %swap3A_487 = vector.shape_cast %swap3A_486 : vector<1x16xf32> to vector<16xf32>
        %swap3A_488 = vector.shape_cast %get3A_480 : vector<16xf32> to vector<1x16xf32>
        tpu.vector_store %arg11[%swap3A_484, %swap3A_485], %swap3A_488 {strides = array<i32>} : memref<2x16384xf32, #tpu.memory_space<vmem>>, vector<1x16xf32>,
        %get3A_489 = arith.constant 0 : i32
        %get3A_490 = arith.index_cast %get3A_489 : i32 to index
        %get3A_491 = arith.index_cast %add3A_428 : i32 to index
        %get3A_492 = arith.constant 2 : index
        %get3A_493 = tpu.vector_load %arg10[%get3A_490, %get3A_491, %get3A_492] {strides = array<i32>} : memref<2x128x64xf32, #tpu.memory_space<vmem>>, vector<1x1x16xf32>,
        %get3A_494 = vector.shape_cast %get3A_493 : vector<1x1x16xf32> to vector<16xf32>
        %add3A_495 = arith.constant 50 : i32
        %add3A_496 = arith.addi %add3A_432, %add3A_495 : i32
        %swap3A_497 = arith.constant 0 : i32
        %swap3A_498 = arith.index_cast %swap3A_497 : i32 to index
        %swap3A_499 = arith.index_cast %add3A_496 : i32 to index
        %swap3A_500 = tpu.vector_load %arg11[%swap3A_498, %swap3A_499] {strides = array<i32>} : memref<2x16384xf32, #tpu.memory_space<vmem>>, vector<1x16xf32>,
        %swap3A_501 = vector.shape_cast %swap3A_500 : vector<1x16xf32> to vector<16xf32>
        %swap3A_502 = vector.shape_cast %get3A_494 : vector<16xf32> to vector<1x16xf32>
        tpu.vector_store %arg11[%swap3A_498, %swap3A_499], %swap3A_502 {strides = array<i32>} : memref<2x16384xf32, #tpu.memory_space<vmem>>, vector<1x16xf32>,
        %get3A_503 = arith.constant 0 : i32
        %get3A_504 = arith.index_cast %get3A_503 : i32 to index
        %get3A_505 = arith.index_cast %add3A_428 : i32 to index
        %get3A_506 = arith.constant 18 : index
        %get3A_507 = tpu.vector_load %arg10[%get3A_504, %get3A_505, %get3A_506] {strides = array<i32>} : memref<2x128x64xf32, #tpu.memory_space<vmem>>, vector<1x1x16xf32>,
        %get3A_508 = vector.shape_cast %get3A_507 : vector<1x1x16xf32> to vector<16xf32>
        %add3A_509 = arith.constant 66 : i32
        %add3A_510 = arith.addi %add3A_432, %add3A_509 : i32
        %swap3A_511 = arith.constant 0 : i32
        %swap3A_512 = arith.index_cast %swap3A_511 : i32 to index
        %swap3A_513 = arith.index_cast %add3A_510 : i32 to index
        %swap3A_514 = tpu.vector_load %arg11[%swap3A_512, %swap3A_513] {strides = array<i32>} : memref<2x16384xf32, #tpu.memory_space<vmem>>, vector<1x16xf32>,
        %swap3A_515 = vector.shape_cast %swap3A_514 : vector<1x16xf32> to vector<16xf32>
        %swap3A_516 = vector.shape_cast %get3A_508 : vector<16xf32> to vector<1x16xf32>
        tpu.vector_store %arg11[%swap3A_512, %swap3A_513], %swap3A_516 {strides = array<i32>} : memref<2x16384xf32, #tpu.memory_space<vmem>>, vector<1x16xf32>,
        %get3A_517 = arith.constant 0 : i32
        %get3A_518 = arith.index_cast %get3A_517 : i32 to index
        %get3A_519 = arith.index_cast %add3A_428 : i32 to index
        %get3A_520 = arith.constant 34 : index
        %get3A_521 = tpu.vector_load %arg10[%get3A_518, %get3A_519, %get3A_520] {strides = array<i32>} : memref<2x128x64xf32, #tpu.memory_space<vmem>>, vector<1x1x16xf32>,
        %get3A_522 = vector.shape_cast %get3A_521 : vector<1x1x16xf32> to vector<16xf32>
        %add3A_523 = arith.constant 82 : i32
        %add3A_524 = arith.addi %add3A_432, %add3A_523 : i32
        %swap3A_525 = arith.constant 0 : i32
        %swap3A_526 = arith.index_cast %swap3A_525 : i32 to index
        %swap3A_527 = arith.index_cast %add3A_524 : i32 to index
        %swap3A_528 = tpu.vector_load %arg11[%swap3A_526, %swap3A_527] {strides = array<i32>} : memref<2x16384xf32, #tpu.memory_space<vmem>>, vector<1x16xf32>,
        %swap3A_529 = vector.shape_cast %swap3A_528 : vector<1x16xf32> to vector<16xf32>
        %swap3A_530 = vector.shape_cast %get3A_522 : vector<16xf32> to vector<1x16xf32>
        tpu.vector_store %arg11[%swap3A_526, %swap3A_527], %swap3A_530 {strides = array<i32>} : memref<2x16384xf32, #tpu.memory_space<vmem>>, vector<1x16xf32>,
        %get3A_531 = arith.constant 0 : i32
        %get3A_532 = arith.index_cast %get3A_531 : i32 to index
        %get3A_533 = arith.index_cast %add3A_428 : i32 to index
        %get3A_534 = arith.constant 36 : index
        %get3A_535 = tpu.vector_load %arg10[%get3A_532, %get3A_533, %get3A_534] {strides = array<i32>} : memref<2x128x64xf32, #tpu.memory_space<vmem>>, vector<1x1x16xf32>,
        %get3A_536 = vector.shape_cast %get3A_535 : vector<1x1x16xf32> to vector<16xf32>
        %add3A_537 = arith.constant 84 : i32
        %add3A_538 = arith.addi %add3A_432, %add3A_537 : i32
        %swap3A_539 = arith.constant 0 : i32
        %swap3A_540 = arith.index_cast %swap3A_539 : i32 to index
        %swap3A_541 = arith.index_cast %add3A_538 : i32 to index
        %swap3A_542 = tpu.vector_load %arg11[%swap3A_540, %swap3A_541] {strides = array<i32>} : memref<2x16384xf32, #tpu.memory_space<vmem>>, vector<1x16xf32>,
        %swap3A_543 = vector.shape_cast %swap3A_542 : vector<1x16xf32> to vector<16xf32>
        %swap3A_544 = vector.shape_cast %get3A_536 : vector<16xf32> to vector<1x16xf32>
        tpu.vector_store %arg11[%swap3A_540, %swap3A_541], %swap3A_544 {strides = array<i32>} : memref<2x16384xf32, #tpu.memory_space<vmem>>, vector<1x16xf32>,
        %mul3A_545 = arith.constant 8 : i32
        %mul3A_546 = arith.muli %scan3A_186, %mul3A_545 : i32
        %add3A_547 = arith.constant 3 : i32
        %add3A_548 = arith.addi %mul3A_546, %add3A_547 : i32
        %mul3A_549 = arith.constant 1024 : i32
        %mul3A_550 = arith.muli %scan3A_186, %mul3A_549 : i32
        %add3A_551 = arith.constant 384 : i32
        %add3A_552 = arith.addi %mul3A_550, %add3A_551 : i32
        %get3A_553 = arith.constant 0 : i32
        %get3A_554 = arith.index_cast %get3A_553 : i32 to index
        %get3A_555 = arith.index_cast %add3A_548 : i32 to index
        %get3A_556 = arith.constant 0 : index
        %get3A_557 = tpu.vector_load %arg9[%get3A_554, %get3A_555, %get3A_556] {strides = array<i32>} : memref<2x128x64xf32, #tpu.memory_space<vmem>>, vector<1x1x16xf32>,
        %get3A_558 = vector.shape_cast %get3A_557 : vector<1x1x16xf32> to vector<16xf32>
        %add3A_559 = arith.constant 0 : i32
        %add3A_560 = arith.addi %add3A_552, %add3A_559 : i32
        %swap3A_561 = arith.constant 0 : i32
        %swap3A_562 = arith.index_cast %swap3A_561 : i32 to index
        %swap3A_563 = arith.index_cast %add3A_560 : i32 to index
        %swap3A_564 = tpu.vector_load %arg11[%swap3A_562, %swap3A_563] {strides = array<i32>} : memref<2x16384xf32, #tpu.memory_space<vmem>>, vector<1x16xf32>,
        %swap3A_565 = vector.shape_cast %swap3A_564 : vector<1x16xf32> to vector<16xf32>
        %swap3A_566 = vector.shape_cast %get3A_558 : vector<16xf32> to vector<1x16xf32>
        tpu.vector_store %arg11[%swap3A_562, %swap3A_563], %swap3A_566 {strides = array<i32>} : memref<2x16384xf32, #tpu.memory_space<vmem>>, vector<1x16xf32>,
        %get3A_567 = arith.constant 0 : i32
        %get3A_568 = arith.index_cast %get3A_567 : i32 to index
        %get3A_569 = arith.index_cast %add3A_548 : i32 to index
        %get3A_570 = arith.constant 16 : index
        %get3A_571 = tpu.vector_load %arg9[%get3A_568, %get3A_569, %get3A_570] {strides = array<i32>} : memref<2x128x64xf32, #tpu.memory_space<vmem>>, vector<1x1x16xf32>,
        %get3A_572 = vector.shape_cast %get3A_571 : vector<1x1x16xf32> to vector<16xf32>
        %add3A_573 = arith.constant 16 : i32
        %add3A_574 = arith.addi %add3A_552, %add3A_573 : i32
        %swap3A_575 = arith.constant 0 : i32
        %swap3A_576 = arith.index_cast %swap3A_575 : i32 to index
        %swap3A_577 = arith.index_cast %add3A_574 : i32 to index
        %swap3A_578 = tpu.vector_load %arg11[%swap3A_576, %swap3A_577] {strides = array<i32>} : memref<2x16384xf32, #tpu.memory_space<vmem>>, vector<1x16xf32>,
        %swap3A_579 = vector.shape_cast %swap3A_578 : vector<1x16xf32> to vector<16xf32>
        %swap3A_580 = vector.shape_cast %get3A_572 : vector<16xf32> to vector<1x16xf32>
        tpu.vector_store %arg11[%swap3A_576, %swap3A_577], %swap3A_580 {strides = array<i32>} : memref<2x16384xf32, #tpu.memory_space<vmem>>, vector<1x16xf32>,
        %get3A_581 = arith.constant 0 : i32
        %get3A_582 = arith.index_cast %get3A_581 : i32 to index
        %get3A_583 = arith.index_cast %add3A_548 : i32 to index
        %get3A_584 = arith.constant 32 : index
        %get3A_585 = tpu.vector_load %arg9[%get3A_582, %get3A_583, %get3A_584] {strides = array<i32>} : memref<2x128x64xf32, #tpu.memory_space<vmem>>, vector<1x1x16xf32>,
        %get3A_586 = vector.shape_cast %get3A_585 : vector<1x1x16xf32> to vector<16xf32>
        %add3A_587 = arith.constant 32 : i32
        %add3A_588 = arith.addi %add3A_552, %add3A_587 : i32
        %swap3A_589 = arith.constant 0 : i32
        %swap3A_590 = arith.index_cast %swap3A_589 : i32 to index
        %swap3A_591 = arith.index_cast %add3A_588 : i32 to index
        %swap3A_592 = tpu.vector_load %arg11[%swap3A_590, %swap3A_591] {strides = array<i32>} : memref<2x16384xf32, #tpu.memory_space<vmem>>, vector<1x16xf32>,
        %swap3A_593 = vector.shape_cast %swap3A_592 : vector<1x16xf32> to vector<16xf32>
        %swap3A_594 = vector.shape_cast %get3A_586 : vector<16xf32> to vector<1x16xf32>
        tpu.vector_store %arg11[%swap3A_590, %swap3A_591], %swap3A_594 {strides = array<i32>} : memref<2x16384xf32, #tpu.memory_space<vmem>>, vector<1x16xf32>,
        %get3A_595 = arith.constant 0 : i32
        %get3A_596 = arith.index_cast %get3A_595 : i32 to index
        %get3A_597 = arith.index_cast %add3A_548 : i32 to index
        %get3A_598 = arith.constant 34 : index
        %get3A_599 = tpu.vector_load %arg9[%get3A_596, %get3A_597, %get3A_598] {strides = array<i32>} : memref<2x128x64xf32, #tpu.memory_space<vmem>>, vector<1x1x16xf32>,
        %get3A_600 = vector.shape_cast %get3A_599 : vector<1x1x16xf32> to vector<16xf32>
        %add3A_601 = arith.constant 34 : i32
        %add3A_602 = arith.addi %add3A_552, %add3A_601 : i32
        %swap3A_603 = arith.constant 0 : i32
        %swap3A_604 = arith.index_cast %swap3A_603 : i32 to index
        %swap3A_605 = arith.index_cast %add3A_602 : i32 to index
        %swap3A_606 = tpu.vector_load %arg11[%swap3A_604, %swap3A_605] {strides = array<i32>} : memref<2x16384xf32, #tpu.memory_space<vmem>>, vector<1x16xf32>,
        %swap3A_607 = vector.shape_cast %swap3A_606 : vector<1x16xf32> to vector<16xf32>
        %swap3A_608 = vector.shape_cast %get3A_600 : vector<16xf32> to vector<1x16xf32>
        tpu.vector_store %arg11[%swap3A_604, %swap3A_605], %swap3A_608 {strides = array<i32>} : memref<2x16384xf32, #tpu.memory_space<vmem>>, vector<1x16xf32>,
        %get3A_609 = arith.constant 0 : i32
        %get3A_610 = arith.index_cast %get3A_609 : i32 to index
        %get3A_611 = arith.index_cast %add3A_548 : i32 to index
        %get3A_612 = arith.constant 2 : index
        %get3A_613 = tpu.vector_load %arg10[%get3A_610, %get3A_611, %get3A_612] {strides = array<i32>} : memref<2x128x64xf32, #tpu.memory_space<vmem>>, vector<1x1x16xf32>,
        %get3A_614 = vector.shape_cast %get3A_613 : vector<1x1x16xf32> to vector<16xf32>
        %add3A_615 = arith.constant 50 : i32
        %add3A_616 = arith.addi %add3A_552, %add3A_615 : i32
        %swap3A_617 = arith.constant 0 : i32
        %swap3A_618 = arith.index_cast %swap3A_617 : i32 to index
        %swap3A_619 = arith.index_cast %add3A_616 : i32 to index
        %swap3A_620 = tpu.vector_load %arg11[%swap3A_618, %swap3A_619] {strides = array<i32>} : memref<2x16384xf32, #tpu.memory_space<vmem>>, vector<1x16xf32>,
        %swap3A_621 = vector.shape_cast %swap3A_620 : vector<1x16xf32> to vector<16xf32>
        %swap3A_622 = vector.shape_cast %get3A_614 : vector<16xf32> to vector<1x16xf32>
        tpu.vector_store %arg11[%swap3A_618, %swap3A_619], %swap3A_622 {strides = array<i32>} : memref<2x16384xf32, #tpu.memory_space<vmem>>, vector<1x16xf32>,
        %get3A_623 = arith.constant 0 : i32
        %get3A_624 = arith.index_cast %get3A_623 : i32 to index
        %get3A_625 = arith.index_cast %add3A_548 : i32 to index
        %get3A_626 = arith.constant 18 : index
        %get3A_627 = tpu.vector_load %arg10[%get3A_624, %get3A_625, %get3A_626] {strides = array<i32>} : memref<2x128x64xf32, #tpu.memory_space<vmem>>, vector<1x1x16xf32>,
        %get3A_628 = vector.shape_cast %get3A_627 : vector<1x1x16xf32> to vector<16xf32>
        %add3A_629 = arith.constant 66 : i32
        %add3A_630 = arith.addi %add3A_552, %add3A_629 : i32
        %swap3A_631 = arith.constant 0 : i32
        %swap3A_632 = arith.index_cast %swap3A_631 : i32 to index
        %swap3A_633 = arith.index_cast %add3A_630 : i32 to index
        %swap3A_634 = tpu.vector_load %arg11[%swap3A_632, %swap3A_633] {strides = array<i32>} : memref<2x16384xf32, #tpu.memory_space<vmem>>, vector<1x16xf32>,
        %swap3A_635 = vector.shape_cast %swap3A_634 : vector<1x16xf32> to vector<16xf32>
        %swap3A_636 = vector.shape_cast %get3A_628 : vector<16xf32> to vector<1x16xf32>
        tpu.vector_store %arg11[%swap3A_632, %swap3A_633], %swap3A_636 {strides = array<i32>} : memref<2x16384xf32, #tpu.memory_space<vmem>>, vector<1x16xf32>,
        %get3A_637 = arith.constant 0 : i32
        %get3A_638 = arith.index_cast %get3A_637 : i32 to index
        %get3A_639 = arith.index_cast %add3A_548 : i32 to index
        %get3A_640 = arith.constant 34 : index
        %get3A_641 = tpu.vector_load %arg10[%get3A_638, %get3A_639, %get3A_640] {strides = array<i32>} : memref<2x128x64xf32, #tpu.memory_space<vmem>>, vector<1x1x16xf32>,
        %get3A_642 = vector.shape_cast %get3A_641 : vector<1x1x16xf32> to vector<16xf32>
        %add3A_643 = arith.constant 82 : i32
        %add3A_644 = arith.addi %add3A_552, %add3A_643 : i32
        %swap3A_645 = arith.constant 0 : i32
        %swap3A_646 = arith.index_cast %swap3A_645 : i32 to index
        %swap3A_647 = arith.index_cast %add3A_644 : i32 to index
        %swap3A_648 = tpu.vector_load %arg11[%swap3A_646, %swap3A_647] {strides = array<i32>} : memref<2x16384xf32, #tpu.memory_space<vmem>>, vector<1x16xf32>,
        %swap3A_649 = vector.shape_cast %swap3A_648 : vector<1x16xf32> to vector<16xf32>
        %swap3A_650 = vector.shape_cast %get3A_642 : vector<16xf32> to vector<1x16xf32>
        tpu.vector_store %arg11[%swap3A_646, %swap3A_647], %swap3A_650 {strides = array<i32>} : memref<2x16384xf32, #tpu.memory_space<vmem>>, vector<1x16xf32>,
        %get3A_651 = arith.constant 0 : i32
        %get3A_652 = arith.index_cast %get3A_651 : i32 to index
        %get3A_653 = arith.index_cast %add3A_548 : i32 to index
        %get3A_654 = arith.constant 36 : index
        %get3A_655 = tpu.vector_load %arg10[%get3A_652, %get3A_653, %get3A_654] {strides = array<i32>} : memref<2x128x64xf32, #tpu.memory_space<vmem>>, vector<1x1x16xf32>,
        %get3A_656 = vector.shape_cast %get3A_655 : vector<1x1x16xf32> to vector<16xf32>
        %add3A_657 = arith.constant 84 : i32
        %add3A_658 = arith.addi %add3A_552, %add3A_657 : i32
        %swap3A_659 = arith.constant 0 : i32
        %swap3A_660 = arith.index_cast %swap3A_659 : i32 to index
        %swap3A_661 = arith.index_cast %add3A_658 : i32 to index
        %swap3A_662 = tpu.vector_load %arg11[%swap3A_660, %swap3A_661] {strides = array<i32>} : memref<2x16384xf32, #tpu.memory_space<vmem>>, vector<1x16xf32>,
        %swap3A_663 = vector.shape_cast %swap3A_662 : vector<1x16xf32> to vector<16xf32>
        %swap3A_664 = vector.shape_cast %get3A_656 : vector<16xf32> to vector<1x16xf32>
        tpu.vector_store %arg11[%swap3A_660, %swap3A_661], %swap3A_664 {strides = array<i32>} : memref<2x16384xf32, #tpu.memory_space<vmem>>, vector<1x16xf32>,
        %mul3A_665 = arith.constant 8 : i32
        %mul3A_666 = arith.muli %scan3A_186, %mul3A_665 : i32
        %add3A_667 = arith.constant 4 : i32
        %add3A_668 = arith.addi %mul3A_666, %add3A_667 : i32
        %mul3A_669 = arith.constant 1024 : i32
        %mul3A_670 = arith.muli %scan3A_186, %mul3A_669 : i32
        %add3A_671 = arith.constant 512 : i32
        %add3A_672 = arith.addi %mul3A_670, %add3A_671 : i32
        %get3A_673 = arith.constant 0 : i32
        %get3A_674 = arith.index_cast %get3A_673 : i32 to index
        %get3A_675 = arith.index_cast %add3A_668 : i32 to index
        %get3A_676 = arith.constant 0 : index
        %get3A_677 = tpu.vector_load %arg9[%get3A_674, %get3A_675, %get3A_676] {strides = array<i32>} : memref<2x128x64xf32, #tpu.memory_space<vmem>>, vector<1x1x16xf32>,
        %get3A_678 = vector.shape_cast %get3A_677 : vector<1x1x16xf32> to vector<16xf32>
        %add3A_679 = arith.constant 0 : i32
        %add3A_680 = arith.addi %add3A_672, %add3A_679 : i32
        %swap3A_681 = arith.constant 0 : i32
        %swap3A_682 = arith.index_cast %swap3A_681 : i32 to index
        %swap3A_683 = arith.index_cast %add3A_680 : i32 to index
        %swap3A_684 = tpu.vector_load %arg11[%swap3A_682, %swap3A_683] {strides = array<i32>} : memref<2x16384xf32, #tpu.memory_space<vmem>>, vector<1x16xf32>,
        %swap3A_685 = vector.shape_cast %swap3A_684 : vector<1x16xf32> to vector<16xf32>
        %swap3A_686 = vector.shape_cast %get3A_678 : vector<16xf32> to vector<1x16xf32>
        tpu.vector_store %arg11[%swap3A_682, %swap3A_683], %swap3A_686 {strides = array<i32>} : memref<2x16384xf32, #tpu.memory_space<vmem>>, vector<1x16xf32>,
        %get3A_687 = arith.constant 0 : i32
        %get3A_688 = arith.index_cast %get3A_687 : i32 to index
        %get3A_689 = arith.index_cast %add3A_668 : i32 to index
        %get3A_690 = arith.constant 16 : index
        %get3A_691 = tpu.vector_load %arg9[%get3A_688, %get3A_689, %get3A_690] {strides = array<i32>} : memref<2x128x64xf32, #tpu.memory_space<vmem>>, vector<1x1x16xf32>,
        %get3A_692 = vector.shape_cast %get3A_691 : vector<1x1x16xf32> to vector<16xf32>
        %add3A_693 = arith.constant 16 : i32
        %add3A_694 = arith.addi %add3A_672, %add3A_693 : i32
        %swap3A_695 = arith.constant 0 : i32
        %swap3A_696 = arith.index_cast %swap3A_695 : i32 to index
        %swap3A_697 = arith.index_cast %add3A_694 : i32 to index
        %swap3A_698 = tpu.vector_load %arg11[%swap3A_696, %swap3A_697] {strides = array<i32>} : memref<2x16384xf32, #tpu.memory_space<vmem>>, vector<1x16xf32>,
        %swap3A_699 = vector.shape_cast %swap3A_698 : vector<1x16xf32> to vector<16xf32>
        %swap3A_700 = vector.shape_cast %get3A_692 : vector<16xf32> to vector<1x16xf32>
        tpu.vector_store %arg11[%swap3A_696, %swap3A_697], %swap3A_700 {strides = array<i32>} : memref<2x16384xf32, #tpu.memory_space<vmem>>, vector<1x16xf32>,
        %get3A_701 = arith.constant 0 : i32
        %get3A_702 = arith.index_cast %get3A_701 : i32 to index
        %get3A_703 = arith.index_cast %add3A_668 : i32 to index
        %get3A_704 = arith.constant 32 : index
        %get3A_705 = tpu.vector_load %arg9[%get3A_702, %get3A_703, %get3A_704] {strides = array<i32>} : memref<2x128x64xf32, #tpu.memory_space<vmem>>, vector<1x1x16xf32>,
        %get3A_706 = vector.shape_cast %get3A_705 : vector<1x1x16xf32> to vector<16xf32>
        %add3A_707 = arith.constant 32 : i32
        %add3A_708 = arith.addi %add3A_672, %add3A_707 : i32
        %swap3A_709 = arith.constant 0 : i32
        %swap3A_710 = arith.index_cast %swap3A_709 : i32 to index
        %swap3A_711 = arith.index_cast %add3A_708 : i32 to index
        %swap3A_712 = tpu.vector_load %arg11[%swap3A_710, %swap3A_711] {strides = array<i32>} : memref<2x16384xf32, #tpu.memory_space<vmem>>, vector<1x16xf32>,
        %swap3A_713 = vector.shape_cast %swap3A_712 : vector<1x16xf32> to vector<16xf32>
        %swap3A_714 = vector.shape_cast %get3A_706 : vector<16xf32> to vector<1x16xf32>
        tpu.vector_store %arg11[%swap3A_710, %swap3A_711], %swap3A_714 {strides = array<i32>} : memref<2x16384xf32, #tpu.memory_space<vmem>>, vector<1x16xf32>,
        %get3A_715 = arith.constant 0 : i32
        %get3A_716 = arith.index_cast %get3A_715 : i32 to index
        %get3A_717 = arith.index_cast %add3A_668 : i32 to index
        %get3A_718 = arith.constant 34 : index
        %get3A_719 = tpu.vector_load %arg9[%get3A_716, %get3A_717, %get3A_718] {strides = array<i32>} : memref<2x128x64xf32, #tpu.memory_space<vmem>>, vector<1x1x16xf32>,
        %get3A_720 = vector.shape_cast %get3A_719 : vector<1x1x16xf32> to vector<16xf32>
        %add3A_721 = arith.constant 34 : i32
        %add3A_722 = arith.addi %add3A_672, %add3A_721 : i32
        %swap3A_723 = arith.constant 0 : i32
        %swap3A_724 = arith.index_cast %swap3A_723 : i32 to index
        %swap3A_725 = arith.index_cast %add3A_722 : i32 to index
        %swap3A_726 = tpu.vector_load %arg11[%swap3A_724, %swap3A_725] {strides = array<i32>} : memref<2x16384xf32, #tpu.memory_space<vmem>>, vector<1x16xf32>,
        %swap3A_727 = vector.shape_cast %swap3A_726 : vector<1x16xf32> to vector<16xf32>
        %swap3A_728 = vector.shape_cast %get3A_720 : vector<16xf32> to vector<1x16xf32>
        tpu.vector_store %arg11[%swap3A_724, %swap3A_725], %swap3A_728 {strides = array<i32>} : memref<2x16384xf32, #tpu.memory_space<vmem>>, vector<1x16xf32>,
        %get3A_729 = arith.constant 0 : i32
        %get3A_730 = arith.index_cast %get3A_729 : i32 to index
        %get3A_731 = arith.index_cast %add3A_668 : i32 to index
        %get3A_732 = arith.constant 2 : index
        %get3A_733 = tpu.vector_load %arg10[%get3A_730, %get3A_731, %get3A_732] {strides = array<i32>} : memref<2x128x64xf32, #tpu.memory_space<vmem>>, vector<1x1x16xf32>,
        %get3A_734 = vector.shape_cast %get3A_733 : vector<1x1x16xf32> to vector<16xf32>
        %add3A_735 = arith.constant 50 : i32
        %add3A_736 = arith.addi %add3A_672, %add3A_735 : i32
        %swap3A_737 = arith.constant 0 : i32
        %swap3A_738 = arith.index_cast %swap3A_737 : i32 to index
        %swap3A_739 = arith.index_cast %add3A_736 : i32 to index
        %swap3A_740 = tpu.vector_load %arg11[%swap3A_738, %swap3A_739] {strides = array<i32>} : memref<2x16384xf32, #tpu.memory_space<vmem>>, vector<1x16xf32>,
        %swap3A_741 = vector.shape_cast %swap3A_740 : vector<1x16xf32> to vector<16xf32>
        %swap3A_742 = vector.shape_cast %get3A_734 : vector<16xf32> to vector<1x16xf32>
        tpu.vector_store %arg11[%swap3A_738, %swap3A_739], %swap3A_742 {strides = array<i32>} : memref<2x16384xf32, #tpu.memory_space<vmem>>, vector<1x16xf32>,
        %get3A_743 = arith.constant 0 : i32
        %get3A_744 = arith.index_cast %get3A_743 : i32 to index
        %get3A_745 = arith.index_cast %add3A_668 : i32 to index
        %get3A_746 = arith.constant 18 : index
        %get3A_747 = tpu.vector_load %arg10[%get3A_744, %get3A_745, %get3A_746] {strides = array<i32>} : memref<2x128x64xf32, #tpu.memory_space<vmem>>, vector<1x1x16xf32>,
        %get3A_748 = vector.shape_cast %get3A_747 : vector<1x1x16xf32> to vector<16xf32>
        %add3A_749 = arith.constant 66 : i32
        %add3A_750 = arith.addi %add3A_672, %add3A_749 : i32
        %swap3A_751 = arith.constant 0 : i32
        %swap3A_752 = arith.index_cast %swap3A_751 : i32 to index
        %swap3A_753 = arith.index_cast %add3A_750 : i32 to index
        %swap3A_754 = tpu.vector_load %arg11[%swap3A_752, %swap3A_753] {strides = array<i32>} : memref<2x16384xf32, #tpu.memory_space<vmem>>, vector<1x16xf32>,
        %swap3A_755 = vector.shape_cast %swap3A_754 : vector<1x16xf32> to vector<16xf32>
        %swap3A_756 = vector.shape_cast %get3A_748 : vector<16xf32> to vector<1x16xf32>
        tpu.vector_store %arg11[%swap3A_752, %swap3A_753], %swap3A_756 {strides = array<i32>} : memref<2x16384xf32, #tpu.memory_space<vmem>>, vector<1x16xf32>,
        %get3A_757 = arith.constant 0 : i32
        %get3A_758 = arith.index_cast %get3A_757 : i32 to index
        %get3A_759 = arith.index_cast %add3A_668 : i32 to index
        %get3A_760 = arith.constant 34 : index
        %get3A_761 = tpu.vector_load %arg10[%get3A_758, %get3A_759, %get3A_760] {strides = array<i32>} : memref<2x128x64xf32, #tpu.memory_space<vmem>>, vector<1x1x16xf32>,
        %get3A_762 = vector.shape_cast %get3A_761 : vector<1x1x16xf32> to vector<16xf32>
        %add3A_763 = arith.constant 82 : i32
        %add3A_764 = arith.addi %add3A_672, %add3A_763 : i32
        %swap3A_765 = arith.constant 0 : i32
        %swap3A_766 = arith.index_cast %swap3A_765 : i32 to index
        %swap3A_767 = arith.index_cast %add3A_764 : i32 to index
        %swap3A_768 = tpu.vector_load %arg11[%swap3A_766, %swap3A_767] {strides = array<i32>} : memref<2x16384xf32, #tpu.memory_space<vmem>>, vector<1x16xf32>,
        %swap3A_769 = vector.shape_cast %swap3A_768 : vector<1x16xf32> to vector<16xf32>
        %swap3A_770 = vector.shape_cast %get3A_762 : vector<16xf32> to vector<1x16xf32>
        tpu.vector_store %arg11[%swap3A_766, %swap3A_767], %swap3A_770 {strides = array<i32>} : memref<2x16384xf32, #tpu.memory_space<vmem>>, vector<1x16xf32>,
        %get3A_771 = arith.constant 0 : i32
        %get3A_772 = arith.index_cast %get3A_771 : i32 to index
        %get3A_773 = arith.index_cast %add3A_668 : i32 to index
        %get3A_774 = arith.constant 36 : index
        %get3A_775 = tpu.vector_load %arg10[%get3A_772, %get3A_773, %get3A_774] {strides = array<i32>} : memref<2x128x64xf32, #tpu.memory_space<vmem>>, vector<1x1x16xf32>,
        %get3A_776 = vector.shape_cast %get3A_775 : vector<1x1x16xf32> to vector<16xf32>
        %add3A_777 = arith.constant 84 : i32
        %add3A_778 = arith.addi %add3A_672, %add3A_777 : i32
        %swap3A_779 = arith.constant 0 : i32
        %swap3A_780 = arith.index_cast %swap3A_779 : i32 to index
        %swap3A_781 = arith.index_cast %add3A_778 : i32 to index
        %swap3A_782 = tpu.vector_load %arg11[%swap3A_780, %swap3A_781] {strides = array<i32>} : memref<2x16384xf32, #tpu.memory_space<vmem>>, vector<1x16xf32>,
        %swap3A_783 = vector.shape_cast %swap3A_782 : vector<1x16xf32> to vector<16xf32>
        %swap3A_784 = vector.shape_cast %get3A_776 : vector<16xf32> to vector<1x16xf32>
        tpu.vector_store %arg11[%swap3A_780, %swap3A_781], %swap3A_784 {strides = array<i32>} : memref<2x16384xf32, #tpu.memory_space<vmem>>, vector<1x16xf32>,
        %mul3A_785 = arith.constant 8 : i32
        %mul3A_786 = arith.muli %scan3A_186, %mul3A_785 : i32
        %add3A_787 = arith.constant 5 : i32
        %add3A_788 = arith.addi %mul3A_786, %add3A_787 : i32
        %mul3A_789 = arith.constant 1024 : i32
        %mul3A_790 = arith.muli %scan3A_186, %mul3A_789 : i32
        %add3A_791 = arith.constant 640 : i32
        %add3A_792 = arith.addi %mul3A_790, %add3A_791 : i32
        %get3A_793 = arith.constant 0 : i32
        %get3A_794 = arith.index_cast %get3A_793 : i32 to index
        %get3A_795 = arith.index_cast %add3A_788 : i32 to index
        %get3A_796 = arith.constant 0 : index
        %get3A_797 = tpu.vector_load %arg9[%get3A_794, %get3A_795, %get3A_796] {strides = array<i32>} : memref<2x128x64xf32, #tpu.memory_space<vmem>>, vector<1x1x16xf32>,
        %get3A_798 = vector.shape_cast %get3A_797 : vector<1x1x16xf32> to vector<16xf32>
        %add3A_799 = arith.constant 0 : i32
        %add3A_800 = arith.addi %add3A_792, %add3A_799 : i32
        %swap3A_801 = arith.constant 0 : i32
        %swap3A_802 = arith.index_cast %swap3A_801 : i32 to index
        %swap3A_803 = arith.index_cast %add3A_800 : i32 to index
        %swap3A_804 = tpu.vector_load %arg11[%swap3A_802, %swap3A_803] {strides = array<i32>} : memref<2x16384xf32, #tpu.memory_space<vmem>>, vector<1x16xf32>,
        %swap3A_805 = vector.shape_cast %swap3A_804 : vector<1x16xf32> to vector<16xf32>
        %swap3A_806 = vector.shape_cast %get3A_798 : vector<16xf32> to vector<1x16xf32>
        tpu.vector_store %arg11[%swap3A_802, %swap3A_803], %swap3A_806 {strides = array<i32>} : memref<2x16384xf32, #tpu.memory_space<vmem>>, vector<1x16xf32>,
        %get3A_807 = arith.constant 0 : i32
        %get3A_808 = arith.index_cast %get3A_807 : i32 to index
        %get3A_809 = arith.index_cast %add3A_788 : i32 to index
        %get3A_810 = arith.constant 16 : index
        %get3A_811 = tpu.vector_load %arg9[%get3A_808, %get3A_809, %get3A_810] {strides = array<i32>} : memref<2x128x64xf32, #tpu.memory_space<vmem>>, vector<1x1x16xf32>,
        %get3A_812 = vector.shape_cast %get3A_811 : vector<1x1x16xf32> to vector<16xf32>
        %add3A_813 = arith.constant 16 : i32
        %add3A_814 = arith.addi %add3A_792, %add3A_813 : i32
        %swap3A_815 = arith.constant 0 : i32
        %swap3A_816 = arith.index_cast %swap3A_815 : i32 to index
        %swap3A_817 = arith.index_cast %add3A_814 : i32 to index
        %swap3A_818 = tpu.vector_load %arg11[%swap3A_816, %swap3A_817] {strides = array<i32>} : memref<2x16384xf32, #tpu.memory_space<vmem>>, vector<1x16xf32>,
        %swap3A_819 = vector.shape_cast %swap3A_818 : vector<1x16xf32> to vector<16xf32>
        %swap3A_820 = vector.shape_cast %get3A_812 : vector<16xf32> to vector<1x16xf32>
        tpu.vector_store %arg11[%swap3A_816, %swap3A_817], %swap3A_820 {strides = array<i32>} : memref<2x16384xf32, #tpu.memory_space<vmem>>, vector<1x16xf32>,
        %get3A_821 = arith.constant 0 : i32
        %get3A_822 = arith.index_cast %get3A_821 : i32 to index
        %get3A_823 = arith.index_cast %add3A_788 : i32 to index
        %get3A_824 = arith.constant 32 : index
        %get3A_825 = tpu.vector_load %arg9[%get3A_822, %get3A_823, %get3A_824] {strides = array<i32>} : memref<2x128x64xf32, #tpu.memory_space<vmem>>, vector<1x1x16xf32>,
        %get3A_826 = vector.shape_cast %get3A_825 : vector<1x1x16xf32> to vector<16xf32>
        %add3A_827 = arith.constant 32 : i32
        %add3A_828 = arith.addi %add3A_792, %add3A_827 : i32
        %swap3A_829 = arith.constant 0 : i32
        %swap3A_830 = arith.index_cast %swap3A_829 : i32 to index
        %swap3A_831 = arith.index_cast %add3A_828 : i32 to index
        %swap3A_832 = tpu.vector_load %arg11[%swap3A_830, %swap3A_831] {strides = array<i32>} : memref<2x16384xf32, #tpu.memory_space<vmem>>, vector<1x16xf32>,
        %swap3A_833 = vector.shape_cast %swap3A_832 : vector<1x16xf32> to vector<16xf32>
        %swap3A_834 = vector.shape_cast %get3A_826 : vector<16xf32> to vector<1x16xf32>
        tpu.vector_store %arg11[%swap3A_830, %swap3A_831], %swap3A_834 {strides = array<i32>} : memref<2x16384xf32, #tpu.memory_space<vmem>>, vector<1x16xf32>,
        %get3A_835 = arith.constant 0 : i32
        %get3A_836 = arith.index_cast %get3A_835 : i32 to index
        %get3A_837 = arith.index_cast %add3A_788 : i32 to index
        %get3A_838 = arith.constant 34 : index
        %get3A_839 = tpu.vector_load %arg9[%get3A_836, %get3A_837, %get3A_838] {strides = array<i32>} : memref<2x128x64xf32, #tpu.memory_space<vmem>>, vector<1x1x16xf32>,
        %get3A_840 = vector.shape_cast %get3A_839 : vector<1x1x16xf32> to vector<16xf32>
        %add3A_841 = arith.constant 34 : i32
        %add3A_842 = arith.addi %add3A_792, %add3A_841 : i32
        %swap3A_843 = arith.constant 0 : i32
        %swap3A_844 = arith.index_cast %swap3A_843 : i32 to index
        %swap3A_845 = arith.index_cast %add3A_842 : i32 to index
        %swap3A_846 = tpu.vector_load %arg11[%swap3A_844, %swap3A_845] {strides = array<i32>} : memref<2x16384xf32, #tpu.memory_space<vmem>>, vector<1x16xf32>,
        %swap3A_847 = vector.shape_cast %swap3A_846 : vector<1x16xf32> to vector<16xf32>
        %swap3A_848 = vector.shape_cast %get3A_840 : vector<16xf32> to vector<1x16xf32>
        tpu.vector_store %arg11[%swap3A_844, %swap3A_845], %swap3A_848 {strides = array<i32>} : memref<2x16384xf32, #tpu.memory_space<vmem>>, vector<1x16xf32>,
        %get3A_849 = arith.constant 0 : i32
        %get3A_850 = arith.index_cast %get3A_849 : i32 to index
        %get3A_851 = arith.index_cast %add3A_788 : i32 to index
        %get3A_852 = arith.constant 2 : index
        %get3A_853 = tpu.vector_load %arg10[%get3A_850, %get3A_851, %get3A_852] {strides = array<i32>} : memref<2x128x64xf32, #tpu.memory_space<vmem>>, vector<1x1x16xf32>,
        %get3A_854 = vector.shape_cast %get3A_853 : vector<1x1x16xf32> to vector<16xf32>
        %add3A_855 = arith.constant 50 : i32
        %add3A_856 = arith.addi %add3A_792, %add3A_855 : i32
        %swap3A_857 = arith.constant 0 : i32
        %swap3A_858 = arith.index_cast %swap3A_857 : i32 to index
        %swap3A_859 = arith.index_cast %add3A_856 : i32 to index
        %swap3A_860 = tpu.vector_load %arg11[%swap3A_858, %swap3A_859] {strides = array<i32>} : memref<2x16384xf32, #tpu.memory_space<vmem>>, vector<1x16xf32>,
        %swap3A_861 = vector.shape_cast %swap3A_860 : vector<1x16xf32> to vector<16xf32>
        %swap3A_862 = vector.shape_cast %get3A_854 : vector<16xf32> to vector<1x16xf32>
        tpu.vector_store %arg11[%swap3A_858, %swap3A_859], %swap3A_862 {strides = array<i32>} : memref<2x16384xf32, #tpu.memory_space<vmem>>, vector<1x16xf32>,
        %get3A_863 = arith.constant 0 : i32
        %get3A_864 = arith.index_cast %get3A_863 : i32 to index
        %get3A_865 = arith.index_cast %add3A_788 : i32 to index
        %get3A_866 = arith.constant 18 : index
        %get3A_867 = tpu.vector_load %arg10[%get3A_864, %get3A_865, %get3A_866] {strides = array<i32>} : memref<2x128x64xf32, #tpu.memory_space<vmem>>, vector<1x1x16xf32>,
        %get3A_868 = vector.shape_cast %get3A_867 : vector<1x1x16xf32> to vector<16xf32>
        %add3A_869 = arith.constant 66 : i32
        %add3A_870 = arith.addi %add3A_792, %add3A_869 : i32
        %swap3A_871 = arith.constant 0 : i32
        %swap3A_872 = arith.index_cast %swap3A_871 : i32 to index
        %swap3A_873 = arith.index_cast %add3A_870 : i32 to index
        %swap3A_874 = tpu.vector_load %arg11[%swap3A_872, %swap3A_873] {strides = array<i32>} : memref<2x16384xf32, #tpu.memory_space<vmem>>, vector<1x16xf32>,
        %swap3A_875 = vector.shape_cast %swap3A_874 : vector<1x16xf32> to vector<16xf32>
        %swap3A_876 = vector.shape_cast %get3A_868 : vector<16xf32> to vector<1x16xf32>
        tpu.vector_store %arg11[%swap3A_872, %swap3A_873], %swap3A_876 {strides = array<i32>} : memref<2x16384xf32, #tpu.memory_space<vmem>>, vector<1x16xf32>,
        %get3A_877 = arith.constant 0 : i32
        %get3A_878 = arith.index_cast %get3A_877 : i32 to index
        %get3A_879 = arith.index_cast %add3A_788 : i32 to index
        %get3A_880 = arith.constant 34 : index
        %get3A_881 = tpu.vector_load %arg10[%get3A_878, %get3A_879, %get3A_880] {strides = array<i32>} : memref<2x128x64xf32, #tpu.memory_space<vmem>>, vector<1x1x16xf32>,
        %get3A_882 = vector.shape_cast %get3A_881 : vector<1x1x16xf32> to vector<16xf32>
        %add3A_883 = arith.constant 82 : i32
        %add3A_884 = arith.addi %add3A_792, %add3A_883 : i32
        %swap3A_885 = arith.constant 0 : i32
        %swap3A_886 = arith.index_cast %swap3A_885 : i32 to index
        %swap3A_887 = arith.index_cast %add3A_884 : i32 to index
        %swap3A_888 = tpu.vector_load %arg11[%swap3A_886, %swap3A_887] {strides = array<i32>} : memref<2x16384xf32, #tpu.memory_space<vmem>>, vector<1x16xf32>,
        %swap3A_889 = vector.shape_cast %swap3A_888 : vector<1x16xf32> to vector<16xf32>
        %swap3A_890 = vector.shape_cast %get3A_882 : vector<16xf32> to vector<1x16xf32>
        tpu.vector_store %arg11[%swap3A_886, %swap3A_887], %swap3A_890 {strides = array<i32>} : memref<2x16384xf32, #tpu.memory_space<vmem>>, vector<1x16xf32>,
        %get3A_891 = arith.constant 0 : i32
        %get3A_892 = arith.index_cast %get3A_891 : i32 to index
        %get3A_893 = arith.index_cast %add3A_788 : i32 to index
        %get3A_894 = arith.constant 36 : index
        %get3A_895 = tpu.vector_load %arg10[%get3A_892, %get3A_893, %get3A_894] {strides = array<i32>} : memref<2x128x64xf32, #tpu.memory_space<vmem>>, vector<1x1x16xf32>,
        %get3A_896 = vector.shape_cast %get3A_895 : vector<1x1x16xf32> to vector<16xf32>
        %add3A_897 = arith.constant 84 : i32
        %add3A_898 = arith.addi %add3A_792, %add3A_897 : i32
        %swap3A_899 = arith.constant 0 : i32
        %swap3A_900 = arith.index_cast %swap3A_899 : i32 to index
        %swap3A_901 = arith.index_cast %add3A_898 : i32 to index
        %swap3A_902 = tpu.vector_load %arg11[%swap3A_900, %swap3A_901] {strides = array<i32>} : memref<2x16384xf32, #tpu.memory_space<vmem>>, vector<1x16xf32>,
        %swap3A_903 = vector.shape_cast %swap3A_902 : vector<1x16xf32> to vector<16xf32>
        %swap3A_904 = vector.shape_cast %get3A_896 : vector<16xf32> to vector<1x16xf32>
        tpu.vector_store %arg11[%swap3A_900, %swap3A_901], %swap3A_904 {strides = array<i32>} : memref<2x16384xf32, #tpu.memory_space<vmem>>, vector<1x16xf32>,
        %mul3A_905 = arith.constant 8 : i32
        %mul3A_906 = arith.muli %scan3A_186, %mul3A_905 : i32
        %add3A_907 = arith.constant 6 : i32
        %add3A_908 = arith.addi %mul3A_906, %add3A_907 : i32
        %mul3A_909 = arith.constant 1024 : i32
        %mul3A_910 = arith.muli %scan3A_186, %mul3A_909 : i32
        %add3A_911 = arith.constant 768 : i32
        %add3A_912 = arith.addi %mul3A_910, %add3A_911 : i32
        %get3A_913 = arith.constant 0 : i32
        %get3A_914 = arith.index_cast %get3A_913 : i32 to index
        %get3A_915 = arith.index_cast %add3A_908 : i32 to index
        %get3A_916 = arith.constant 0 : index
        %get3A_917 = tpu.vector_load %arg9[%get3A_914, %get3A_915, %get3A_916] {strides = array<i32>} : memref<2x128x64xf32, #tpu.memory_space<vmem>>, vector<1x1x16xf32>,
        %get3A_918 = vector.shape_cast %get3A_917 : vector<1x1x16xf32> to vector<16xf32>
        %add3A_919 = arith.constant 0 : i32
        %add3A_920 = arith.addi %add3A_912, %add3A_919 : i32
        %swap3A_921 = arith.constant 0 : i32
        %swap3A_922 = arith.index_cast %swap3A_921 : i32 to index
        %swap3A_923 = arith.index_cast %add3A_920 : i32 to index
        %swap3A_924 = tpu.vector_load %arg11[%swap3A_922, %swap3A_923] {strides = array<i32>} : memref<2x16384xf32, #tpu.memory_space<vmem>>, vector<1x16xf32>,
        %swap3A_925 = vector.shape_cast %swap3A_924 : vector<1x16xf32> to vector<16xf32>
        %swap3A_926 = vector.shape_cast %get3A_918 : vector<16xf32> to vector<1x16xf32>
        tpu.vector_store %arg11[%swap3A_922, %swap3A_923], %swap3A_926 {strides = array<i32>} : memref<2x16384xf32, #tpu.memory_space<vmem>>, vector<1x16xf32>,
        %get3A_927 = arith.constant 0 : i32
        %get3A_928 = arith.index_cast %get3A_927 : i32 to index
        %get3A_929 = arith.index_cast %add3A_908 : i32 to index
        %get3A_930 = arith.constant 16 : index
        %get3A_931 = tpu.vector_load %arg9[%get3A_928, %get3A_929, %get3A_930] {strides = array<i32>} : memref<2x128x64xf32, #tpu.memory_space<vmem>>, vector<1x1x16xf32>,
        %get3A_932 = vector.shape_cast %get3A_931 : vector<1x1x16xf32> to vector<16xf32>
        %add3A_933 = arith.constant 16 : i32
        %add3A_934 = arith.addi %add3A_912, %add3A_933 : i32
        %swap3A_935 = arith.constant 0 : i32
        %swap3A_936 = arith.index_cast %swap3A_935 : i32 to index
        %swap3A_937 = arith.index_cast %add3A_934 : i32 to index
        %swap3A_938 = tpu.vector_load %arg11[%swap3A_936, %swap3A_937] {strides = array<i32>} : memref<2x16384xf32, #tpu.memory_space<vmem>>, vector<1x16xf32>,
        %swap3A_939 = vector.shape_cast %swap3A_938 : vector<1x16xf32> to vector<16xf32>
        %swap3A_940 = vector.shape_cast %get3A_932 : vector<16xf32> to vector<1x16xf32>
        tpu.vector_store %arg11[%swap3A_936, %swap3A_937], %swap3A_940 {strides = array<i32>} : memref<2x16384xf32, #tpu.memory_space<vmem>>, vector<1x16xf32>,
        %get3A_941 = arith.constant 0 : i32
        %get3A_942 = arith.index_cast %get3A_941 : i32 to index
        %get3A_943 = arith.index_cast %add3A_908 : i32 to index
        %get3A_944 = arith.constant 32 : index
        %get3A_945 = tpu.vector_load %arg9[%get3A_942, %get3A_943, %get3A_944] {strides = array<i32>} : memref<2x128x64xf32, #tpu.memory_space<vmem>>, vector<1x1x16xf32>,
        %get3A_946 = vector.shape_cast %get3A_945 : vector<1x1x16xf32> to vector<16xf32>
        %add3A_947 = arith.constant 32 : i32
        %add3A_948 = arith.addi %add3A_912, %add3A_947 : i32
        %swap3A_949 = arith.constant 0 : i32
        %swap3A_950 = arith.index_cast %swap3A_949 : i32 to index
        %swap3A_951 = arith.index_cast %add3A_948 : i32 to index
        %swap3A_952 = tpu.vector_load %arg11[%swap3A_950, %swap3A_951] {strides = array<i32>} : memref<2x16384xf32, #tpu.memory_space<vmem>>, vector<1x16xf32>,
        %swap3A_953 = vector.shape_cast %swap3A_952 : vector<1x16xf32> to vector<16xf32>
        %swap3A_954 = vector.shape_cast %get3A_946 : vector<16xf32> to vector<1x16xf32>
        tpu.vector_store %arg11[%swap3A_950, %swap3A_951], %swap3A_954 {strides = array<i32>} : memref<2x16384xf32, #tpu.memory_space<vmem>>, vector<1x16xf32>,
        %get3A_955 = arith.constant 0 : i32
        %get3A_956 = arith.index_cast %get3A_955 : i32 to index
        %get3A_957 = arith.index_cast %add3A_908 : i32 to index
        %get3A_958 = arith.constant 34 : index
        %get3A_959 = tpu.vector_load %arg9[%get3A_956, %get3A_957, %get3A_958] {strides = array<i32>} : memref<2x128x64xf32, #tpu.memory_space<vmem>>, vector<1x1x16xf32>,
        %get3A_960 = vector.shape_cast %get3A_959 : vector<1x1x16xf32> to vector<16xf32>
        %add3A_961 = arith.constant 34 : i32
        %add3A_962 = arith.addi %add3A_912, %add3A_961 : i32
        %swap3A_963 = arith.constant 0 : i32
        %swap3A_964 = arith.index_cast %swap3A_963 : i32 to index
        %swap3A_965 = arith.index_cast %add3A_962 : i32 to index
        %swap3A_966 = tpu.vector_load %arg11[%swap3A_964, %swap3A_965] {strides = array<i32>} : memref<2x16384xf32, #tpu.memory_space<vmem>>, vector<1x16xf32>,
        %swap3A_967 = vector.shape_cast %swap3A_966 : vector<1x16xf32> to vector<16xf32>
        %swap3A_968 = vector.shape_cast %get3A_960 : vector<16xf32> to vector<1x16xf32>
        tpu.vector_store %arg11[%swap3A_964, %swap3A_965], %swap3A_968 {strides = array<i32>} : memref<2x16384xf32, #tpu.memory_space<vmem>>, vector<1x16xf32>,
        %get3A_969 = arith.constant 0 : i32
        %get3A_970 = arith.index_cast %get3A_969 : i32 to index
        %get3A_971 = arith.index_cast %add3A_908 : i32 to index
        %get3A_972 = arith.constant 2 : index
        %get3A_973 = tpu.vector_load %arg10[%get3A_970, %get3A_971, %get3A_972] {strides = array<i32>} : memref<2x128x64xf32, #tpu.memory_space<vmem>>, vector<1x1x16xf32>,
        %get3A_974 = vector.shape_cast %get3A_973 : vector<1x1x16xf32> to vector<16xf32>
        %add3A_975 = arith.constant 50 : i32
        %add3A_976 = arith.addi %add3A_912, %add3A_975 : i32
        %swap3A_977 = arith.constant 0 : i32
        %swap3A_978 = arith.index_cast %swap3A_977 : i32 to index
        %swap3A_979 = arith.index_cast %add3A_976 : i32 to index
        %swap3A_980 = tpu.vector_load %arg11[%swap3A_978, %swap3A_979] {strides = array<i32>} : memref<2x16384xf32, #tpu.memory_space<vmem>>, vector<1x16xf32>,
        %swap3A_981 = vector.shape_cast %swap3A_980 : vector<1x16xf32> to vector<16xf32>
        %swap3A_982 = vector.shape_cast %get3A_974 : vector<16xf32> to vector<1x16xf32>
        tpu.vector_store %arg11[%swap3A_978, %swap3A_979], %swap3A_982 {strides = array<i32>} : memref<2x16384xf32, #tpu.memory_space<vmem>>, vector<1x16xf32>,
        %get3A_983 = arith.constant 0 : i32
        %get3A_984 = arith.index_cast %get3A_983 : i32 to index
        %get3A_985 = arith.index_cast %add3A_908 : i32 to index
        %get3A_986 = arith.constant 18 : index
        %get3A_987 = tpu.vector_load %arg10[%get3A_984, %get3A_985, %get3A_986] {strides = array<i32>} : memref<2x128x64xf32, #tpu.memory_space<vmem>>, vector<1x1x16xf32>,
        %get3A_988 = vector.shape_cast %get3A_987 : vector<1x1x16xf32> to vector<16xf32>
        %add3A_989 = arith.constant 66 : i32
        %add3A_990 = arith.addi %add3A_912, %add3A_989 : i32
        %swap3A_991 = arith.constant 0 : i32
        %swap3A_992 = arith.index_cast %swap3A_991 : i32 to index
        %swap3A_993 = arith.index_cast %add3A_990 : i32 to index
        %swap3A_994 = tpu.vector_load %arg11[%swap3A_992, %swap3A_993] {strides = array<i32>} : memref<2x16384xf32, #tpu.memory_space<vmem>>, vector<1x16xf32>,
        %swap3A_995 = vector.shape_cast %swap3A_994 : vector<1x16xf32> to vector<16xf32>
        %swap3A_996 = vector.shape_cast %get3A_988 : vector<16xf32> to vector<1x16xf32>
        tpu.vector_store %arg11[%swap3A_992, %swap3A_993], %swap3A_996 {strides = array<i32>} : memref<2x16384xf32, #tpu.memory_space<vmem>>, vector<1x16xf32>,
        %get3A_997 = arith.constant 0 : i32
        %get3A_998 = arith.index_cast %get3A_997 : i32 to index
        %get3A_999 = arith.index_cast %add3A_908 : i32 to index
        %get3A_1000 = arith.constant 34 : index
        %get3A_1001 = tpu.vector_load %arg10[%get3A_998, %get3A_999, %get3A_1000] {strides = array<i32>} : memref<2x128x64xf32, #tpu.memory_space<vmem>>, vector<1x1x16xf32>,
        %get3A_1002 = vector.shape_cast %get3A_1001 : vector<1x1x16xf32> to vector<16xf32>
        %add3A_1003 = arith.constant 82 : i32
        %add3A_1004 = arith.addi %add3A_912, %add3A_1003 : i32
        %swap3A_1005 = arith.constant 0 : i32
        %swap3A_1006 = arith.index_cast %swap3A_1005 : i32 to index
        %swap3A_1007 = arith.index_cast %add3A_1004 : i32 to index
        %swap3A_1008 = tpu.vector_load %arg11[%swap3A_1006, %swap3A_1007] {strides = array<i32>} : memref<2x16384xf32, #tpu.memory_space<vmem>>, vector<1x16xf32>,
        %swap3A_1009 = vector.shape_cast %swap3A_1008 : vector<1x16xf32> to vector<16xf32>
        %swap3A_1010 = vector.shape_cast %get3A_1002 : vector<16xf32> to vector<1x16xf32>
        tpu.vector_store %arg11[%swap3A_1006, %swap3A_1007], %swap3A_1010 {strides = array<i32>} : memref<2x16384xf32, #tpu.memory_space<vmem>>, vector<1x16xf32>,
        %get3A_1011 = arith.constant 0 : i32
        %get3A_1012 = arith.index_cast %get3A_1011 : i32 to index
        %get3A_1013 = arith.index_cast %add3A_908 : i32 to index
        %get3A_1014 = arith.constant 36 : index
        %get3A_1015 = tpu.vector_load %arg10[%get3A_1012, %get3A_1013, %get3A_1014] {strides = array<i32>} : memref<2x128x64xf32, #tpu.memory_space<vmem>>, vector<1x1x16xf32>,
        %get3A_1016 = vector.shape_cast %get3A_1015 : vector<1x1x16xf32> to vector<16xf32>
        %add3A_1017 = arith.constant 84 : i32
        %add3A_1018 = arith.addi %add3A_912, %add3A_1017 : i32
        %swap3A_1019 = arith.constant 0 : i32
        %swap3A_1020 = arith.index_cast %swap3A_1019 : i32 to index
        %swap3A_1021 = arith.index_cast %add3A_1018 : i32 to index
        %swap3A_1022 = tpu.vector_load %arg11[%swap3A_1020, %swap3A_1021] {strides = array<i32>} : memref<2x16384xf32, #tpu.memory_space<vmem>>, vector<1x16xf32>,
        %swap3A_1023 = vector.shape_cast %swap3A_1022 : vector<1x16xf32> to vector<16xf32>
        %swap3A_1024 = vector.shape_cast %get3A_1016 : vector<16xf32> to vector<1x16xf32>
        tpu.vector_store %arg11[%swap3A_1020, %swap3A_1021], %swap3A_1024 {strides = array<i32>} : memref<2x16384xf32, #tpu.memory_space<vmem>>, vector<1x16xf32>,
        %mul3A_1025 = arith.constant 8 : i32
        %mul3A_1026 = arith.muli %scan3A_186, %mul3A_1025 : i32
        %add3A_1027 = arith.constant 7 : i32
        %add3A_1028 = arith.addi %mul3A_1026, %add3A_1027 : i32
        %mul3A_1029 = arith.constant 1024 : i32
        %mul3A_1030 = arith.muli %scan3A_186, %mul3A_1029 : i32
        %add3A_1031 = arith.constant 896 : i32
        %add3A_1032 = arith.addi %mul3A_1030, %add3A_1031 : i32
        %get3A_1033 = arith.constant 0 : i32
        %get3A_1034 = arith.index_cast %get3A_1033 : i32 to index
        %get3A_1035 = arith.index_cast %add3A_1028 : i32 to index
        %get3A_1036 = arith.constant 0 : index
        %get3A_1037 = tpu.vector_load %arg9[%get3A_1034, %get3A_1035, %get3A_1036] {strides = array<i32>} : memref<2x128x64xf32, #tpu.memory_space<vmem>>, vector<1x1x16xf32>,
        %get3A_1038 = vector.shape_cast %get3A_1037 : vector<1x1x16xf32> to vector<16xf32>
        %add3A_1039 = arith.constant 0 : i32
        %add3A_1040 = arith.addi %add3A_1032, %add3A_1039 : i32
        %swap3A_1041 = arith.constant 0 : i32
        %swap3A_1042 = arith.index_cast %swap3A_1041 : i32 to index
        %swap3A_1043 = arith.index_cast %add3A_1040 : i32 to index
        %swap3A_1044 = tpu.vector_load %arg11[%swap3A_1042, %swap3A_1043] {strides = array<i32>} : memref<2x16384xf32, #tpu.memory_space<vmem>>, vector<1x16xf32>,
        %swap3A_1045 = vector.shape_cast %swap3A_1044 : vector<1x16xf32> to vector<16xf32>
        %swap3A_1046 = vector.shape_cast %get3A_1038 : vector<16xf32> to vector<1x16xf32>
        tpu.vector_store %arg11[%swap3A_1042, %swap3A_1043], %swap3A_1046 {strides = array<i32>} : memref<2x16384xf32, #tpu.memory_space<vmem>>, vector<1x16xf32>,
        %get3A_1047 = arith.constant 0 : i32
        %get3A_1048 = arith.index_cast %get3A_1047 : i32 to index
        %get3A_1049 = arith.index_cast %add3A_1028 : i32 to index
        %get3A_1050 = arith.constant 16 : index
        %get3A_1051 = tpu.vector_load %arg9[%get3A_1048, %get3A_1049, %get3A_1050] {strides = array<i32>} : memref<2x128x64xf32, #tpu.memory_space<vmem>>, vector<1x1x16xf32>,
        %get3A_1052 = vector.shape_cast %get3A_1051 : vector<1x1x16xf32> to vector<16xf32>
        %add3A_1053 = arith.constant 16 : i32
        %add3A_1054 = arith.addi %add3A_1032, %add3A_1053 : i32
        %swap3A_1055 = arith.constant 0 : i32
        %swap3A_1056 = arith.index_cast %swap3A_1055 : i32 to index
        %swap3A_1057 = arith.index_cast %add3A_1054 : i32 to index
        %swap3A_1058 = tpu.vector_load %arg11[%swap3A_1056, %swap3A_1057] {strides = array<i32>} : memref<2x16384xf32, #tpu.memory_space<vmem>>, vector<1x16xf32>,
        %swap3A_1059 = vector.shape_cast %swap3A_1058 : vector<1x16xf32> to vector<16xf32>
        %swap3A_1060 = vector.shape_cast %get3A_1052 : vector<16xf32> to vector<1x16xf32>
        tpu.vector_store %arg11[%swap3A_1056, %swap3A_1057], %swap3A_1060 {strides = array<i32>} : memref<2x16384xf32, #tpu.memory_space<vmem>>, vector<1x16xf32>,
        %get3A_1061 = arith.constant 0 : i32
        %get3A_1062 = arith.index_cast %get3A_1061 : i32 to index
        %get3A_1063 = arith.index_cast %add3A_1028 : i32 to index
        %get3A_1064 = arith.constant 32 : index
        %get3A_1065 = tpu.vector_load %arg9[%get3A_1062, %get3A_1063, %get3A_1064] {strides = array<i32>} : memref<2x128x64xf32, #tpu.memory_space<vmem>>, vector<1x1x16xf32>,
        %get3A_1066 = vector.shape_cast %get3A_1065 : vector<1x1x16xf32> to vector<16xf32>
        %add3A_1067 = arith.constant 32 : i32
        %add3A_1068 = arith.addi %add3A_1032, %add3A_1067 : i32
        %swap3A_1069 = arith.constant 0 : i32
        %swap3A_1070 = arith.index_cast %swap3A_1069 : i32 to index
        %swap3A_1071 = arith.index_cast %add3A_1068 : i32 to index
        %swap3A_1072 = tpu.vector_load %arg11[%swap3A_1070, %swap3A_1071] {strides = array<i32>} : memref<2x16384xf32, #tpu.memory_space<vmem>>, vector<1x16xf32>,
        %swap3A_1073 = vector.shape_cast %swap3A_1072 : vector<1x16xf32> to vector<16xf32>
        %swap3A_1074 = vector.shape_cast %get3A_1066 : vector<16xf32> to vector<1x16xf32>
        tpu.vector_store %arg11[%swap3A_1070, %swap3A_1071], %swap3A_1074 {strides = array<i32>} : memref<2x16384xf32, #tpu.memory_space<vmem>>, vector<1x16xf32>,
        %get3A_1075 = arith.constant 0 : i32
        %get3A_1076 = arith.index_cast %get3A_1075 : i32 to index
        %get3A_1077 = arith.index_cast %add3A_1028 : i32 to index
        %get3A_1078 = arith.constant 34 : index
        %get3A_1079 = tpu.vector_load %arg9[%get3A_1076, %get3A_1077, %get3A_1078] {strides = array<i32>} : memref<2x128x64xf32, #tpu.memory_space<vmem>>, vector<1x1x16xf32>,
        %get3A_1080 = vector.shape_cast %get3A_1079 : vector<1x1x16xf32> to vector<16xf32>
        %add3A_1081 = arith.constant 34 : i32
        %add3A_1082 = arith.addi %add3A_1032, %add3A_1081 : i32
        %swap3A_1083 = arith.constant 0 : i32
        %swap3A_1084 = arith.index_cast %swap3A_1083 : i32 to index
        %swap3A_1085 = arith.index_cast %add3A_1082 : i32 to index
        %swap3A_1086 = tpu.vector_load %arg11[%swap3A_1084, %swap3A_1085] {strides = array<i32>} : memref<2x16384xf32, #tpu.memory_space<vmem>>, vector<1x16xf32>,
        %swap3A_1087 = vector.shape_cast %swap3A_1086 : vector<1x16xf32> to vector<16xf32>
        %swap3A_1088 = vector.shape_cast %get3A_1080 : vector<16xf32> to vector<1x16xf32>
        tpu.vector_store %arg11[%swap3A_1084, %swap3A_1085], %swap3A_1088 {strides = array<i32>} : memref<2x16384xf32, #tpu.memory_space<vmem>>, vector<1x16xf32>,
        %get3A_1089 = arith.constant 0 : i32
        %get3A_1090 = arith.index_cast %get3A_1089 : i32 to index
        %get3A_1091 = arith.index_cast %add3A_1028 : i32 to index
        %get3A_1092 = arith.constant 2 : index
        %get3A_1093 = tpu.vector_load %arg10[%get3A_1090, %get3A_1091, %get3A_1092] {strides = array<i32>} : memref<2x128x64xf32, #tpu.memory_space<vmem>>, vector<1x1x16xf32>,
        %get3A_1094 = vector.shape_cast %get3A_1093 : vector<1x1x16xf32> to vector<16xf32>
        %add3A_1095 = arith.constant 50 : i32
        %add3A_1096 = arith.addi %add3A_1032, %add3A_1095 : i32
        %swap3A_1097 = arith.constant 0 : i32
        %swap3A_1098 = arith.index_cast %swap3A_1097 : i32 to index
        %swap3A_1099 = arith.index_cast %add3A_1096 : i32 to index
        %swap3A_1100 = tpu.vector_load %arg11[%swap3A_1098, %swap3A_1099] {strides = array<i32>} : memref<2x16384xf32, #tpu.memory_space<vmem>>, vector<1x16xf32>,
        %swap3A_1101 = vector.shape_cast %swap3A_1100 : vector<1x16xf32> to vector<16xf32>
        %swap3A_1102 = vector.shape_cast %get3A_1094 : vector<16xf32> to vector<1x16xf32>
        tpu.vector_store %arg11[%swap3A_1098, %swap3A_1099], %swap3A_1102 {strides = array<i32>} : memref<2x16384xf32, #tpu.memory_space<vmem>>, vector<1x16xf32>,
        %get3A_1103 = arith.constant 0 : i32
        %get3A_1104 = arith.index_cast %get3A_1103 : i32 to index
        %get3A_1105 = arith.index_cast %add3A_1028 : i32 to index
        %get3A_1106 = arith.constant 18 : index
        %get3A_1107 = tpu.vector_load %arg10[%get3A_1104, %get3A_1105, %get3A_1106] {strides = array<i32>} : memref<2x128x64xf32, #tpu.memory_space<vmem>>, vector<1x1x16xf32>,
        %get3A_1108 = vector.shape_cast %get3A_1107 : vector<1x1x16xf32> to vector<16xf32>
        %add3A_1109 = arith.constant 66 : i32
        %add3A_1110 = arith.addi %add3A_1032, %add3A_1109 : i32
        %swap3A_1111 = arith.constant 0 : i32
        %swap3A_1112 = arith.index_cast %swap3A_1111 : i32 to index
        %swap3A_1113 = arith.index_cast %add3A_1110 : i32 to index
        %swap3A_1114 = tpu.vector_load %arg11[%swap3A_1112, %swap3A_1113] {strides = array<i32>} : memref<2x16384xf32, #tpu.memory_space<vmem>>, vector<1x16xf32>,
        %swap3A_1115 = vector.shape_cast %swap3A_1114 : vector<1x16xf32> to vector<16xf32>
        %swap3A_1116 = vector.shape_cast %get3A_1108 : vector<16xf32> to vector<1x16xf32>
        tpu.vector_store %arg11[%swap3A_1112, %swap3A_1113], %swap3A_1116 {strides = array<i32>} : memref<2x16384xf32, #tpu.memory_space<vmem>>, vector<1x16xf32>,
        %get3A_1117 = arith.constant 0 : i32
        %get3A_1118 = arith.index_cast %get3A_1117 : i32 to index
        %get3A_1119 = arith.index_cast %add3A_1028 : i32 to index
        %get3A_1120 = arith.constant 34 : index
        %get3A_1121 = tpu.vector_load %arg10[%get3A_1118, %get3A_1119, %get3A_1120] {strides = array<i32>} : memref<2x128x64xf32, #tpu.memory_space<vmem>>, vector<1x1x16xf32>,
        %get3A_1122 = vector.shape_cast %get3A_1121 : vector<1x1x16xf32> to vector<16xf32>
        %add3A_1123 = arith.constant 82 : i32
        %add3A_1124 = arith.addi %add3A_1032, %add3A_1123 : i32
        %swap3A_1125 = arith.constant 0 : i32
        %swap3A_1126 = arith.index_cast %swap3A_1125 : i32 to index
        %swap3A_1127 = arith.index_cast %add3A_1124 : i32 to index
        %swap3A_1128 = tpu.vector_load %arg11[%swap3A_1126, %swap3A_1127] {strides = array<i32>} : memref<2x16384xf32, #tpu.memory_space<vmem>>, vector<1x16xf32>,
        %swap3A_1129 = vector.shape_cast %swap3A_1128 : vector<1x16xf32> to vector<16xf32>
        %swap3A_1130 = vector.shape_cast %get3A_1122 : vector<16xf32> to vector<1x16xf32>
        tpu.vector_store %arg11[%swap3A_1126, %swap3A_1127], %swap3A_1130 {strides = array<i32>} : memref<2x16384xf32, #tpu.memory_space<vmem>>, vector<1x16xf32>,
        %get3A_1131 = arith.constant 0 : i32
        %get3A_1132 = arith.index_cast %get3A_1131 : i32 to index
        %get3A_1133 = arith.index_cast %add3A_1028 : i32 to index
        %get3A_1134 = arith.constant 36 : index
        %get3A_1135 = tpu.vector_load %arg10[%get3A_1132, %get3A_1133, %get3A_1134] {strides = array<i32>} : memref<2x128x64xf32, #tpu.memory_space<vmem>>, vector<1x1x16xf32>,
        %get3A_1136 = vector.shape_cast %get3A_1135 : vector<1x1x16xf32> to vector<16xf32>
        %add3A_1137 = arith.constant 84 : i32
        %add3A_1138 = arith.addi %add3A_1032, %add3A_1137 : i32
        %swap3A_1139 = arith.constant 0 : i32
        %swap3A_1140 = arith.index_cast %swap3A_1139 : i32 to index
        %swap3A_1141 = arith.index_cast %add3A_1138 : i32 to index
        %swap3A_1142 = tpu.vector_load %arg11[%swap3A_1140, %swap3A_1141] {strides = array<i32>} : memref<2x16384xf32, #tpu.memory_space<vmem>>, vector<1x16xf32>,
        %swap3A_1143 = vector.shape_cast %swap3A_1142 : vector<1x16xf32> to vector<16xf32>
        %swap3A_1144 = vector.shape_cast %get3A_1136 : vector<16xf32> to vector<1x16xf32>
        tpu.vector_store %arg11[%swap3A_1140, %swap3A_1141], %swap3A_1144 {strides = array<i32>} : memref<2x16384xf32, #tpu.memory_space<vmem>>, vector<1x16xf32>,
      }
      %scan3A_118 = arith.constant 16 : i32
      %mul3A_119 = arith.constant 64 : i32
      %mul3A_120 = arith.muli %add3A, %mul3A_119 : i32
      %add3A_121 = arith.addi %mul3A_120, %mul3A_60 : i32
      %mul3A_122 = arith.constant 16384 : i32
      %mul3A_123 = arith.muli %add3A_121, %mul3A_122 : i32
      %dma_start3A_124 = arith.constant 0 : i32
      %dma_start3A_125 = arith.constant 0 : i32
      %dma_start3A_126 = tpu.memref_slice %arg11[%dma_start3A_124, %dma_start3A_125] : memref<2x16384xf32, #tpu.memory_space<vmem>> -> memref<1x16384xf32, #tpu.memory_space<vmem>>
      %dma_start3A_127 = tpu.memref_squeeze %dma_start3A_126 : memref<1x16384xf32, #tpu.memory_space<vmem>> -> memref<16384xf32, #tpu.memory_space<vmem>>
      %dma_start3A_128 = tpu.memref_slice %arg6[%mul3A_123] : memref<33554432xf32, #tpu.memory_space<hbm>> -> memref<16384xf32, #tpu.memory_space<hbm>>
      %dma_start3A_129 = tpu.memref_slice %arg6[%mul3A_123] : memref<33554432xf32, #tpu.memory_space<hbm>> -> memref<16384xf32, #tpu.memory_space<hbm>>
      %dma_start3A_130 = arith.constant 0 : i32
      %dma_start3A_131 = tpu.memref_slice %arg11[%dma_start3A_124, %dma_start3A_130] : memref<2x16384xf32, #tpu.memory_space<vmem>> -> memref<1x16384xf32, #tpu.memory_space<vmem>>
      %dma_start3A_132 = tpu.memref_squeeze %dma_start3A_131 : memref<1x16384xf32, #tpu.memory_space<vmem>> -> memref<16384xf32, #tpu.memory_space<vmem>>
      tpu.enqueue_dma source(%dma_start3A_132 : memref<16384xf32, #tpu.memory_space<vmem>>) target(%dma_start3A_129 : memref<16384xf32, #tpu.memory_space<hbm>>) target_semaphore(%arg14 : memref<!tpu.dma_semaphore, #tpu.memory_space<semaphore_mem>>)
      %lt3A = arith.constant 31 : i32
      %lt3A_133 = arith.cmpi slt, %scan3A_58, %lt3A : i32
      %convert_element_type3A_134 = arith.extui %lt3A_133 : i1 to i32
      %cond3A_135 = arith.constant 0 : i32
      %cond3A_136 = arith.cmpi ne, %convert_element_type3A_134, %cond3A_135 : i32
      scf.if %cond3A_136 {
        %dma_start3A_186 = arith.constant 0 : i32
        %dma_start3A_187 = arith.constant 0 : i32
        %dma_start3A_188 = arith.constant 0 : i32
        %dma_start3A_189 = tpu.memref_slice %arg9[%dma_start3A_186, %dma_start3A_187, %dma_start3A_188] : memref<2x128x64xf32, #tpu.memory_space<vmem>> -> memref<1x128x64xf32, #tpu.memory_space<vmem>>
        %dma_start3A_190 = tpu.memref_squeeze %dma_start3A_189 : memref<1x128x64xf32, #tpu.memory_space<vmem>> -> memref<128x64xf32, #tpu.memory_space<vmem>>
        %dma_start3A_191 = arith.constant 0 : i32
        %dma_start3A_192 = tpu.memref_slice %arg7[%add3A_64, %dma_start3A_191] : memref<64x128xi32, #tpu.memory_space<vmem>> -> memref<1x128xi32, #tpu.memory_space<vmem>>
        %dma_start3A_193 = tpu.memref_squeeze %dma_start3A_192 : memref<1x128xi32, #tpu.memory_space<vmem>> -> memref<128xi32, #tpu.memory_space<vmem>>
        %dma_start3A_194 = arith.constant 0 : i32
        %dma_start3A_195 = arith.constant 0 : i32
        %dma_start3A_196 = tpu.memref_slice %arg4[%dma_start3A_194, %dma_start3A_195] : memref<7002x64xf32, #tpu.memory_space<hbm>> -> memref<7002x64xf32, #tpu.memory_space<hbm>>
        tpu.enqueue_indirect_dma source(%dma_start3A_196 : memref<7002x64xf32, #tpu.memory_space<hbm>>) target(%dma_start3A_190 : memref<128x64xf32, #tpu.memory_space<vmem>>) offsets(%dma_start3A_193 : memref<128xi32, #tpu.memory_space<vmem>>) semaphore(%arg12 : memref<!tpu.dma_semaphore, #tpu.memory_space<semaphore_mem>>)
        %dma_start3A_197 = arith.constant 0 : i32
        %dma_start3A_198 = arith.constant 0 : i32
        %dma_start3A_199 = arith.constant 0 : i32
        %dma_start3A_200 = tpu.memref_slice %arg10[%dma_start3A_197, %dma_start3A_198, %dma_start3A_199] : memref<2x128x64xf32, #tpu.memory_space<vmem>> -> memref<1x128x64xf32, #tpu.memory_space<vmem>>
        %dma_start3A_201 = tpu.memref_squeeze %dma_start3A_200 : memref<1x128x64xf32, #tpu.memory_space<vmem>> -> memref<128x64xf32, #tpu.memory_space<vmem>>
        %dma_start3A_202 = arith.constant 0 : i32
        %dma_start3A_203 = tpu.memref_slice %arg8[%add3A_64, %dma_start3A_202] : memref<64x128xi32, #tpu.memory_space<vmem>> -> memref<1x128xi32, #tpu.memory_space<vmem>>
        %dma_start3A_204 = tpu.memref_squeeze %dma_start3A_203 : memref<1x128xi32, #tpu.memory_space<vmem>> -> memref<128xi32, #tpu.memory_space<vmem>>
        %dma_start3A_205 = arith.constant 0 : i32
        %dma_start3A_206 = arith.constant 0 : i32
        %dma_start3A_207 = tpu.memref_slice %arg5[%dma_start3A_205, %dma_start3A_206] : memref<100002x64xf32, #tpu.memory_space<hbm>> -> memref<100002x64xf32, #tpu.memory_space<hbm>>
        tpu.enqueue_indirect_dma source(%dma_start3A_207 : memref<100002x64xf32, #tpu.memory_space<hbm>>) target(%dma_start3A_201 : memref<128x64xf32, #tpu.memory_space<vmem>>) offsets(%dma_start3A_204 : memref<128xi32, #tpu.memory_space<vmem>>) semaphore(%arg13 : memref<!tpu.dma_semaphore, #tpu.memory_space<semaphore_mem>>)
      } else {
      }
      %dma_wait3A_137 = arith.constant 0 : i32
      %dma_wait3A_138 = arith.constant 1 : i32
      %dma_wait3A_139 = arith.constant 0 : i32
      %dma_wait3A_140 = arith.constant 0 : i32
      %dma_wait3A_141 = tpu.memref_slice %arg9[%dma_wait3A_138, %dma_wait3A_139, %dma_wait3A_140] : memref<2x128x64xf32, #tpu.memory_space<vmem>> -> memref<1x128x64xf32, #tpu.memory_space<vmem>>
      %dma_wait3A_142 = tpu.memref_squeeze %dma_wait3A_141 : memref<1x128x64xf32, #tpu.memory_space<vmem>> -> memref<128x64xf32, #tpu.memory_space<vmem>>
      %dma_wait3A_143 = arith.constant 0 : i32
      %dma_wait3A_144 = tpu.memref_slice %arg7[%dma_wait3A_137, %dma_wait3A_143] : memref<64x128xi32, #tpu.memory_space<vmem>> -> memref<1x128xi32, #tpu.memory_space<vmem>>
      %dma_wait3A_145 = tpu.memref_squeeze %dma_wait3A_144 : memref<1x128xi32, #tpu.memory_space<vmem>> -> memref<128xi32, #tpu.memory_space<vmem>>
      %dma_wait3A_146 = arith.constant 0 : i32
      %dma_wait3A_147 = arith.constant 0 : i32
      %dma_wait3A_148 = tpu.memref_slice %arg4[%dma_wait3A_146, %dma_wait3A_147] : memref<7002x64xf32, #tpu.memory_space<hbm>> -> memref<7002x64xf32, #tpu.memory_space<hbm>>
      tpu.wait_indirect_dma semaphore(%arg12 : memref<!tpu.dma_semaphore, #tpu.memory_space<semaphore_mem>>) src(%dma_wait3A_148 : memref<7002x64xf32, #tpu.memory_space<hbm>>) dst(%dma_wait3A_142 : memref<128x64xf32, #tpu.memory_space<vmem>>)
      %dma_wait3A_149 = arith.constant 0 : i32
      %dma_wait3A_150 = arith.constant 1 : i32
      %dma_wait3A_151 = arith.constant 0 : i32
      %dma_wait3A_152 = arith.constant 0 : i32
      %dma_wait3A_153 = tpu.memref_slice %arg10[%dma_wait3A_150, %dma_wait3A_151, %dma_wait3A_152] : memref<2x128x64xf32, #tpu.memory_space<vmem>> -> memref<1x128x64xf32, #tpu.memory_space<vmem>>
      %dma_wait3A_154 = tpu.memref_squeeze %dma_wait3A_153 : memref<1x128x64xf32, #tpu.memory_space<vmem>> -> memref<128x64xf32, #tpu.memory_space<vmem>>
      %dma_wait3A_155 = arith.constant 0 : i32
      %dma_wait3A_156 = tpu.memref_slice %arg8[%dma_wait3A_149, %dma_wait3A_155] : memref<64x128xi32, #tpu.memory_space<vmem>> -> memref<1x128xi32, #tpu.memory_space<vmem>>
      %dma_wait3A_157 = tpu.memref_squeeze %dma_wait3A_156 : memref<1x128xi32, #tpu.memory_space<vmem>> -> memref<128xi32, #tpu.memory_space<vmem>>
      %dma_wait3A_158 = arith.constant 0 : i32
      %dma_wait3A_159 = arith.constant 0 : i32
      %dma_wait3A_160 = tpu.memref_slice %arg5[%dma_wait3A_158, %dma_wait3A_159] : memref<100002x64xf32, #tpu.memory_space<hbm>> -> memref<100002x64xf32, #tpu.memory_space<hbm>>
      tpu.wait_indirect_dma semaphore(%arg13 : memref<!tpu.dma_semaphore, #tpu.memory_space<semaphore_mem>>) src(%dma_wait3A_160 : memref<100002x64xf32, #tpu.memory_space<hbm>>) dst(%dma_wait3A_154 : memref<128x64xf32, #tpu.memory_space<vmem>>)
      %ge3A_161 = arith.constant 1 : i32
      %ge3A_162 = arith.cmpi sge, %scan3A_58, %ge3A_161 : i32
      %convert_element_type3A_163 = arith.extui %ge3A_162 : i1 to i32
      %cond3A_164 = arith.constant 0 : i32
      %cond3A_165 = arith.cmpi ne, %convert_element_type3A_163, %cond3A_164 : i32
      scf.if %cond3A_165 {
        %mul3A_186 = arith.constant 64 : i32
        %mul3A_187 = arith.muli %add3A, %mul3A_186 : i32
        %add3A_188 = arith.addi %mul3A_187, %add3A_62 : i32
        %mul3A_189 = arith.constant 16384 : i32
        %mul3A_190 = arith.muli %add3A_188, %mul3A_189 : i32
        %dma_wait3A_191 = arith.constant 1 : i32
        %dma_wait3A_192 = arith.constant 0 : i32
        %dma_wait3A_193 = tpu.memref_slice %arg11[%dma_wait3A_191, %dma_wait3A_192] : memref<2x16384xf32, #tpu.memory_space<vmem>> -> memref<1x16384xf32, #tpu.memory_space<vmem>>
        %dma_wait3A_194 = tpu.memref_squeeze %dma_wait3A_193 : memref<1x16384xf32, #tpu.memory_space<vmem>> -> memref<16384xf32, #tpu.memory_space<vmem>>
        %dma_wait3A_195 = tpu.memref_slice %arg6[%mul3A_190] : memref<33554432xf32, #tpu.memory_space<hbm>> -> memref<16384xf32, #tpu.memory_space<hbm>>
        %dma_wait3A_196 = tpu.memref_slice %arg6[%mul3A_190] : memref<33554432xf32, #tpu.memory_space<hbm>> -> memref<16384xf32, #tpu.memory_space<hbm>>
        %dma_wait3A_197 = arith.constant 0 : i32
        %dma_wait3A_198 = tpu.memref_slice %arg11[%dma_wait3A_191, %dma_wait3A_197] : memref<2x16384xf32, #tpu.memory_space<vmem>> -> memref<1x16384xf32, #tpu.memory_space<vmem>>
        %dma_wait3A_199 = tpu.memref_squeeze %dma_wait3A_198 : memref<1x16384xf32, #tpu.memory_space<vmem>> -> memref<16384xf32, #tpu.memory_space<vmem>>
        tpu.wait_dma2 semaphore(%arg14 : memref<!tpu.dma_semaphore, #tpu.memory_space<semaphore_mem>>) src(%dma_wait3A_199 : memref<16384xf32, #tpu.memory_space<vmem>>) dst(%dma_wait3A_196 : memref<16384xf32, #tpu.memory_space<hbm>>)
      } else {
      }
      %scan3A_166 = arith.constant 0 : i32
      %scan3A_167 = arith.constant 0 : i32
      %scan3A_168 = arith.constant 16 : i32
      %scan3A_169 = arith.addi %scan3A_167, %scan3A_168 : i32
      %scan3A_170 = arith.constant 1 : i32
      scf.for %scan3A_186 = %scan3A_167 to %scan3A_169 step %scan3A_170  : i32 {
        %mul3A_187 = arith.constant 8 : i32
        %mul3A_188 = arith.muli %scan3A_186, %mul3A_187 : i32
        %add3A_189 = arith.constant 0 : i32
        %add3A_190 = arith.addi %mul3A_188, %add3A_189 : i32
        %mul3A_191 = arith.constant 1024 : i32
        %mul3A_192 = arith.muli %scan3A_186, %mul3A_191 : i32
        %add3A_193 = arith.constant 0 : i32
        %add3A_194 = arith.addi %mul3A_192, %add3A_193 : i32
        %get3A = arith.constant 1 : i32
        %get3A_195 = arith.index_cast %get3A : i32 to index
        %get3A_196 = arith.index_cast %add3A_190 : i32 to index
        %get3A_197 = arith.constant 0 : index
        %get3A_198 = tpu.vector_load %arg9[%get3A_195, %get3A_196, %get3A_197] {strides = array<i32>} : memref<2x128x64xf32, #tpu.memory_space<vmem>>, vector<1x1x16xf32>,
        %get3A_199 = vector.shape_cast %get3A_198 : vector<1x1x16xf32> to vector<16xf32>
        %add3A_200 = arith.constant 0 : i32
        %add3A_201 = arith.addi %add3A_194, %add3A_200 : i32
        %swap3A = arith.constant 1 : i32
        %swap3A_202 = arith.index_cast %swap3A : i32 to index
        %swap3A_203 = arith.index_cast %add3A_201 : i32 to index
        %swap3A_204 = tpu.vector_load %arg11[%swap3A_202, %swap3A_203] {strides = array<i32>} : memref<2x16384xf32, #tpu.memory_space<vmem>>, vector<1x16xf32>,
        %swap3A_205 = vector.shape_cast %swap3A_204 : vector<1x16xf32> to vector<16xf32>
        %swap3A_206 = vector.shape_cast %get3A_199 : vector<16xf32> to vector<1x16xf32>
        tpu.vector_store %arg11[%swap3A_202, %swap3A_203], %swap3A_206 {strides = array<i32>} : memref<2x16384xf32, #tpu.memory_space<vmem>>, vector<1x16xf32>,
        %get3A_207 = arith.constant 1 : i32
        %get3A_208 = arith.index_cast %get3A_207 : i32 to index
        %get3A_209 = arith.index_cast %add3A_190 : i32 to index
        %get3A_210 = arith.constant 16 : index
        %get3A_211 = tpu.vector_load %arg9[%get3A_208, %get3A_209, %get3A_210] {strides = array<i32>} : memref<2x128x64xf32, #tpu.memory_space<vmem>>, vector<1x1x16xf32>,
        %get3A_212 = vector.shape_cast %get3A_211 : vector<1x1x16xf32> to vector<16xf32>
        %add3A_213 = arith.constant 16 : i32
        %add3A_214 = arith.addi %add3A_194, %add3A_213 : i32
        %swap3A_215 = arith.constant 1 : i32
        %swap3A_216 = arith.index_cast %swap3A_215 : i32 to index
        %swap3A_217 = arith.index_cast %add3A_214 : i32 to index
        %swap3A_218 = tpu.vector_load %arg11[%swap3A_216, %swap3A_217] {strides = array<i32>} : memref<2x16384xf32, #tpu.memory_space<vmem>>, vector<1x16xf32>,
        %swap3A_219 = vector.shape_cast %swap3A_218 : vector<1x16xf32> to vector<16xf32>
        %swap3A_220 = vector.shape_cast %get3A_212 : vector<16xf32> to vector<1x16xf32>
        tpu.vector_store %arg11[%swap3A_216, %swap3A_217], %swap3A_220 {strides = array<i32>} : memref<2x16384xf32, #tpu.memory_space<vmem>>, vector<1x16xf32>,
        %get3A_221 = arith.constant 1 : i32
        %get3A_222 = arith.index_cast %get3A_221 : i32 to index
        %get3A_223 = arith.index_cast %add3A_190 : i32 to index
        %get3A_224 = arith.constant 32 : index
        %get3A_225 = tpu.vector_load %arg9[%get3A_222, %get3A_223, %get3A_224] {strides = array<i32>} : memref<2x128x64xf32, #tpu.memory_space<vmem>>, vector<1x1x16xf32>,
        %get3A_226 = vector.shape_cast %get3A_225 : vector<1x1x16xf32> to vector<16xf32>
        %add3A_227 = arith.constant 32 : i32
        %add3A_228 = arith.addi %add3A_194, %add3A_227 : i32
        %swap3A_229 = arith.constant 1 : i32
        %swap3A_230 = arith.index_cast %swap3A_229 : i32 to index
        %swap3A_231 = arith.index_cast %add3A_228 : i32 to index
        %swap3A_232 = tpu.vector_load %arg11[%swap3A_230, %swap3A_231] {strides = array<i32>} : memref<2x16384xf32, #tpu.memory_space<vmem>>, vector<1x16xf32>,
        %swap3A_233 = vector.shape_cast %swap3A_232 : vector<1x16xf32> to vector<16xf32>
        %swap3A_234 = vector.shape_cast %get3A_226 : vector<16xf32> to vector<1x16xf32>
        tpu.vector_store %arg11[%swap3A_230, %swap3A_231], %swap3A_234 {strides = array<i32>} : memref<2x16384xf32, #tpu.memory_space<vmem>>, vector<1x16xf32>,
        %get3A_235 = arith.constant 1 : i32
        %get3A_236 = arith.index_cast %get3A_235 : i32 to index
        %get3A_237 = arith.index_cast %add3A_190 : i32 to index
        %get3A_238 = arith.constant 34 : index
        %get3A_239 = tpu.vector_load %arg9[%get3A_236, %get3A_237, %get3A_238] {strides = array<i32>} : memref<2x128x64xf32, #tpu.memory_space<vmem>>, vector<1x1x16xf32>,
        %get3A_240 = vector.shape_cast %get3A_239 : vector<1x1x16xf32> to vector<16xf32>
        %add3A_241 = arith.constant 34 : i32
        %add3A_242 = arith.addi %add3A_194, %add3A_241 : i32
        %swap3A_243 = arith.constant 1 : i32
        %swap3A_244 = arith.index_cast %swap3A_243 : i32 to index
        %swap3A_245 = arith.index_cast %add3A_242 : i32 to index
        %swap3A_246 = tpu.vector_load %arg11[%swap3A_244, %swap3A_245] {strides = array<i32>} : memref<2x16384xf32, #tpu.memory_space<vmem>>, vector<1x16xf32>,
        %swap3A_247 = vector.shape_cast %swap3A_246 : vector<1x16xf32> to vector<16xf32>
        %swap3A_248 = vector.shape_cast %get3A_240 : vector<16xf32> to vector<1x16xf32>
        tpu.vector_store %arg11[%swap3A_244, %swap3A_245], %swap3A_248 {strides = array<i32>} : memref<2x16384xf32, #tpu.memory_space<vmem>>, vector<1x16xf32>,
        %get3A_249 = arith.constant 1 : i32
        %get3A_250 = arith.index_cast %get3A_249 : i32 to index
        %get3A_251 = arith.index_cast %add3A_190 : i32 to index
        %get3A_252 = arith.constant 2 : index
        %get3A_253 = tpu.vector_load %arg10[%get3A_250, %get3A_251, %get3A_252] {strides = array<i32>} : memref<2x128x64xf32, #tpu.memory_space<vmem>>, vector<1x1x16xf32>,
        %get3A_254 = vector.shape_cast %get3A_253 : vector<1x1x16xf32> to vector<16xf32>
        %add3A_255 = arith.constant 50 : i32
        %add3A_256 = arith.addi %add3A_194, %add3A_255 : i32
        %swap3A_257 = arith.constant 1 : i32
        %swap3A_258 = arith.index_cast %swap3A_257 : i32 to index
        %swap3A_259 = arith.index_cast %add3A_256 : i32 to index
        %swap3A_260 = tpu.vector_load %arg11[%swap3A_258, %swap3A_259] {strides = array<i32>} : memref<2x16384xf32, #tpu.memory_space<vmem>>, vector<1x16xf32>,
        %swap3A_261 = vector.shape_cast %swap3A_260 : vector<1x16xf32> to vector<16xf32>
        %swap3A_262 = vector.shape_cast %get3A_254 : vector<16xf32> to vector<1x16xf32>
        tpu.vector_store %arg11[%swap3A_258, %swap3A_259], %swap3A_262 {strides = array<i32>} : memref<2x16384xf32, #tpu.memory_space<vmem>>, vector<1x16xf32>,
        %get3A_263 = arith.constant 1 : i32
        %get3A_264 = arith.index_cast %get3A_263 : i32 to index
        %get3A_265 = arith.index_cast %add3A_190 : i32 to index
        %get3A_266 = arith.constant 18 : index
        %get3A_267 = tpu.vector_load %arg10[%get3A_264, %get3A_265, %get3A_266] {strides = array<i32>} : memref<2x128x64xf32, #tpu.memory_space<vmem>>, vector<1x1x16xf32>,
        %get3A_268 = vector.shape_cast %get3A_267 : vector<1x1x16xf32> to vector<16xf32>
        %add3A_269 = arith.constant 66 : i32
        %add3A_270 = arith.addi %add3A_194, %add3A_269 : i32
        %swap3A_271 = arith.constant 1 : i32
        %swap3A_272 = arith.index_cast %swap3A_271 : i32 to index
        %swap3A_273 = arith.index_cast %add3A_270 : i32 to index
        %swap3A_274 = tpu.vector_load %arg11[%swap3A_272, %swap3A_273] {strides = array<i32>} : memref<2x16384xf32, #tpu.memory_space<vmem>>, vector<1x16xf32>,
        %swap3A_275 = vector.shape_cast %swap3A_274 : vector<1x16xf32> to vector<16xf32>
        %swap3A_276 = vector.shape_cast %get3A_268 : vector<16xf32> to vector<1x16xf32>
        tpu.vector_store %arg11[%swap3A_272, %swap3A_273], %swap3A_276 {strides = array<i32>} : memref<2x16384xf32, #tpu.memory_space<vmem>>, vector<1x16xf32>,
        %get3A_277 = arith.constant 1 : i32
        %get3A_278 = arith.index_cast %get3A_277 : i32 to index
        %get3A_279 = arith.index_cast %add3A_190 : i32 to index
        %get3A_280 = arith.constant 34 : index
        %get3A_281 = tpu.vector_load %arg10[%get3A_278, %get3A_279, %get3A_280] {strides = array<i32>} : memref<2x128x64xf32, #tpu.memory_space<vmem>>, vector<1x1x16xf32>,
        %get3A_282 = vector.shape_cast %get3A_281 : vector<1x1x16xf32> to vector<16xf32>
        %add3A_283 = arith.constant 82 : i32
        %add3A_284 = arith.addi %add3A_194, %add3A_283 : i32
        %swap3A_285 = arith.constant 1 : i32
        %swap3A_286 = arith.index_cast %swap3A_285 : i32 to index
        %swap3A_287 = arith.index_cast %add3A_284 : i32 to index
        %swap3A_288 = tpu.vector_load %arg11[%swap3A_286, %swap3A_287] {strides = array<i32>} : memref<2x16384xf32, #tpu.memory_space<vmem>>, vector<1x16xf32>,
        %swap3A_289 = vector.shape_cast %swap3A_288 : vector<1x16xf32> to vector<16xf32>
        %swap3A_290 = vector.shape_cast %get3A_282 : vector<16xf32> to vector<1x16xf32>
        tpu.vector_store %arg11[%swap3A_286, %swap3A_287], %swap3A_290 {strides = array<i32>} : memref<2x16384xf32, #tpu.memory_space<vmem>>, vector<1x16xf32>,
        %get3A_291 = arith.constant 1 : i32
        %get3A_292 = arith.index_cast %get3A_291 : i32 to index
        %get3A_293 = arith.index_cast %add3A_190 : i32 to index
        %get3A_294 = arith.constant 36 : index
        %get3A_295 = tpu.vector_load %arg10[%get3A_292, %get3A_293, %get3A_294] {strides = array<i32>} : memref<2x128x64xf32, #tpu.memory_space<vmem>>, vector<1x1x16xf32>,
        %get3A_296 = vector.shape_cast %get3A_295 : vector<1x1x16xf32> to vector<16xf32>
        %add3A_297 = arith.constant 84 : i32
        %add3A_298 = arith.addi %add3A_194, %add3A_297 : i32
        %swap3A_299 = arith.constant 1 : i32
        %swap3A_300 = arith.index_cast %swap3A_299 : i32 to index
        %swap3A_301 = arith.index_cast %add3A_298 : i32 to index
        %swap3A_302 = tpu.vector_load %arg11[%swap3A_300, %swap3A_301] {strides = array<i32>} : memref<2x16384xf32, #tpu.memory_space<vmem>>, vector<1x16xf32>,
        %swap3A_303 = vector.shape_cast %swap3A_302 : vector<1x16xf32> to vector<16xf32>
        %swap3A_304 = vector.shape_cast %get3A_296 : vector<16xf32> to vector<1x16xf32>
        tpu.vector_store %arg11[%swap3A_300, %swap3A_301], %swap3A_304 {strides = array<i32>} : memref<2x16384xf32, #tpu.memory_space<vmem>>, vector<1x16xf32>,
        %mul3A_305 = arith.constant 8 : i32
        %mul3A_306 = arith.muli %scan3A_186, %mul3A_305 : i32
        %add3A_307 = arith.constant 1 : i32
        %add3A_308 = arith.addi %mul3A_306, %add3A_307 : i32
        %mul3A_309 = arith.constant 1024 : i32
        %mul3A_310 = arith.muli %scan3A_186, %mul3A_309 : i32
        %add3A_311 = arith.constant 128 : i32
        %add3A_312 = arith.addi %mul3A_310, %add3A_311 : i32
        %get3A_313 = arith.constant 1 : i32
        %get3A_314 = arith.index_cast %get3A_313 : i32 to index
        %get3A_315 = arith.index_cast %add3A_308 : i32 to index
        %get3A_316 = arith.constant 0 : index
        %get3A_317 = tpu.vector_load %arg9[%get3A_314, %get3A_315, %get3A_316] {strides = array<i32>} : memref<2x128x64xf32, #tpu.memory_space<vmem>>, vector<1x1x16xf32>,
        %get3A_318 = vector.shape_cast %get3A_317 : vector<1x1x16xf32> to vector<16xf32>
        %add3A_319 = arith.constant 0 : i32
        %add3A_320 = arith.addi %add3A_312, %add3A_319 : i32
        %swap3A_321 = arith.constant 1 : i32
        %swap3A_322 = arith.index_cast %swap3A_321 : i32 to index
        %swap3A_323 = arith.index_cast %add3A_320 : i32 to index
        %swap3A_324 = tpu.vector_load %arg11[%swap3A_322, %swap3A_323] {strides = array<i32>} : memref<2x16384xf32, #tpu.memory_space<vmem>>, vector<1x16xf32>,
        %swap3A_325 = vector.shape_cast %swap3A_324 : vector<1x16xf32> to vector<16xf32>
        %swap3A_326 = vector.shape_cast %get3A_318 : vector<16xf32> to vector<1x16xf32>
        tpu.vector_store %arg11[%swap3A_322, %swap3A_323], %swap3A_326 {strides = array<i32>} : memref<2x16384xf32, #tpu.memory_space<vmem>>, vector<1x16xf32>,
        %get3A_327 = arith.constant 1 : i32
        %get3A_328 = arith.index_cast %get3A_327 : i32 to index
        %get3A_329 = arith.index_cast %add3A_308 : i32 to index
        %get3A_330 = arith.constant 16 : index
        %get3A_331 = tpu.vector_load %arg9[%get3A_328, %get3A_329, %get3A_330] {strides = array<i32>} : memref<2x128x64xf32, #tpu.memory_space<vmem>>, vector<1x1x16xf32>,
        %get3A_332 = vector.shape_cast %get3A_331 : vector<1x1x16xf32> to vector<16xf32>
        %add3A_333 = arith.constant 16 : i32
        %add3A_334 = arith.addi %add3A_312, %add3A_333 : i32
        %swap3A_335 = arith.constant 1 : i32
        %swap3A_336 = arith.index_cast %swap3A_335 : i32 to index
        %swap3A_337 = arith.index_cast %add3A_334 : i32 to index
        %swap3A_338 = tpu.vector_load %arg11[%swap3A_336, %swap3A_337] {strides = array<i32>} : memref<2x16384xf32, #tpu.memory_space<vmem>>, vector<1x16xf32>,
        %swap3A_339 = vector.shape_cast %swap3A_338 : vector<1x16xf32> to vector<16xf32>
        %swap3A_340 = vector.shape_cast %get3A_332 : vector<16xf32> to vector<1x16xf32>
        tpu.vector_store %arg11[%swap3A_336, %swap3A_337], %swap3A_340 {strides = array<i32>} : memref<2x16384xf32, #tpu.memory_space<vmem>>, vector<1x16xf32>,
        %get3A_341 = arith.constant 1 : i32
        %get3A_342 = arith.index_cast %get3A_341 : i32 to index
        %get3A_343 = arith.index_cast %add3A_308 : i32 to index
        %get3A_344 = arith.constant 32 : index
        %get3A_345 = tpu.vector_load %arg9[%get3A_342, %get3A_343, %get3A_344] {strides = array<i32>} : memref<2x128x64xf32, #tpu.memory_space<vmem>>, vector<1x1x16xf32>,
        %get3A_346 = vector.shape_cast %get3A_345 : vector<1x1x16xf32> to vector<16xf32>
        %add3A_347 = arith.constant 32 : i32
        %add3A_348 = arith.addi %add3A_312, %add3A_347 : i32
        %swap3A_349 = arith.constant 1 : i32
        %swap3A_350 = arith.index_cast %swap3A_349 : i32 to index
        %swap3A_351 = arith.index_cast %add3A_348 : i32 to index
        %swap3A_352 = tpu.vector_load %arg11[%swap3A_350, %swap3A_351] {strides = array<i32>} : memref<2x16384xf32, #tpu.memory_space<vmem>>, vector<1x16xf32>,
        %swap3A_353 = vector.shape_cast %swap3A_352 : vector<1x16xf32> to vector<16xf32>
        %swap3A_354 = vector.shape_cast %get3A_346 : vector<16xf32> to vector<1x16xf32>
        tpu.vector_store %arg11[%swap3A_350, %swap3A_351], %swap3A_354 {strides = array<i32>} : memref<2x16384xf32, #tpu.memory_space<vmem>>, vector<1x16xf32>,
        %get3A_355 = arith.constant 1 : i32
        %get3A_356 = arith.index_cast %get3A_355 : i32 to index
        %get3A_357 = arith.index_cast %add3A_308 : i32 to index
        %get3A_358 = arith.constant 34 : index
        %get3A_359 = tpu.vector_load %arg9[%get3A_356, %get3A_357, %get3A_358] {strides = array<i32>} : memref<2x128x64xf32, #tpu.memory_space<vmem>>, vector<1x1x16xf32>,
        %get3A_360 = vector.shape_cast %get3A_359 : vector<1x1x16xf32> to vector<16xf32>
        %add3A_361 = arith.constant 34 : i32
        %add3A_362 = arith.addi %add3A_312, %add3A_361 : i32
        %swap3A_363 = arith.constant 1 : i32
        %swap3A_364 = arith.index_cast %swap3A_363 : i32 to index
        %swap3A_365 = arith.index_cast %add3A_362 : i32 to index
        %swap3A_366 = tpu.vector_load %arg11[%swap3A_364, %swap3A_365] {strides = array<i32>} : memref<2x16384xf32, #tpu.memory_space<vmem>>, vector<1x16xf32>,
        %swap3A_367 = vector.shape_cast %swap3A_366 : vector<1x16xf32> to vector<16xf32>
        %swap3A_368 = vector.shape_cast %get3A_360 : vector<16xf32> to vector<1x16xf32>
        tpu.vector_store %arg11[%swap3A_364, %swap3A_365], %swap3A_368 {strides = array<i32>} : memref<2x16384xf32, #tpu.memory_space<vmem>>, vector<1x16xf32>,
        %get3A_369 = arith.constant 1 : i32
        %get3A_370 = arith.index_cast %get3A_369 : i32 to index
        %get3A_371 = arith.index_cast %add3A_308 : i32 to index
        %get3A_372 = arith.constant 2 : index
        %get3A_373 = tpu.vector_load %arg10[%get3A_370, %get3A_371, %get3A_372] {strides = array<i32>} : memref<2x128x64xf32, #tpu.memory_space<vmem>>, vector<1x1x16xf32>,
        %get3A_374 = vector.shape_cast %get3A_373 : vector<1x1x16xf32> to vector<16xf32>
        %add3A_375 = arith.constant 50 : i32
        %add3A_376 = arith.addi %add3A_312, %add3A_375 : i32
        %swap3A_377 = arith.constant 1 : i32
        %swap3A_378 = arith.index_cast %swap3A_377 : i32 to index
        %swap3A_379 = arith.index_cast %add3A_376 : i32 to index
        %swap3A_380 = tpu.vector_load %arg11[%swap3A_378, %swap3A_379] {strides = array<i32>} : memref<2x16384xf32, #tpu.memory_space<vmem>>, vector<1x16xf32>,
        %swap3A_381 = vector.shape_cast %swap3A_380 : vector<1x16xf32> to vector<16xf32>
        %swap3A_382 = vector.shape_cast %get3A_374 : vector<16xf32> to vector<1x16xf32>
        tpu.vector_store %arg11[%swap3A_378, %swap3A_379], %swap3A_382 {strides = array<i32>} : memref<2x16384xf32, #tpu.memory_space<vmem>>, vector<1x16xf32>,
        %get3A_383 = arith.constant 1 : i32
        %get3A_384 = arith.index_cast %get3A_383 : i32 to index
        %get3A_385 = arith.index_cast %add3A_308 : i32 to index
        %get3A_386 = arith.constant 18 : index
        %get3A_387 = tpu.vector_load %arg10[%get3A_384, %get3A_385, %get3A_386] {strides = array<i32>} : memref<2x128x64xf32, #tpu.memory_space<vmem>>, vector<1x1x16xf32>,
        %get3A_388 = vector.shape_cast %get3A_387 : vector<1x1x16xf32> to vector<16xf32>
        %add3A_389 = arith.constant 66 : i32
        %add3A_390 = arith.addi %add3A_312, %add3A_389 : i32
        %swap3A_391 = arith.constant 1 : i32
        %swap3A_392 = arith.index_cast %swap3A_391 : i32 to index
        %swap3A_393 = arith.index_cast %add3A_390 : i32 to index
        %swap3A_394 = tpu.vector_load %arg11[%swap3A_392, %swap3A_393] {strides = array<i32>} : memref<2x16384xf32, #tpu.memory_space<vmem>>, vector<1x16xf32>,
        %swap3A_395 = vector.shape_cast %swap3A_394 : vector<1x16xf32> to vector<16xf32>
        %swap3A_396 = vector.shape_cast %get3A_388 : vector<16xf32> to vector<1x16xf32>
        tpu.vector_store %arg11[%swap3A_392, %swap3A_393], %swap3A_396 {strides = array<i32>} : memref<2x16384xf32, #tpu.memory_space<vmem>>, vector<1x16xf32>,
        %get3A_397 = arith.constant 1 : i32
        %get3A_398 = arith.index_cast %get3A_397 : i32 to index
        %get3A_399 = arith.index_cast %add3A_308 : i32 to index
        %get3A_400 = arith.constant 34 : index
        %get3A_401 = tpu.vector_load %arg10[%get3A_398, %get3A_399, %get3A_400] {strides = array<i32>} : memref<2x128x64xf32, #tpu.memory_space<vmem>>, vector<1x1x16xf32>,
        %get3A_402 = vector.shape_cast %get3A_401 : vector<1x1x16xf32> to vector<16xf32>
        %add3A_403 = arith.constant 82 : i32
        %add3A_404 = arith.addi %add3A_312, %add3A_403 : i32
        %swap3A_405 = arith.constant 1 : i32
        %swap3A_406 = arith.index_cast %swap3A_405 : i32 to index
        %swap3A_407 = arith.index_cast %add3A_404 : i32 to index
        %swap3A_408 = tpu.vector_load %arg11[%swap3A_406, %swap3A_407] {strides = array<i32>} : memref<2x16384xf32, #tpu.memory_space<vmem>>, vector<1x16xf32>,
        %swap3A_409 = vector.shape_cast %swap3A_408 : vector<1x16xf32> to vector<16xf32>
        %swap3A_410 = vector.shape_cast %get3A_402 : vector<16xf32> to vector<1x16xf32>
        tpu.vector_store %arg11[%swap3A_406, %swap3A_407], %swap3A_410 {strides = array<i32>} : memref<2x16384xf32, #tpu.memory_space<vmem>>, vector<1x16xf32>,
        %get3A_411 = arith.constant 1 : i32
        %get3A_412 = arith.index_cast %get3A_411 : i32 to index
        %get3A_413 = arith.index_cast %add3A_308 : i32 to index
        %get3A_414 = arith.constant 36 : index
        %get3A_415 = tpu.vector_load %arg10[%get3A_412, %get3A_413, %get3A_414] {strides = array<i32>} : memref<2x128x64xf32, #tpu.memory_space<vmem>>, vector<1x1x16xf32>,
        %get3A_416 = vector.shape_cast %get3A_415 : vector<1x1x16xf32> to vector<16xf32>
        %add3A_417 = arith.constant 84 : i32
        %add3A_418 = arith.addi %add3A_312, %add3A_417 : i32
        %swap3A_419 = arith.constant 1 : i32
        %swap3A_420 = arith.index_cast %swap3A_419 : i32 to index
        %swap3A_421 = arith.index_cast %add3A_418 : i32 to index
        %swap3A_422 = tpu.vector_load %arg11[%swap3A_420, %swap3A_421] {strides = array<i32>} : memref<2x16384xf32, #tpu.memory_space<vmem>>, vector<1x16xf32>,
        %swap3A_423 = vector.shape_cast %swap3A_422 : vector<1x16xf32> to vector<16xf32>
        %swap3A_424 = vector.shape_cast %get3A_416 : vector<16xf32> to vector<1x16xf32>
        tpu.vector_store %arg11[%swap3A_420, %swap3A_421], %swap3A_424 {strides = array<i32>} : memref<2x16384xf32, #tpu.memory_space<vmem>>, vector<1x16xf32>,
        %mul3A_425 = arith.constant 8 : i32
        %mul3A_426 = arith.muli %scan3A_186, %mul3A_425 : i32
        %add3A_427 = arith.constant 2 : i32
        %add3A_428 = arith.addi %mul3A_426, %add3A_427 : i32
        %mul3A_429 = arith.constant 1024 : i32
        %mul3A_430 = arith.muli %scan3A_186, %mul3A_429 : i32
        %add3A_431 = arith.constant 256 : i32
        %add3A_432 = arith.addi %mul3A_430, %add3A_431 : i32
        %get3A_433 = arith.constant 1 : i32
        %get3A_434 = arith.index_cast %get3A_433 : i32 to index
        %get3A_435 = arith.index_cast %add3A_428 : i32 to index
        %get3A_436 = arith.constant 0 : index
        %get3A_437 = tpu.vector_load %arg9[%get3A_434, %get3A_435, %get3A_436] {strides = array<i32>} : memref<2x128x64xf32, #tpu.memory_space<vmem>>, vector<1x1x16xf32>,
        %get3A_438 = vector.shape_cast %get3A_437 : vector<1x1x16xf32> to vector<16xf32>
        %add3A_439 = arith.constant 0 : i32
        %add3A_440 = arith.addi %add3A_432, %add3A_439 : i32
        %swap3A_441 = arith.constant 1 : i32
        %swap3A_442 = arith.index_cast %swap3A_441 : i32 to index
        %swap3A_443 = arith.index_cast %add3A_440 : i32 to index
        %swap3A_444 = tpu.vector_load %arg11[%swap3A_442, %swap3A_443] {strides = array<i32>} : memref<2x16384xf32, #tpu.memory_space<vmem>>, vector<1x16xf32>,
        %swap3A_445 = vector.shape_cast %swap3A_444 : vector<1x16xf32> to vector<16xf32>
        %swap3A_446 = vector.shape_cast %get3A_438 : vector<16xf32> to vector<1x16xf32>
        tpu.vector_store %arg11[%swap3A_442, %swap3A_443], %swap3A_446 {strides = array<i32>} : memref<2x16384xf32, #tpu.memory_space<vmem>>, vector<1x16xf32>,
        %get3A_447 = arith.constant 1 : i32
        %get3A_448 = arith.index_cast %get3A_447 : i32 to index
        %get3A_449 = arith.index_cast %add3A_428 : i32 to index
        %get3A_450 = arith.constant 16 : index
        %get3A_451 = tpu.vector_load %arg9[%get3A_448, %get3A_449, %get3A_450] {strides = array<i32>} : memref<2x128x64xf32, #tpu.memory_space<vmem>>, vector<1x1x16xf32>,
        %get3A_452 = vector.shape_cast %get3A_451 : vector<1x1x16xf32> to vector<16xf32>
        %add3A_453 = arith.constant 16 : i32
        %add3A_454 = arith.addi %add3A_432, %add3A_453 : i32
        %swap3A_455 = arith.constant 1 : i32
        %swap3A_456 = arith.index_cast %swap3A_455 : i32 to index
        %swap3A_457 = arith.index_cast %add3A_454 : i32 to index
        %swap3A_458 = tpu.vector_load %arg11[%swap3A_456, %swap3A_457] {strides = array<i32>} : memref<2x16384xf32, #tpu.memory_space<vmem>>, vector<1x16xf32>,
        %swap3A_459 = vector.shape_cast %swap3A_458 : vector<1x16xf32> to vector<16xf32>
        %swap3A_460 = vector.shape_cast %get3A_452 : vector<16xf32> to vector<1x16xf32>
        tpu.vector_store %arg11[%swap3A_456, %swap3A_457], %swap3A_460 {strides = array<i32>} : memref<2x16384xf32, #tpu.memory_space<vmem>>, vector<1x16xf32>,
        %get3A_461 = arith.constant 1 : i32
        %get3A_462 = arith.index_cast %get3A_461 : i32 to index
        %get3A_463 = arith.index_cast %add3A_428 : i32 to index
        %get3A_464 = arith.constant 32 : index
        %get3A_465 = tpu.vector_load %arg9[%get3A_462, %get3A_463, %get3A_464] {strides = array<i32>} : memref<2x128x64xf32, #tpu.memory_space<vmem>>, vector<1x1x16xf32>,
        %get3A_466 = vector.shape_cast %get3A_465 : vector<1x1x16xf32> to vector<16xf32>
        %add3A_467 = arith.constant 32 : i32
        %add3A_468 = arith.addi %add3A_432, %add3A_467 : i32
        %swap3A_469 = arith.constant 1 : i32
        %swap3A_470 = arith.index_cast %swap3A_469 : i32 to index
        %swap3A_471 = arith.index_cast %add3A_468 : i32 to index
        %swap3A_472 = tpu.vector_load %arg11[%swap3A_470, %swap3A_471] {strides = array<i32>} : memref<2x16384xf32, #tpu.memory_space<vmem>>, vector<1x16xf32>,
        %swap3A_473 = vector.shape_cast %swap3A_472 : vector<1x16xf32> to vector<16xf32>
        %swap3A_474 = vector.shape_cast %get3A_466 : vector<16xf32> to vector<1x16xf32>
        tpu.vector_store %arg11[%swap3A_470, %swap3A_471], %swap3A_474 {strides = array<i32>} : memref<2x16384xf32, #tpu.memory_space<vmem>>, vector<1x16xf32>,
        %get3A_475 = arith.constant 1 : i32
        %get3A_476 = arith.index_cast %get3A_475 : i32 to index
        %get3A_477 = arith.index_cast %add3A_428 : i32 to index
        %get3A_478 = arith.constant 34 : index
        %get3A_479 = tpu.vector_load %arg9[%get3A_476, %get3A_477, %get3A_478] {strides = array<i32>} : memref<2x128x64xf32, #tpu.memory_space<vmem>>, vector<1x1x16xf32>,
        %get3A_480 = vector.shape_cast %get3A_479 : vector<1x1x16xf32> to vector<16xf32>
        %add3A_481 = arith.constant 34 : i32
        %add3A_482 = arith.addi %add3A_432, %add3A_481 : i32
        %swap3A_483 = arith.constant 1 : i32
        %swap3A_484 = arith.index_cast %swap3A_483 : i32 to index
        %swap3A_485 = arith.index_cast %add3A_482 : i32 to index
        %swap3A_486 = tpu.vector_load %arg11[%swap3A_484, %swap3A_485] {strides = array<i32>} : memref<2x16384xf32, #tpu.memory_space<vmem>>, vector<1x16xf32>,
        %swap3A_487 = vector.shape_cast %swap3A_486 : vector<1x16xf32> to vector<16xf32>
        %swap3A_488 = vector.shape_cast %get3A_480 : vector<16xf32> to vector<1x16xf32>
        tpu.vector_store %arg11[%swap3A_484, %swap3A_485], %swap3A_488 {strides = array<i32>} : memref<2x16384xf32, #tpu.memory_space<vmem>>, vector<1x16xf32>,
        %get3A_489 = arith.constant 1 : i32
        %get3A_490 = arith.index_cast %get3A_489 : i32 to index
        %get3A_491 = arith.index_cast %add3A_428 : i32 to index
        %get3A_492 = arith.constant 2 : index
        %get3A_493 = tpu.vector_load %arg10[%get3A_490, %get3A_491, %get3A_492] {strides = array<i32>} : memref<2x128x64xf32, #tpu.memory_space<vmem>>, vector<1x1x16xf32>,
        %get3A_494 = vector.shape_cast %get3A_493 : vector<1x1x16xf32> to vector<16xf32>
        %add3A_495 = arith.constant 50 : i32
        %add3A_496 = arith.addi %add3A_432, %add3A_495 : i32
        %swap3A_497 = arith.constant 1 : i32
        %swap3A_498 = arith.index_cast %swap3A_497 : i32 to index
        %swap3A_499 = arith.index_cast %add3A_496 : i32 to index
        %swap3A_500 = tpu.vector_load %arg11[%swap3A_498, %swap3A_499] {strides = array<i32>} : memref<2x16384xf32, #tpu.memory_space<vmem>>, vector<1x16xf32>,
        %swap3A_501 = vector.shape_cast %swap3A_500 : vector<1x16xf32> to vector<16xf32>
        %swap3A_502 = vector.shape_cast %get3A_494 : vector<16xf32> to vector<1x16xf32>
        tpu.vector_store %arg11[%swap3A_498, %swap3A_499], %swap3A_502 {strides = array<i32>} : memref<2x16384xf32, #tpu.memory_space<vmem>>, vector<1x16xf32>,
        %get3A_503 = arith.constant 1 : i32
        %get3A_504 = arith.index_cast %get3A_503 : i32 to index
        %get3A_505 = arith.index_cast %add3A_428 : i32 to index
        %get3A_506 = arith.constant 18 : index
        %get3A_507 = tpu.vector_load %arg10[%get3A_504, %get3A_505, %get3A_506] {strides = array<i32>} : memref<2x128x64xf32, #tpu.memory_space<vmem>>, vector<1x1x16xf32>,
        %get3A_508 = vector.shape_cast %get3A_507 : vector<1x1x16xf32> to vector<16xf32>
        %add3A_509 = arith.constant 66 : i32
        %add3A_510 = arith.addi %add3A_432, %add3A_509 : i32
        %swap3A_511 = arith.constant 1 : i32
        %swap3A_512 = arith.index_cast %swap3A_511 : i32 to index
        %swap3A_513 = arith.index_cast %add3A_510 : i32 to index
        %swap3A_514 = tpu.vector_load %arg11[%swap3A_512, %swap3A_513] {strides = array<i32>} : memref<2x16384xf32, #tpu.memory_space<vmem>>, vector<1x16xf32>,
        %swap3A_515 = vector.shape_cast %swap3A_514 : vector<1x16xf32> to vector<16xf32>
        %swap3A_516 = vector.shape_cast %get3A_508 : vector<16xf32> to vector<1x16xf32>
        tpu.vector_store %arg11[%swap3A_512, %swap3A_513], %swap3A_516 {strides = array<i32>} : memref<2x16384xf32, #tpu.memory_space<vmem>>, vector<1x16xf32>,
        %get3A_517 = arith.constant 1 : i32
        %get3A_518 = arith.index_cast %get3A_517 : i32 to index
        %get3A_519 = arith.index_cast %add3A_428 : i32 to index
        %get3A_520 = arith.constant 34 : index
        %get3A_521 = tpu.vector_load %arg10[%get3A_518, %get3A_519, %get3A_520] {strides = array<i32>} : memref<2x128x64xf32, #tpu.memory_space<vmem>>, vector<1x1x16xf32>,
        %get3A_522 = vector.shape_cast %get3A_521 : vector<1x1x16xf32> to vector<16xf32>
        %add3A_523 = arith.constant 82 : i32
        %add3A_524 = arith.addi %add3A_432, %add3A_523 : i32
        %swap3A_525 = arith.constant 1 : i32
        %swap3A_526 = arith.index_cast %swap3A_525 : i32 to index
        %swap3A_527 = arith.index_cast %add3A_524 : i32 to index
        %swap3A_528 = tpu.vector_load %arg11[%swap3A_526, %swap3A_527] {strides = array<i32>} : memref<2x16384xf32, #tpu.memory_space<vmem>>, vector<1x16xf32>,
        %swap3A_529 = vector.shape_cast %swap3A_528 : vector<1x16xf32> to vector<16xf32>
        %swap3A_530 = vector.shape_cast %get3A_522 : vector<16xf32> to vector<1x16xf32>
        tpu.vector_store %arg11[%swap3A_526, %swap3A_527], %swap3A_530 {strides = array<i32>} : memref<2x16384xf32, #tpu.memory_space<vmem>>, vector<1x16xf32>,
        %get3A_531 = arith.constant 1 : i32
        %get3A_532 = arith.index_cast %get3A_531 : i32 to index
        %get3A_533 = arith.index_cast %add3A_428 : i32 to index
        %get3A_534 = arith.constant 36 : index
        %get3A_535 = tpu.vector_load %arg10[%get3A_532, %get3A_533, %get3A_534] {strides = array<i32>} : memref<2x128x64xf32, #tpu.memory_space<vmem>>, vector<1x1x16xf32>,
        %get3A_536 = vector.shape_cast %get3A_535 : vector<1x1x16xf32> to vector<16xf32>
        %add3A_537 = arith.constant 84 : i32
        %add3A_538 = arith.addi %add3A_432, %add3A_537 : i32
        %swap3A_539 = arith.constant 1 : i32
        %swap3A_540 = arith.index_cast %swap3A_539 : i32 to index
        %swap3A_541 = arith.index_cast %add3A_538 : i32 to index
        %swap3A_542 = tpu.vector_load %arg11[%swap3A_540, %swap3A_541] {strides = array<i32>} : memref<2x16384xf32, #tpu.memory_space<vmem>>, vector<1x16xf32>,
        %swap3A_543 = vector.shape_cast %swap3A_542 : vector<1x16xf32> to vector<16xf32>
        %swap3A_544 = vector.shape_cast %get3A_536 : vector<16xf32> to vector<1x16xf32>
        tpu.vector_store %arg11[%swap3A_540, %swap3A_541], %swap3A_544 {strides = array<i32>} : memref<2x16384xf32, #tpu.memory_space<vmem>>, vector<1x16xf32>,
        %mul3A_545 = arith.constant 8 : i32
        %mul3A_546 = arith.muli %scan3A_186, %mul3A_545 : i32
        %add3A_547 = arith.constant 3 : i32
        %add3A_548 = arith.addi %mul3A_546, %add3A_547 : i32
        %mul3A_549 = arith.constant 1024 : i32
        %mul3A_550 = arith.muli %scan3A_186, %mul3A_549 : i32
        %add3A_551 = arith.constant 384 : i32
        %add3A_552 = arith.addi %mul3A_550, %add3A_551 : i32
        %get3A_553 = arith.constant 1 : i32
        %get3A_554 = arith.index_cast %get3A_553 : i32 to index
        %get3A_555 = arith.index_cast %add3A_548 : i32 to index
        %get3A_556 = arith.constant 0 : index
        %get3A_557 = tpu.vector_load %arg9[%get3A_554, %get3A_555, %get3A_556] {strides = array<i32>} : memref<2x128x64xf32, #tpu.memory_space<vmem>>, vector<1x1x16xf32>,
        %get3A_558 = vector.shape_cast %get3A_557 : vector<1x1x16xf32> to vector<16xf32>
        %add3A_559 = arith.constant 0 : i32
        %add3A_560 = arith.addi %add3A_552, %add3A_559 : i32
        %swap3A_561 = arith.constant 1 : i32
        %swap3A_562 = arith.index_cast %swap3A_561 : i32 to index
        %swap3A_563 = arith.index_cast %add3A_560 : i32 to index
        %swap3A_564 = tpu.vector_load %arg11[%swap3A_562, %swap3A_563] {strides = array<i32>} : memref<2x16384xf32, #tpu.memory_space<vmem>>, vector<1x16xf32>,
        %swap3A_565 = vector.shape_cast %swap3A_564 : vector<1x16xf32> to vector<16xf32>
        %swap3A_566 = vector.shape_cast %get3A_558 : vector<16xf32> to vector<1x16xf32>
        tpu.vector_store %arg11[%swap3A_562, %swap3A_563], %swap3A_566 {strides = array<i32>} : memref<2x16384xf32, #tpu.memory_space<vmem>>, vector<1x16xf32>,
        %get3A_567 = arith.constant 1 : i32
        %get3A_568 = arith.index_cast %get3A_567 : i32 to index
        %get3A_569 = arith.index_cast %add3A_548 : i32 to index
        %get3A_570 = arith.constant 16 : index
        %get3A_571 = tpu.vector_load %arg9[%get3A_568, %get3A_569, %get3A_570] {strides = array<i32>} : memref<2x128x64xf32, #tpu.memory_space<vmem>>, vector<1x1x16xf32>,
        %get3A_572 = vector.shape_cast %get3A_571 : vector<1x1x16xf32> to vector<16xf32>
        %add3A_573 = arith.constant 16 : i32
        %add3A_574 = arith.addi %add3A_552, %add3A_573 : i32
        %swap3A_575 = arith.constant 1 : i32
        %swap3A_576 = arith.index_cast %swap3A_575 : i32 to index
        %swap3A_577 = arith.index_cast %add3A_574 : i32 to index
        %swap3A_578 = tpu.vector_load %arg11[%swap3A_576, %swap3A_577] {strides = array<i32>} : memref<2x16384xf32, #tpu.memory_space<vmem>>, vector<1x16xf32>,
        %swap3A_579 = vector.shape_cast %swap3A_578 : vector<1x16xf32> to vector<16xf32>
        %swap3A_580 = vector.shape_cast %get3A_572 : vector<16xf32> to vector<1x16xf32>
        tpu.vector_store %arg11[%swap3A_576, %swap3A_577], %swap3A_580 {strides = array<i32>} : memref<2x16384xf32, #tpu.memory_space<vmem>>, vector<1x16xf32>,
        %get3A_581 = arith.constant 1 : i32
        %get3A_582 = arith.index_cast %get3A_581 : i32 to index
        %get3A_583 = arith.index_cast %add3A_548 : i32 to index
        %get3A_584 = arith.constant 32 : index
        %get3A_585 = tpu.vector_load %arg9[%get3A_582, %get3A_583, %get3A_584] {strides = array<i32>} : memref<2x128x64xf32, #tpu.memory_space<vmem>>, vector<1x1x16xf32>,
        %get3A_586 = vector.shape_cast %get3A_585 : vector<1x1x16xf32> to vector<16xf32>
        %add3A_587 = arith.constant 32 : i32
        %add3A_588 = arith.addi %add3A_552, %add3A_587 : i32
        %swap3A_589 = arith.constant 1 : i32
        %swap3A_590 = arith.index_cast %swap3A_589 : i32 to index
        %swap3A_591 = arith.index_cast %add3A_588 : i32 to index
        %swap3A_592 = tpu.vector_load %arg11[%swap3A_590, %swap3A_591] {strides = array<i32>} : memref<2x16384xf32, #tpu.memory_space<vmem>>, vector<1x16xf32>,
        %swap3A_593 = vector.shape_cast %swap3A_592 : vector<1x16xf32> to vector<16xf32>
        %swap3A_594 = vector.shape_cast %get3A_586 : vector<16xf32> to vector<1x16xf32>
        tpu.vector_store %arg11[%swap3A_590, %swap3A_591], %swap3A_594 {strides = array<i32>} : memref<2x16384xf32, #tpu.memory_space<vmem>>, vector<1x16xf32>,
        %get3A_595 = arith.constant 1 : i32
        %get3A_596 = arith.index_cast %get3A_595 : i32 to index
        %get3A_597 = arith.index_cast %add3A_548 : i32 to index
        %get3A_598 = arith.constant 34 : index
        %get3A_599 = tpu.vector_load %arg9[%get3A_596, %get3A_597, %get3A_598] {strides = array<i32>} : memref<2x128x64xf32, #tpu.memory_space<vmem>>, vector<1x1x16xf32>,
        %get3A_600 = vector.shape_cast %get3A_599 : vector<1x1x16xf32> to vector<16xf32>
        %add3A_601 = arith.constant 34 : i32
        %add3A_602 = arith.addi %add3A_552, %add3A_601 : i32
        %swap3A_603 = arith.constant 1 : i32
        %swap3A_604 = arith.index_cast %swap3A_603 : i32 to index
        %swap3A_605 = arith.index_cast %add3A_602 : i32 to index
        %swap3A_606 = tpu.vector_load %arg11[%swap3A_604, %swap3A_605] {strides = array<i32>} : memref<2x16384xf32, #tpu.memory_space<vmem>>, vector<1x16xf32>,
        %swap3A_607 = vector.shape_cast %swap3A_606 : vector<1x16xf32> to vector<16xf32>
        %swap3A_608 = vector.shape_cast %get3A_600 : vector<16xf32> to vector<1x16xf32>
        tpu.vector_store %arg11[%swap3A_604, %swap3A_605], %swap3A_608 {strides = array<i32>} : memref<2x16384xf32, #tpu.memory_space<vmem>>, vector<1x16xf32>,
        %get3A_609 = arith.constant 1 : i32
        %get3A_610 = arith.index_cast %get3A_609 : i32 to index
        %get3A_611 = arith.index_cast %add3A_548 : i32 to index
        %get3A_612 = arith.constant 2 : index
        %get3A_613 = tpu.vector_load %arg10[%get3A_610, %get3A_611, %get3A_612] {strides = array<i32>} : memref<2x128x64xf32, #tpu.memory_space<vmem>>, vector<1x1x16xf32>,
        %get3A_614 = vector.shape_cast %get3A_613 : vector<1x1x16xf32> to vector<16xf32>
        %add3A_615 = arith.constant 50 : i32
        %add3A_616 = arith.addi %add3A_552, %add3A_615 : i32
        %swap3A_617 = arith.constant 1 : i32
        %swap3A_618 = arith.index_cast %swap3A_617 : i32 to index
        %swap3A_619 = arith.index_cast %add3A_616 : i32 to index
        %swap3A_620 = tpu.vector_load %arg11[%swap3A_618, %swap3A_619] {strides = array<i32>} : memref<2x16384xf32, #tpu.memory_space<vmem>>, vector<1x16xf32>,
        %swap3A_621 = vector.shape_cast %swap3A_620 : vector<1x16xf32> to vector<16xf32>
        %swap3A_622 = vector.shape_cast %get3A_614 : vector<16xf32> to vector<1x16xf32>
        tpu.vector_store %arg11[%swap3A_618, %swap3A_619], %swap3A_622 {strides = array<i32>} : memref<2x16384xf32, #tpu.memory_space<vmem>>, vector<1x16xf32>,
        %get3A_623 = arith.constant 1 : i32
        %get3A_624 = arith.index_cast %get3A_623 : i32 to index
        %get3A_625 = arith.index_cast %add3A_548 : i32 to index
        %get3A_626 = arith.constant 18 : index
        %get3A_627 = tpu.vector_load %arg10[%get3A_624, %get3A_625, %get3A_626] {strides = array<i32>} : memref<2x128x64xf32, #tpu.memory_space<vmem>>, vector<1x1x16xf32>,
        %get3A_628 = vector.shape_cast %get3A_627 : vector<1x1x16xf32> to vector<16xf32>
        %add3A_629 = arith.constant 66 : i32
        %add3A_630 = arith.addi %add3A_552, %add3A_629 : i32
        %swap3A_631 = arith.constant 1 : i32
        %swap3A_632 = arith.index_cast %swap3A_631 : i32 to index
        %swap3A_633 = arith.index_cast %add3A_630 : i32 to index
        %swap3A_634 = tpu.vector_load %arg11[%swap3A_632, %swap3A_633] {strides = array<i32>} : memref<2x16384xf32, #tpu.memory_space<vmem>>, vector<1x16xf32>,
        %swap3A_635 = vector.shape_cast %swap3A_634 : vector<1x16xf32> to vector<16xf32>
        %swap3A_636 = vector.shape_cast %get3A_628 : vector<16xf32> to vector<1x16xf32>
        tpu.vector_store %arg11[%swap3A_632, %swap3A_633], %swap3A_636 {strides = array<i32>} : memref<2x16384xf32, #tpu.memory_space<vmem>>, vector<1x16xf32>,
        %get3A_637 = arith.constant 1 : i32
        %get3A_638 = arith.index_cast %get3A_637 : i32 to index
        %get3A_639 = arith.index_cast %add3A_548 : i32 to index
        %get3A_640 = arith.constant 34 : index
        %get3A_641 = tpu.vector_load %arg10[%get3A_638, %get3A_639, %get3A_640] {strides = array<i32>} : memref<2x128x64xf32, #tpu.memory_space<vmem>>, vector<1x1x16xf32>,
        %get3A_642 = vector.shape_cast %get3A_641 : vector<1x1x16xf32> to vector<16xf32>
        %add3A_643 = arith.constant 82 : i32
        %add3A_644 = arith.addi %add3A_552, %add3A_643 : i32
        %swap3A_645 = arith.constant 1 : i32
        %swap3A_646 = arith.index_cast %swap3A_645 : i32 to index
        %swap3A_647 = arith.index_cast %add3A_644 : i32 to index
        %swap3A_648 = tpu.vector_load %arg11[%swap3A_646, %swap3A_647] {strides = array<i32>} : memref<2x16384xf32, #tpu.memory_space<vmem>>, vector<1x16xf32>,
        %swap3A_649 = vector.shape_cast %swap3A_648 : vector<1x16xf32> to vector<16xf32>
        %swap3A_650 = vector.shape_cast %get3A_642 : vector<16xf32> to vector<1x16xf32>
        tpu.vector_store %arg11[%swap3A_646, %swap3A_647], %swap3A_650 {strides = array<i32>} : memref<2x16384xf32, #tpu.memory_space<vmem>>, vector<1x16xf32>,
        %get3A_651 = arith.constant 1 : i32
        %get3A_652 = arith.index_cast %get3A_651 : i32 to index
        %get3A_653 = arith.index_cast %add3A_548 : i32 to index
        %get3A_654 = arith.constant 36 : index
        %get3A_655 = tpu.vector_load %arg10[%get3A_652, %get3A_653, %get3A_654] {strides = array<i32>} : memref<2x128x64xf32, #tpu.memory_space<vmem>>, vector<1x1x16xf32>,
        %get3A_656 = vector.shape_cast %get3A_655 : vector<1x1x16xf32> to vector<16xf32>
        %add3A_657 = arith.constant 84 : i32
        %add3A_658 = arith.addi %add3A_552, %add3A_657 : i32
        %swap3A_659 = arith.constant 1 : i32
        %swap3A_660 = arith.index_cast %swap3A_659 : i32 to index
        %swap3A_661 = arith.index_cast %add3A_658 : i32 to index
        %swap3A_662 = tpu.vector_load %arg11[%swap3A_660, %swap3A_661] {strides = array<i32>} : memref<2x16384xf32, #tpu.memory_space<vmem>>, vector<1x16xf32>,
        %swap3A_663 = vector.shape_cast %swap3A_662 : vector<1x16xf32> to vector<16xf32>
        %swap3A_664 = vector.shape_cast %get3A_656 : vector<16xf32> to vector<1x16xf32>
        tpu.vector_store %arg11[%swap3A_660, %swap3A_661], %swap3A_664 {strides = array<i32>} : memref<2x16384xf32, #tpu.memory_space<vmem>>, vector<1x16xf32>,
        %mul3A_665 = arith.constant 8 : i32
        %mul3A_666 = arith.muli %scan3A_186, %mul3A_665 : i32
        %add3A_667 = arith.constant 4 : i32
        %add3A_668 = arith.addi %mul3A_666, %add3A_667 : i32
        %mul3A_669 = arith.constant 1024 : i32
        %mul3A_670 = arith.muli %scan3A_186, %mul3A_669 : i32
        %add3A_671 = arith.constant 512 : i32
        %add3A_672 = arith.addi %mul3A_670, %add3A_671 : i32
        %get3A_673 = arith.constant 1 : i32
        %get3A_674 = arith.index_cast %get3A_673 : i32 to index
        %get3A_675 = arith.index_cast %add3A_668 : i32 to index
        %get3A_676 = arith.constant 0 : index
        %get3A_677 = tpu.vector_load %arg9[%get3A_674, %get3A_675, %get3A_676] {strides = array<i32>} : memref<2x128x64xf32, #tpu.memory_space<vmem>>, vector<1x1x16xf32>,
        %get3A_678 = vector.shape_cast %get3A_677 : vector<1x1x16xf32> to vector<16xf32>
        %add3A_679 = arith.constant 0 : i32
        %add3A_680 = arith.addi %add3A_672, %add3A_679 : i32
        %swap3A_681 = arith.constant 1 : i32
        %swap3A_682 = arith.index_cast %swap3A_681 : i32 to index
        %swap3A_683 = arith.index_cast %add3A_680 : i32 to index
        %swap3A_684 = tpu.vector_load %arg11[%swap3A_682, %swap3A_683] {strides = array<i32>} : memref<2x16384xf32, #tpu.memory_space<vmem>>, vector<1x16xf32>,
        %swap3A_685 = vector.shape_cast %swap3A_684 : vector<1x16xf32> to vector<16xf32>
        %swap3A_686 = vector.shape_cast %get3A_678 : vector<16xf32> to vector<1x16xf32>
        tpu.vector_store %arg11[%swap3A_682, %swap3A_683], %swap3A_686 {strides = array<i32>} : memref<2x16384xf32, #tpu.memory_space<vmem>>, vector<1x16xf32>,
        %get3A_687 = arith.constant 1 : i32
        %get3A_688 = arith.index_cast %get3A_687 : i32 to index
        %get3A_689 = arith.index_cast %add3A_668 : i32 to index
        %get3A_690 = arith.constant 16 : index
        %get3A_691 = tpu.vector_load %arg9[%get3A_688, %get3A_689, %get3A_690] {strides = array<i32>} : memref<2x128x64xf32, #tpu.memory_space<vmem>>, vector<1x1x16xf32>,
        %get3A_692 = vector.shape_cast %get3A_691 : vector<1x1x16xf32> to vector<16xf32>
        %add3A_693 = arith.constant 16 : i32
        %add3A_694 = arith.addi %add3A_672, %add3A_693 : i32
        %swap3A_695 = arith.constant 1 : i32
        %swap3A_696 = arith.index_cast %swap3A_695 : i32 to index
        %swap3A_697 = arith.index_cast %add3A_694 : i32 to index
        %swap3A_698 = tpu.vector_load %arg11[%swap3A_696, %swap3A_697] {strides = array<i32>} : memref<2x16384xf32, #tpu.memory_space<vmem>>, vector<1x16xf32>,
        %swap3A_699 = vector.shape_cast %swap3A_698 : vector<1x16xf32> to vector<16xf32>
        %swap3A_700 = vector.shape_cast %get3A_692 : vector<16xf32> to vector<1x16xf32>
        tpu.vector_store %arg11[%swap3A_696, %swap3A_697], %swap3A_700 {strides = array<i32>} : memref<2x16384xf32, #tpu.memory_space<vmem>>, vector<1x16xf32>,
        %get3A_701 = arith.constant 1 : i32
        %get3A_702 = arith.index_cast %get3A_701 : i32 to index
        %get3A_703 = arith.index_cast %add3A_668 : i32 to index
        %get3A_704 = arith.constant 32 : index
        %get3A_705 = tpu.vector_load %arg9[%get3A_702, %get3A_703, %get3A_704] {strides = array<i32>} : memref<2x128x64xf32, #tpu.memory_space<vmem>>, vector<1x1x16xf32>,
        %get3A_706 = vector.shape_cast %get3A_705 : vector<1x1x16xf32> to vector<16xf32>
        %add3A_707 = arith.constant 32 : i32
        %add3A_708 = arith.addi %add3A_672, %add3A_707 : i32
        %swap3A_709 = arith.constant 1 : i32
        %swap3A_710 = arith.index_cast %swap3A_709 : i32 to index
        %swap3A_711 = arith.index_cast %add3A_708 : i32 to index
        %swap3A_712 = tpu.vector_load %arg11[%swap3A_710, %swap3A_711] {strides = array<i32>} : memref<2x16384xf32, #tpu.memory_space<vmem>>, vector<1x16xf32>,
        %swap3A_713 = vector.shape_cast %swap3A_712 : vector<1x16xf32> to vector<16xf32>
        %swap3A_714 = vector.shape_cast %get3A_706 : vector<16xf32> to vector<1x16xf32>
        tpu.vector_store %arg11[%swap3A_710, %swap3A_711], %swap3A_714 {strides = array<i32>} : memref<2x16384xf32, #tpu.memory_space<vmem>>, vector<1x16xf32>,
        %get3A_715 = arith.constant 1 : i32
        %get3A_716 = arith.index_cast %get3A_715 : i32 to index
        %get3A_717 = arith.index_cast %add3A_668 : i32 to index
        %get3A_718 = arith.constant 34 : index
        %get3A_719 = tpu.vector_load %arg9[%get3A_716, %get3A_717, %get3A_718] {strides = array<i32>} : memref<2x128x64xf32, #tpu.memory_space<vmem>>, vector<1x1x16xf32>,
        %get3A_720 = vector.shape_cast %get3A_719 : vector<1x1x16xf32> to vector<16xf32>
        %add3A_721 = arith.constant 34 : i32
        %add3A_722 = arith.addi %add3A_672, %add3A_721 : i32
        %swap3A_723 = arith.constant 1 : i32
        %swap3A_724 = arith.index_cast %swap3A_723 : i32 to index
        %swap3A_725 = arith.index_cast %add3A_722 : i32 to index
        %swap3A_726 = tpu.vector_load %arg11[%swap3A_724, %swap3A_725] {strides = array<i32>} : memref<2x16384xf32, #tpu.memory_space<vmem>>, vector<1x16xf32>,
        %swap3A_727 = vector.shape_cast %swap3A_726 : vector<1x16xf32> to vector<16xf32>
        %swap3A_728 = vector.shape_cast %get3A_720 : vector<16xf32> to vector<1x16xf32>
        tpu.vector_store %arg11[%swap3A_724, %swap3A_725], %swap3A_728 {strides = array<i32>} : memref<2x16384xf32, #tpu.memory_space<vmem>>, vector<1x16xf32>,
        %get3A_729 = arith.constant 1 : i32
        %get3A_730 = arith.index_cast %get3A_729 : i32 to index
        %get3A_731 = arith.index_cast %add3A_668 : i32 to index
        %get3A_732 = arith.constant 2 : index
        %get3A_733 = tpu.vector_load %arg10[%get3A_730, %get3A_731, %get3A_732] {strides = array<i32>} : memref<2x128x64xf32, #tpu.memory_space<vmem>>, vector<1x1x16xf32>,
        %get3A_734 = vector.shape_cast %get3A_733 : vector<1x1x16xf32> to vector<16xf32>
        %add3A_735 = arith.constant 50 : i32
        %add3A_736 = arith.addi %add3A_672, %add3A_735 : i32
        %swap3A_737 = arith.constant 1 : i32
        %swap3A_738 = arith.index_cast %swap3A_737 : i32 to index
        %swap3A_739 = arith.index_cast %add3A_736 : i32 to index
        %swap3A_740 = tpu.vector_load %arg11[%swap3A_738, %swap3A_739] {strides = array<i32>} : memref<2x16384xf32, #tpu.memory_space<vmem>>, vector<1x16xf32>,
        %swap3A_741 = vector.shape_cast %swap3A_740 : vector<1x16xf32> to vector<16xf32>
        %swap3A_742 = vector.shape_cast %get3A_734 : vector<16xf32> to vector<1x16xf32>
        tpu.vector_store %arg11[%swap3A_738, %swap3A_739], %swap3A_742 {strides = array<i32>} : memref<2x16384xf32, #tpu.memory_space<vmem>>, vector<1x16xf32>,
        %get3A_743 = arith.constant 1 : i32
        %get3A_744 = arith.index_cast %get3A_743 : i32 to index
        %get3A_745 = arith.index_cast %add3A_668 : i32 to index
        %get3A_746 = arith.constant 18 : index
        %get3A_747 = tpu.vector_load %arg10[%get3A_744, %get3A_745, %get3A_746] {strides = array<i32>} : memref<2x128x64xf32, #tpu.memory_space<vmem>>, vector<1x1x16xf32>,
        %get3A_748 = vector.shape_cast %get3A_747 : vector<1x1x16xf32> to vector<16xf32>
        %add3A_749 = arith.constant 66 : i32
        %add3A_750 = arith.addi %add3A_672, %add3A_749 : i32
        %swap3A_751 = arith.constant 1 : i32
        %swap3A_752 = arith.index_cast %swap3A_751 : i32 to index
        %swap3A_753 = arith.index_cast %add3A_750 : i32 to index
        %swap3A_754 = tpu.vector_load %arg11[%swap3A_752, %swap3A_753] {strides = array<i32>} : memref<2x16384xf32, #tpu.memory_space<vmem>>, vector<1x16xf32>,
        %swap3A_755 = vector.shape_cast %swap3A_754 : vector<1x16xf32> to vector<16xf32>
        %swap3A_756 = vector.shape_cast %get3A_748 : vector<16xf32> to vector<1x16xf32>
        tpu.vector_store %arg11[%swap3A_752, %swap3A_753], %swap3A_756 {strides = array<i32>} : memref<2x16384xf32, #tpu.memory_space<vmem>>, vector<1x16xf32>,
        %get3A_757 = arith.constant 1 : i32
        %get3A_758 = arith.index_cast %get3A_757 : i32 to index
        %get3A_759 = arith.index_cast %add3A_668 : i32 to index
        %get3A_760 = arith.constant 34 : index
        %get3A_761 = tpu.vector_load %arg10[%get3A_758, %get3A_759, %get3A_760] {strides = array<i32>} : memref<2x128x64xf32, #tpu.memory_space<vmem>>, vector<1x1x16xf32>,
        %get3A_762 = vector.shape_cast %get3A_761 : vector<1x1x16xf32> to vector<16xf32>
        %add3A_763 = arith.constant 82 : i32
        %add3A_764 = arith.addi %add3A_672, %add3A_763 : i32
        %swap3A_765 = arith.constant 1 : i32
        %swap3A_766 = arith.index_cast %swap3A_765 : i32 to index
        %swap3A_767 = arith.index_cast %add3A_764 : i32 to index
        %swap3A_768 = tpu.vector_load %arg11[%swap3A_766, %swap3A_767] {strides = array<i32>} : memref<2x16384xf32, #tpu.memory_space<vmem>>, vector<1x16xf32>,
        %swap3A_769 = vector.shape_cast %swap3A_768 : vector<1x16xf32> to vector<16xf32>
        %swap3A_770 = vector.shape_cast %get3A_762 : vector<16xf32> to vector<1x16xf32>
        tpu.vector_store %arg11[%swap3A_766, %swap3A_767], %swap3A_770 {strides = array<i32>} : memref<2x16384xf32, #tpu.memory_space<vmem>>, vector<1x16xf32>,
        %get3A_771 = arith.constant 1 : i32
        %get3A_772 = arith.index_cast %get3A_771 : i32 to index
        %get3A_773 = arith.index_cast %add3A_668 : i32 to index
        %get3A_774 = arith.constant 36 : index
        %get3A_775 = tpu.vector_load %arg10[%get3A_772, %get3A_773, %get3A_774] {strides = array<i32>} : memref<2x128x64xf32, #tpu.memory_space<vmem>>, vector<1x1x16xf32>,
        %get3A_776 = vector.shape_cast %get3A_775 : vector<1x1x16xf32> to vector<16xf32>
        %add3A_777 = arith.constant 84 : i32
        %add3A_778 = arith.addi %add3A_672, %add3A_777 : i32
        %swap3A_779 = arith.constant 1 : i32
        %swap3A_780 = arith.index_cast %swap3A_779 : i32 to index
        %swap3A_781 = arith.index_cast %add3A_778 : i32 to index
        %swap3A_782 = tpu.vector_load %arg11[%swap3A_780, %swap3A_781] {strides = array<i32>} : memref<2x16384xf32, #tpu.memory_space<vmem>>, vector<1x16xf32>,
        %swap3A_783 = vector.shape_cast %swap3A_782 : vector<1x16xf32> to vector<16xf32>
        %swap3A_784 = vector.shape_cast %get3A_776 : vector<16xf32> to vector<1x16xf32>
        tpu.vector_store %arg11[%swap3A_780, %swap3A_781], %swap3A_784 {strides = array<i32>} : memref<2x16384xf32, #tpu.memory_space<vmem>>, vector<1x16xf32>,
        %mul3A_785 = arith.constant 8 : i32
        %mul3A_786 = arith.muli %scan3A_186, %mul3A_785 : i32
        %add3A_787 = arith.constant 5 : i32
        %add3A_788 = arith.addi %mul3A_786, %add3A_787 : i32
        %mul3A_789 = arith.constant 1024 : i32
        %mul3A_790 = arith.muli %scan3A_186, %mul3A_789 : i32
        %add3A_791 = arith.constant 640 : i32
        %add3A_792 = arith.addi %mul3A_790, %add3A_791 : i32
        %get3A_793 = arith.constant 1 : i32
        %get3A_794 = arith.index_cast %get3A_793 : i32 to index
        %get3A_795 = arith.index_cast %add3A_788 : i32 to index
        %get3A_796 = arith.constant 0 : index
        %get3A_797 = tpu.vector_load %arg9[%get3A_794, %get3A_795, %get3A_796] {strides = array<i32>} : memref<2x128x64xf32, #tpu.memory_space<vmem>>, vector<1x1x16xf32>,
        %get3A_798 = vector.shape_cast %get3A_797 : vector<1x1x16xf32> to vector<16xf32>
        %add3A_799 = arith.constant 0 : i32
        %add3A_800 = arith.addi %add3A_792, %add3A_799 : i32
        %swap3A_801 = arith.constant 1 : i32
        %swap3A_802 = arith.index_cast %swap3A_801 : i32 to index
        %swap3A_803 = arith.index_cast %add3A_800 : i32 to index
        %swap3A_804 = tpu.vector_load %arg11[%swap3A_802, %swap3A_803] {strides = array<i32>} : memref<2x16384xf32, #tpu.memory_space<vmem>>, vector<1x16xf32>,
        %swap3A_805 = vector.shape_cast %swap3A_804 : vector<1x16xf32> to vector<16xf32>
        %swap3A_806 = vector.shape_cast %get3A_798 : vector<16xf32> to vector<1x16xf32>
        tpu.vector_store %arg11[%swap3A_802, %swap3A_803], %swap3A_806 {strides = array<i32>} : memref<2x16384xf32, #tpu.memory_space<vmem>>, vector<1x16xf32>,
        %get3A_807 = arith.constant 1 : i32
        %get3A_808 = arith.index_cast %get3A_807 : i32 to index
        %get3A_809 = arith.index_cast %add3A_788 : i32 to index
        %get3A_810 = arith.constant 16 : index
        %get3A_811 = tpu.vector_load %arg9[%get3A_808, %get3A_809, %get3A_810] {strides = array<i32>} : memref<2x128x64xf32, #tpu.memory_space<vmem>>, vector<1x1x16xf32>,
        %get3A_812 = vector.shape_cast %get3A_811 : vector<1x1x16xf32> to vector<16xf32>
        %add3A_813 = arith.constant 16 : i32
        %add3A_814 = arith.addi %add3A_792, %add3A_813 : i32
        %swap3A_815 = arith.constant 1 : i32
        %swap3A_816 = arith.index_cast %swap3A_815 : i32 to index
        %swap3A_817 = arith.index_cast %add3A_814 : i32 to index
        %swap3A_818 = tpu.vector_load %arg11[%swap3A_816, %swap3A_817] {strides = array<i32>} : memref<2x16384xf32, #tpu.memory_space<vmem>>, vector<1x16xf32>,
        %swap3A_819 = vector.shape_cast %swap3A_818 : vector<1x16xf32> to vector<16xf32>
        %swap3A_820 = vector.shape_cast %get3A_812 : vector<16xf32> to vector<1x16xf32>
        tpu.vector_store %arg11[%swap3A_816, %swap3A_817], %swap3A_820 {strides = array<i32>} : memref<2x16384xf32, #tpu.memory_space<vmem>>, vector<1x16xf32>,
        %get3A_821 = arith.constant 1 : i32
        %get3A_822 = arith.index_cast %get3A_821 : i32 to index
        %get3A_823 = arith.index_cast %add3A_788 : i32 to index
        %get3A_824 = arith.constant 32 : index
        %get3A_825 = tpu.vector_load %arg9[%get3A_822, %get3A_823, %get3A_824] {strides = array<i32>} : memref<2x128x64xf32, #tpu.memory_space<vmem>>, vector<1x1x16xf32>,
        %get3A_826 = vector.shape_cast %get3A_825 : vector<1x1x16xf32> to vector<16xf32>
        %add3A_827 = arith.constant 32 : i32
        %add3A_828 = arith.addi %add3A_792, %add3A_827 : i32
        %swap3A_829 = arith.constant 1 : i32
        %swap3A_830 = arith.index_cast %swap3A_829 : i32 to index
        %swap3A_831 = arith.index_cast %add3A_828 : i32 to index
        %swap3A_832 = tpu.vector_load %arg11[%swap3A_830, %swap3A_831] {strides = array<i32>} : memref<2x16384xf32, #tpu.memory_space<vmem>>, vector<1x16xf32>,
        %swap3A_833 = vector.shape_cast %swap3A_832 : vector<1x16xf32> to vector<16xf32>
        %swap3A_834 = vector.shape_cast %get3A_826 : vector<16xf32> to vector<1x16xf32>
        tpu.vector_store %arg11[%swap3A_830, %swap3A_831], %swap3A_834 {strides = array<i32>} : memref<2x16384xf32, #tpu.memory_space<vmem>>, vector<1x16xf32>,
        %get3A_835 = arith.constant 1 : i32
        %get3A_836 = arith.index_cast %get3A_835 : i32 to index
        %get3A_837 = arith.index_cast %add3A_788 : i32 to index
        %get3A_838 = arith.constant 34 : index
        %get3A_839 = tpu.vector_load %arg9[%get3A_836, %get3A_837, %get3A_838] {strides = array<i32>} : memref<2x128x64xf32, #tpu.memory_space<vmem>>, vector<1x1x16xf32>,
        %get3A_840 = vector.shape_cast %get3A_839 : vector<1x1x16xf32> to vector<16xf32>
        %add3A_841 = arith.constant 34 : i32
        %add3A_842 = arith.addi %add3A_792, %add3A_841 : i32
        %swap3A_843 = arith.constant 1 : i32
        %swap3A_844 = arith.index_cast %swap3A_843 : i32 to index
        %swap3A_845 = arith.index_cast %add3A_842 : i32 to index
        %swap3A_846 = tpu.vector_load %arg11[%swap3A_844, %swap3A_845] {strides = array<i32>} : memref<2x16384xf32, #tpu.memory_space<vmem>>, vector<1x16xf32>,
        %swap3A_847 = vector.shape_cast %swap3A_846 : vector<1x16xf32> to vector<16xf32>
        %swap3A_848 = vector.shape_cast %get3A_840 : vector<16xf32> to vector<1x16xf32>
        tpu.vector_store %arg11[%swap3A_844, %swap3A_845], %swap3A_848 {strides = array<i32>} : memref<2x16384xf32, #tpu.memory_space<vmem>>, vector<1x16xf32>,
        %get3A_849 = arith.constant 1 : i32
        %get3A_850 = arith.index_cast %get3A_849 : i32 to index
        %get3A_851 = arith.index_cast %add3A_788 : i32 to index
        %get3A_852 = arith.constant 2 : index
        %get3A_853 = tpu.vector_load %arg10[%get3A_850, %get3A_851, %get3A_852] {strides = array<i32>} : memref<2x128x64xf32, #tpu.memory_space<vmem>>, vector<1x1x16xf32>,
        %get3A_854 = vector.shape_cast %get3A_853 : vector<1x1x16xf32> to vector<16xf32>
        %add3A_855 = arith.constant 50 : i32
        %add3A_856 = arith.addi %add3A_792, %add3A_855 : i32
        %swap3A_857 = arith.constant 1 : i32
        %swap3A_858 = arith.index_cast %swap3A_857 : i32 to index
        %swap3A_859 = arith.index_cast %add3A_856 : i32 to index
        %swap3A_860 = tpu.vector_load %arg11[%swap3A_858, %swap3A_859] {strides = array<i32>} : memref<2x16384xf32, #tpu.memory_space<vmem>>, vector<1x16xf32>,
        %swap3A_861 = vector.shape_cast %swap3A_860 : vector<1x16xf32> to vector<16xf32>
        %swap3A_862 = vector.shape_cast %get3A_854 : vector<16xf32> to vector<1x16xf32>
        tpu.vector_store %arg11[%swap3A_858, %swap3A_859], %swap3A_862 {strides = array<i32>} : memref<2x16384xf32, #tpu.memory_space<vmem>>, vector<1x16xf32>,
        %get3A_863 = arith.constant 1 : i32
        %get3A_864 = arith.index_cast %get3A_863 : i32 to index
        %get3A_865 = arith.index_cast %add3A_788 : i32 to index
        %get3A_866 = arith.constant 18 : index
        %get3A_867 = tpu.vector_load %arg10[%get3A_864, %get3A_865, %get3A_866] {strides = array<i32>} : memref<2x128x64xf32, #tpu.memory_space<vmem>>, vector<1x1x16xf32>,
        %get3A_868 = vector.shape_cast %get3A_867 : vector<1x1x16xf32> to vector<16xf32>
        %add3A_869 = arith.constant 66 : i32
        %add3A_870 = arith.addi %add3A_792, %add3A_869 : i32
        %swap3A_871 = arith.constant 1 : i32
        %swap3A_872 = arith.index_cast %swap3A_871 : i32 to index
        %swap3A_873 = arith.index_cast %add3A_870 : i32 to index
        %swap3A_874 = tpu.vector_load %arg11[%swap3A_872, %swap3A_873] {strides = array<i32>} : memref<2x16384xf32, #tpu.memory_space<vmem>>, vector<1x16xf32>,
        %swap3A_875 = vector.shape_cast %swap3A_874 : vector<1x16xf32> to vector<16xf32>
        %swap3A_876 = vector.shape_cast %get3A_868 : vector<16xf32> to vector<1x16xf32>
        tpu.vector_store %arg11[%swap3A_872, %swap3A_873], %swap3A_876 {strides = array<i32>} : memref<2x16384xf32, #tpu.memory_space<vmem>>, vector<1x16xf32>,
        %get3A_877 = arith.constant 1 : i32
        %get3A_878 = arith.index_cast %get3A_877 : i32 to index
        %get3A_879 = arith.index_cast %add3A_788 : i32 to index
        %get3A_880 = arith.constant 34 : index
        %get3A_881 = tpu.vector_load %arg10[%get3A_878, %get3A_879, %get3A_880] {strides = array<i32>} : memref<2x128x64xf32, #tpu.memory_space<vmem>>, vector<1x1x16xf32>,
        %get3A_882 = vector.shape_cast %get3A_881 : vector<1x1x16xf32> to vector<16xf32>
        %add3A_883 = arith.constant 82 : i32
        %add3A_884 = arith.addi %add3A_792, %add3A_883 : i32
        %swap3A_885 = arith.constant 1 : i32
        %swap3A_886 = arith.index_cast %swap3A_885 : i32 to index
        %swap3A_887 = arith.index_cast %add3A_884 : i32 to index
        %swap3A_888 = tpu.vector_load %arg11[%swap3A_886, %swap3A_887] {strides = array<i32>} : memref<2x16384xf32, #tpu.memory_space<vmem>>, vector<1x16xf32>,
        %swap3A_889 = vector.shape_cast %swap3A_888 : vector<1x16xf32> to vector<16xf32>
        %swap3A_890 = vector.shape_cast %get3A_882 : vector<16xf32> to vector<1x16xf32>
        tpu.vector_store %arg11[%swap3A_886, %swap3A_887], %swap3A_890 {strides = array<i32>} : memref<2x16384xf32, #tpu.memory_space<vmem>>, vector<1x16xf32>,
        %get3A_891 = arith.constant 1 : i32
        %get3A_892 = arith.index_cast %get3A_891 : i32 to index
        %get3A_893 = arith.index_cast %add3A_788 : i32 to index
        %get3A_894 = arith.constant 36 : index
        %get3A_895 = tpu.vector_load %arg10[%get3A_892, %get3A_893, %get3A_894] {strides = array<i32>} : memref<2x128x64xf32, #tpu.memory_space<vmem>>, vector<1x1x16xf32>,
        %get3A_896 = vector.shape_cast %get3A_895 : vector<1x1x16xf32> to vector<16xf32>
        %add3A_897 = arith.constant 84 : i32
        %add3A_898 = arith.addi %add3A_792, %add3A_897 : i32
        %swap3A_899 = arith.constant 1 : i32
        %swap3A_900 = arith.index_cast %swap3A_899 : i32 to index
        %swap3A_901 = arith.index_cast %add3A_898 : i32 to index
        %swap3A_902 = tpu.vector_load %arg11[%swap3A_900, %swap3A_901] {strides = array<i32>} : memref<2x16384xf32, #tpu.memory_space<vmem>>, vector<1x16xf32>,
        %swap3A_903 = vector.shape_cast %swap3A_902 : vector<1x16xf32> to vector<16xf32>
        %swap3A_904 = vector.shape_cast %get3A_896 : vector<16xf32> to vector<1x16xf32>
        tpu.vector_store %arg11[%swap3A_900, %swap3A_901], %swap3A_904 {strides = array<i32>} : memref<2x16384xf32, #tpu.memory_space<vmem>>, vector<1x16xf32>,
        %mul3A_905 = arith.constant 8 : i32
        %mul3A_906 = arith.muli %scan3A_186, %mul3A_905 : i32
        %add3A_907 = arith.constant 6 : i32
        %add3A_908 = arith.addi %mul3A_906, %add3A_907 : i32
        %mul3A_909 = arith.constant 1024 : i32
        %mul3A_910 = arith.muli %scan3A_186, %mul3A_909 : i32
        %add3A_911 = arith.constant 768 : i32
        %add3A_912 = arith.addi %mul3A_910, %add3A_911 : i32
        %get3A_913 = arith.constant 1 : i32
        %get3A_914 = arith.index_cast %get3A_913 : i32 to index
        %get3A_915 = arith.index_cast %add3A_908 : i32 to index
        %get3A_916 = arith.constant 0 : index
        %get3A_917 = tpu.vector_load %arg9[%get3A_914, %get3A_915, %get3A_916] {strides = array<i32>} : memref<2x128x64xf32, #tpu.memory_space<vmem>>, vector<1x1x16xf32>,
        %get3A_918 = vector.shape_cast %get3A_917 : vector<1x1x16xf32> to vector<16xf32>
        %add3A_919 = arith.constant 0 : i32
        %add3A_920 = arith.addi %add3A_912, %add3A_919 : i32
        %swap3A_921 = arith.constant 1 : i32
        %swap3A_922 = arith.index_cast %swap3A_921 : i32 to index
        %swap3A_923 = arith.index_cast %add3A_920 : i32 to index
        %swap3A_924 = tpu.vector_load %arg11[%swap3A_922, %swap3A_923] {strides = array<i32>} : memref<2x16384xf32, #tpu.memory_space<vmem>>, vector<1x16xf32>,
        %swap3A_925 = vector.shape_cast %swap3A_924 : vector<1x16xf32> to vector<16xf32>
        %swap3A_926 = vector.shape_cast %get3A_918 : vector<16xf32> to vector<1x16xf32>
        tpu.vector_store %arg11[%swap3A_922, %swap3A_923], %swap3A_926 {strides = array<i32>} : memref<2x16384xf32, #tpu.memory_space<vmem>>, vector<1x16xf32>,
        %get3A_927 = arith.constant 1 : i32
        %get3A_928 = arith.index_cast %get3A_927 : i32 to index
        %get3A_929 = arith.index_cast %add3A_908 : i32 to index
        %get3A_930 = arith.constant 16 : index
        %get3A_931 = tpu.vector_load %arg9[%get3A_928, %get3A_929, %get3A_930] {strides = array<i32>} : memref<2x128x64xf32, #tpu.memory_space<vmem>>, vector<1x1x16xf32>,
        %get3A_932 = vector.shape_cast %get3A_931 : vector<1x1x16xf32> to vector<16xf32>
        %add3A_933 = arith.constant 16 : i32
        %add3A_934 = arith.addi %add3A_912, %add3A_933 : i32
        %swap3A_935 = arith.constant 1 : i32
        %swap3A_936 = arith.index_cast %swap3A_935 : i32 to index
        %swap3A_937 = arith.index_cast %add3A_934 : i32 to index
        %swap3A_938 = tpu.vector_load %arg11[%swap3A_936, %swap3A_937] {strides = array<i32>} : memref<2x16384xf32, #tpu.memory_space<vmem>>, vector<1x16xf32>,
        %swap3A_939 = vector.shape_cast %swap3A_938 : vector<1x16xf32> to vector<16xf32>
        %swap3A_940 = vector.shape_cast %get3A_932 : vector<16xf32> to vector<1x16xf32>
        tpu.vector_store %arg11[%swap3A_936, %swap3A_937], %swap3A_940 {strides = array<i32>} : memref<2x16384xf32, #tpu.memory_space<vmem>>, vector<1x16xf32>,
        %get3A_941 = arith.constant 1 : i32
        %get3A_942 = arith.index_cast %get3A_941 : i32 to index
        %get3A_943 = arith.index_cast %add3A_908 : i32 to index
        %get3A_944 = arith.constant 32 : index
        %get3A_945 = tpu.vector_load %arg9[%get3A_942, %get3A_943, %get3A_944] {strides = array<i32>} : memref<2x128x64xf32, #tpu.memory_space<vmem>>, vector<1x1x16xf32>,
        %get3A_946 = vector.shape_cast %get3A_945 : vector<1x1x16xf32> to vector<16xf32>
        %add3A_947 = arith.constant 32 : i32
        %add3A_948 = arith.addi %add3A_912, %add3A_947 : i32
        %swap3A_949 = arith.constant 1 : i32
        %swap3A_950 = arith.index_cast %swap3A_949 : i32 to index
        %swap3A_951 = arith.index_cast %add3A_948 : i32 to index
        %swap3A_952 = tpu.vector_load %arg11[%swap3A_950, %swap3A_951] {strides = array<i32>} : memref<2x16384xf32, #tpu.memory_space<vmem>>, vector<1x16xf32>,
        %swap3A_953 = vector.shape_cast %swap3A_952 : vector<1x16xf32> to vector<16xf32>
        %swap3A_954 = vector.shape_cast %get3A_946 : vector<16xf32> to vector<1x16xf32>
        tpu.vector_store %arg11[%swap3A_950, %swap3A_951], %swap3A_954 {strides = array<i32>} : memref<2x16384xf32, #tpu.memory_space<vmem>>, vector<1x16xf32>,
        %get3A_955 = arith.constant 1 : i32
        %get3A_956 = arith.index_cast %get3A_955 : i32 to index
        %get3A_957 = arith.index_cast %add3A_908 : i32 to index
        %get3A_958 = arith.constant 34 : index
        %get3A_959 = tpu.vector_load %arg9[%get3A_956, %get3A_957, %get3A_958] {strides = array<i32>} : memref<2x128x64xf32, #tpu.memory_space<vmem>>, vector<1x1x16xf32>,
        %get3A_960 = vector.shape_cast %get3A_959 : vector<1x1x16xf32> to vector<16xf32>
        %add3A_961 = arith.constant 34 : i32
        %add3A_962 = arith.addi %add3A_912, %add3A_961 : i32
        %swap3A_963 = arith.constant 1 : i32
        %swap3A_964 = arith.index_cast %swap3A_963 : i32 to index
        %swap3A_965 = arith.index_cast %add3A_962 : i32 to index
        %swap3A_966 = tpu.vector_load %arg11[%swap3A_964, %swap3A_965] {strides = array<i32>} : memref<2x16384xf32, #tpu.memory_space<vmem>>, vector<1x16xf32>,
        %swap3A_967 = vector.shape_cast %swap3A_966 : vector<1x16xf32> to vector<16xf32>
        %swap3A_968 = vector.shape_cast %get3A_960 : vector<16xf32> to vector<1x16xf32>
        tpu.vector_store %arg11[%swap3A_964, %swap3A_965], %swap3A_968 {strides = array<i32>} : memref<2x16384xf32, #tpu.memory_space<vmem>>, vector<1x16xf32>,
        %get3A_969 = arith.constant 1 : i32
        %get3A_970 = arith.index_cast %get3A_969 : i32 to index
        %get3A_971 = arith.index_cast %add3A_908 : i32 to index
        %get3A_972 = arith.constant 2 : index
        %get3A_973 = tpu.vector_load %arg10[%get3A_970, %get3A_971, %get3A_972] {strides = array<i32>} : memref<2x128x64xf32, #tpu.memory_space<vmem>>, vector<1x1x16xf32>,
        %get3A_974 = vector.shape_cast %get3A_973 : vector<1x1x16xf32> to vector<16xf32>
        %add3A_975 = arith.constant 50 : i32
        %add3A_976 = arith.addi %add3A_912, %add3A_975 : i32
        %swap3A_977 = arith.constant 1 : i32
        %swap3A_978 = arith.index_cast %swap3A_977 : i32 to index
        %swap3A_979 = arith.index_cast %add3A_976 : i32 to index
        %swap3A_980 = tpu.vector_load %arg11[%swap3A_978, %swap3A_979] {strides = array<i32>} : memref<2x16384xf32, #tpu.memory_space<vmem>>, vector<1x16xf32>,
        %swap3A_981 = vector.shape_cast %swap3A_980 : vector<1x16xf32> to vector<16xf32>
        %swap3A_982 = vector.shape_cast %get3A_974 : vector<16xf32> to vector<1x16xf32>
        tpu.vector_store %arg11[%swap3A_978, %swap3A_979], %swap3A_982 {strides = array<i32>} : memref<2x16384xf32, #tpu.memory_space<vmem>>, vector<1x16xf32>,
        %get3A_983 = arith.constant 1 : i32
        %get3A_984 = arith.index_cast %get3A_983 : i32 to index
        %get3A_985 = arith.index_cast %add3A_908 : i32 to index
        %get3A_986 = arith.constant 18 : index
        %get3A_987 = tpu.vector_load %arg10[%get3A_984, %get3A_985, %get3A_986] {strides = array<i32>} : memref<2x128x64xf32, #tpu.memory_space<vmem>>, vector<1x1x16xf32>,
        %get3A_988 = vector.shape_cast %get3A_987 : vector<1x1x16xf32> to vector<16xf32>
        %add3A_989 = arith.constant 66 : i32
        %add3A_990 = arith.addi %add3A_912, %add3A_989 : i32
        %swap3A_991 = arith.constant 1 : i32
        %swap3A_992 = arith.index_cast %swap3A_991 : i32 to index
        %swap3A_993 = arith.index_cast %add3A_990 : i32 to index
        %swap3A_994 = tpu.vector_load %arg11[%swap3A_992, %swap3A_993] {strides = array<i32>} : memref<2x16384xf32, #tpu.memory_space<vmem>>, vector<1x16xf32>,
        %swap3A_995 = vector.shape_cast %swap3A_994 : vector<1x16xf32> to vector<16xf32>
        %swap3A_996 = vector.shape_cast %get3A_988 : vector<16xf32> to vector<1x16xf32>
        tpu.vector_store %arg11[%swap3A_992, %swap3A_993], %swap3A_996 {strides = array<i32>} : memref<2x16384xf32, #tpu.memory_space<vmem>>, vector<1x16xf32>,
        %get3A_997 = arith.constant 1 : i32
        %get3A_998 = arith.index_cast %get3A_997 : i32 to index
        %get3A_999 = arith.index_cast %add3A_908 : i32 to index
        %get3A_1000 = arith.constant 34 : index
        %get3A_1001 = tpu.vector_load %arg10[%get3A_998, %get3A_999, %get3A_1000] {strides = array<i32>} : memref<2x128x64xf32, #tpu.memory_space<vmem>>, vector<1x1x16xf32>,
        %get3A_1002 = vector.shape_cast %get3A_1001 : vector<1x1x16xf32> to vector<16xf32>
        %add3A_1003 = arith.constant 82 : i32
        %add3A_1004 = arith.addi %add3A_912, %add3A_1003 : i32
        %swap3A_1005 = arith.constant 1 : i32
        %swap3A_1006 = arith.index_cast %swap3A_1005 : i32 to index
        %swap3A_1007 = arith.index_cast %add3A_1004 : i32 to index
        %swap3A_1008 = tpu.vector_load %arg11[%swap3A_1006, %swap3A_1007] {strides = array<i32>} : memref<2x16384xf32, #tpu.memory_space<vmem>>, vector<1x16xf32>,
        %swap3A_1009 = vector.shape_cast %swap3A_1008 : vector<1x16xf32> to vector<16xf32>
        %swap3A_1010 = vector.shape_cast %get3A_1002 : vector<16xf32> to vector<1x16xf32>
        tpu.vector_store %arg11[%swap3A_1006, %swap3A_1007], %swap3A_1010 {strides = array<i32>} : memref<2x16384xf32, #tpu.memory_space<vmem>>, vector<1x16xf32>,
        %get3A_1011 = arith.constant 1 : i32
        %get3A_1012 = arith.index_cast %get3A_1011 : i32 to index
        %get3A_1013 = arith.index_cast %add3A_908 : i32 to index
        %get3A_1014 = arith.constant 36 : index
        %get3A_1015 = tpu.vector_load %arg10[%get3A_1012, %get3A_1013, %get3A_1014] {strides = array<i32>} : memref<2x128x64xf32, #tpu.memory_space<vmem>>, vector<1x1x16xf32>,
        %get3A_1016 = vector.shape_cast %get3A_1015 : vector<1x1x16xf32> to vector<16xf32>
        %add3A_1017 = arith.constant 84 : i32
        %add3A_1018 = arith.addi %add3A_912, %add3A_1017 : i32
        %swap3A_1019 = arith.constant 1 : i32
        %swap3A_1020 = arith.index_cast %swap3A_1019 : i32 to index
        %swap3A_1021 = arith.index_cast %add3A_1018 : i32 to index
        %swap3A_1022 = tpu.vector_load %arg11[%swap3A_1020, %swap3A_1021] {strides = array<i32>} : memref<2x16384xf32, #tpu.memory_space<vmem>>, vector<1x16xf32>,
        %swap3A_1023 = vector.shape_cast %swap3A_1022 : vector<1x16xf32> to vector<16xf32>
        %swap3A_1024 = vector.shape_cast %get3A_1016 : vector<16xf32> to vector<1x16xf32>
        tpu.vector_store %arg11[%swap3A_1020, %swap3A_1021], %swap3A_1024 {strides = array<i32>} : memref<2x16384xf32, #tpu.memory_space<vmem>>, vector<1x16xf32>,
        %mul3A_1025 = arith.constant 8 : i32
        %mul3A_1026 = arith.muli %scan3A_186, %mul3A_1025 : i32
        %add3A_1027 = arith.constant 7 : i32
        %add3A_1028 = arith.addi %mul3A_1026, %add3A_1027 : i32
        %mul3A_1029 = arith.constant 1024 : i32
        %mul3A_1030 = arith.muli %scan3A_186, %mul3A_1029 : i32
        %add3A_1031 = arith.constant 896 : i32
        %add3A_1032 = arith.addi %mul3A_1030, %add3A_1031 : i32
        %get3A_1033 = arith.constant 1 : i32
        %get3A_1034 = arith.index_cast %get3A_1033 : i32 to index
        %get3A_1035 = arith.index_cast %add3A_1028 : i32 to index
        %get3A_1036 = arith.constant 0 : index
        %get3A_1037 = tpu.vector_load %arg9[%get3A_1034, %get3A_1035, %get3A_1036] {strides = array<i32>} : memref<2x128x64xf32, #tpu.memory_space<vmem>>, vector<1x1x16xf32>,
        %get3A_1038 = vector.shape_cast %get3A_1037 : vector<1x1x16xf32> to vector<16xf32>
        %add3A_1039 = arith.constant 0 : i32
        %add3A_1040 = arith.addi %add3A_1032, %add3A_1039 : i32
        %swap3A_1041 = arith.constant 1 : i32
        %swap3A_1042 = arith.index_cast %swap3A_1041 : i32 to index
        %swap3A_1043 = arith.index_cast %add3A_1040 : i32 to index
        %swap3A_1044 = tpu.vector_load %arg11[%swap3A_1042, %swap3A_1043] {strides = array<i32>} : memref<2x16384xf32, #tpu.memory_space<vmem>>, vector<1x16xf32>,
        %swap3A_1045 = vector.shape_cast %swap3A_1044 : vector<1x16xf32> to vector<16xf32>
        %swap3A_1046 = vector.shape_cast %get3A_1038 : vector<16xf32> to vector<1x16xf32>
        tpu.vector_store %arg11[%swap3A_1042, %swap3A_1043], %swap3A_1046 {strides = array<i32>} : memref<2x16384xf32, #tpu.memory_space<vmem>>, vector<1x16xf32>,
        %get3A_1047 = arith.constant 1 : i32
        %get3A_1048 = arith.index_cast %get3A_1047 : i32 to index
        %get3A_1049 = arith.index_cast %add3A_1028 : i32 to index
        %get3A_1050 = arith.constant 16 : index
        %get3A_1051 = tpu.vector_load %arg9[%get3A_1048, %get3A_1049, %get3A_1050] {strides = array<i32>} : memref<2x128x64xf32, #tpu.memory_space<vmem>>, vector<1x1x16xf32>,
        %get3A_1052 = vector.shape_cast %get3A_1051 : vector<1x1x16xf32> to vector<16xf32>
        %add3A_1053 = arith.constant 16 : i32
        %add3A_1054 = arith.addi %add3A_1032, %add3A_1053 : i32
        %swap3A_1055 = arith.constant 1 : i32
        %swap3A_1056 = arith.index_cast %swap3A_1055 : i32 to index
        %swap3A_1057 = arith.index_cast %add3A_1054 : i32 to index
        %swap3A_1058 = tpu.vector_load %arg11[%swap3A_1056, %swap3A_1057] {strides = array<i32>} : memref<2x16384xf32, #tpu.memory_space<vmem>>, vector<1x16xf32>,
        %swap3A_1059 = vector.shape_cast %swap3A_1058 : vector<1x16xf32> to vector<16xf32>
        %swap3A_1060 = vector.shape_cast %get3A_1052 : vector<16xf32> to vector<1x16xf32>
        tpu.vector_store %arg11[%swap3A_1056, %swap3A_1057], %swap3A_1060 {strides = array<i32>} : memref<2x16384xf32, #tpu.memory_space<vmem>>, vector<1x16xf32>,
        %get3A_1061 = arith.constant 1 : i32
        %get3A_1062 = arith.index_cast %get3A_1061 : i32 to index
        %get3A_1063 = arith.index_cast %add3A_1028 : i32 to index
        %get3A_1064 = arith.constant 32 : index
        %get3A_1065 = tpu.vector_load %arg9[%get3A_1062, %get3A_1063, %get3A_1064] {strides = array<i32>} : memref<2x128x64xf32, #tpu.memory_space<vmem>>, vector<1x1x16xf32>,
        %get3A_1066 = vector.shape_cast %get3A_1065 : vector<1x1x16xf32> to vector<16xf32>
        %add3A_1067 = arith.constant 32 : i32
        %add3A_1068 = arith.addi %add3A_1032, %add3A_1067 : i32
        %swap3A_1069 = arith.constant 1 : i32
        %swap3A_1070 = arith.index_cast %swap3A_1069 : i32 to index
        %swap3A_1071 = arith.index_cast %add3A_1068 : i32 to index
        %swap3A_1072 = tpu.vector_load %arg11[%swap3A_1070, %swap3A_1071] {strides = array<i32>} : memref<2x16384xf32, #tpu.memory_space<vmem>>, vector<1x16xf32>,
        %swap3A_1073 = vector.shape_cast %swap3A_1072 : vector<1x16xf32> to vector<16xf32>
        %swap3A_1074 = vector.shape_cast %get3A_1066 : vector<16xf32> to vector<1x16xf32>
        tpu.vector_store %arg11[%swap3A_1070, %swap3A_1071], %swap3A_1074 {strides = array<i32>} : memref<2x16384xf32, #tpu.memory_space<vmem>>, vector<1x16xf32>,
        %get3A_1075 = arith.constant 1 : i32
        %get3A_1076 = arith.index_cast %get3A_1075 : i32 to index
        %get3A_1077 = arith.index_cast %add3A_1028 : i32 to index
        %get3A_1078 = arith.constant 34 : index
        %get3A_1079 = tpu.vector_load %arg9[%get3A_1076, %get3A_1077, %get3A_1078] {strides = array<i32>} : memref<2x128x64xf32, #tpu.memory_space<vmem>>, vector<1x1x16xf32>,
        %get3A_1080 = vector.shape_cast %get3A_1079 : vector<1x1x16xf32> to vector<16xf32>
        %add3A_1081 = arith.constant 34 : i32
        %add3A_1082 = arith.addi %add3A_1032, %add3A_1081 : i32
        %swap3A_1083 = arith.constant 1 : i32
        %swap3A_1084 = arith.index_cast %swap3A_1083 : i32 to index
        %swap3A_1085 = arith.index_cast %add3A_1082 : i32 to index
        %swap3A_1086 = tpu.vector_load %arg11[%swap3A_1084, %swap3A_1085] {strides = array<i32>} : memref<2x16384xf32, #tpu.memory_space<vmem>>, vector<1x16xf32>,
        %swap3A_1087 = vector.shape_cast %swap3A_1086 : vector<1x16xf32> to vector<16xf32>
        %swap3A_1088 = vector.shape_cast %get3A_1080 : vector<16xf32> to vector<1x16xf32>
        tpu.vector_store %arg11[%swap3A_1084, %swap3A_1085], %swap3A_1088 {strides = array<i32>} : memref<2x16384xf32, #tpu.memory_space<vmem>>, vector<1x16xf32>,
        %get3A_1089 = arith.constant 1 : i32
        %get3A_1090 = arith.index_cast %get3A_1089 : i32 to index
        %get3A_1091 = arith.index_cast %add3A_1028 : i32 to index
        %get3A_1092 = arith.constant 2 : index
        %get3A_1093 = tpu.vector_load %arg10[%get3A_1090, %get3A_1091, %get3A_1092] {strides = array<i32>} : memref<2x128x64xf32, #tpu.memory_space<vmem>>, vector<1x1x16xf32>,
        %get3A_1094 = vector.shape_cast %get3A_1093 : vector<1x1x16xf32> to vector<16xf32>
        %add3A_1095 = arith.constant 50 : i32
        %add3A_1096 = arith.addi %add3A_1032, %add3A_1095 : i32
        %swap3A_1097 = arith.constant 1 : i32
        %swap3A_1098 = arith.index_cast %swap3A_1097 : i32 to index
        %swap3A_1099 = arith.index_cast %add3A_1096 : i32 to index
        %swap3A_1100 = tpu.vector_load %arg11[%swap3A_1098, %swap3A_1099] {strides = array<i32>} : memref<2x16384xf32, #tpu.memory_space<vmem>>, vector<1x16xf32>,
        %swap3A_1101 = vector.shape_cast %swap3A_1100 : vector<1x16xf32> to vector<16xf32>
        %swap3A_1102 = vector.shape_cast %get3A_1094 : vector<16xf32> to vector<1x16xf32>
        tpu.vector_store %arg11[%swap3A_1098, %swap3A_1099], %swap3A_1102 {strides = array<i32>} : memref<2x16384xf32, #tpu.memory_space<vmem>>, vector<1x16xf32>,
        %get3A_1103 = arith.constant 1 : i32
        %get3A_1104 = arith.index_cast %get3A_1103 : i32 to index
        %get3A_1105 = arith.index_cast %add3A_1028 : i32 to index
        %get3A_1106 = arith.constant 18 : index
        %get3A_1107 = tpu.vector_load %arg10[%get3A_1104, %get3A_1105, %get3A_1106] {strides = array<i32>} : memref<2x128x64xf32, #tpu.memory_space<vmem>>, vector<1x1x16xf32>,
        %get3A_1108 = vector.shape_cast %get3A_1107 : vector<1x1x16xf32> to vector<16xf32>
        %add3A_1109 = arith.constant 66 : i32
        %add3A_1110 = arith.addi %add3A_1032, %add3A_1109 : i32
        %swap3A_1111 = arith.constant 1 : i32
        %swap3A_1112 = arith.index_cast %swap3A_1111 : i32 to index
        %swap3A_1113 = arith.index_cast %add3A_1110 : i32 to index
        %swap3A_1114 = tpu.vector_load %arg11[%swap3A_1112, %swap3A_1113] {strides = array<i32>} : memref<2x16384xf32, #tpu.memory_space<vmem>>, vector<1x16xf32>,
        %swap3A_1115 = vector.shape_cast %swap3A_1114 : vector<1x16xf32> to vector<16xf32>
        %swap3A_1116 = vector.shape_cast %get3A_1108 : vector<16xf32> to vector<1x16xf32>
        tpu.vector_store %arg11[%swap3A_1112, %swap3A_1113], %swap3A_1116 {strides = array<i32>} : memref<2x16384xf32, #tpu.memory_space<vmem>>, vector<1x16xf32>,
        %get3A_1117 = arith.constant 1 : i32
        %get3A_1118 = arith.index_cast %get3A_1117 : i32 to index
        %get3A_1119 = arith.index_cast %add3A_1028 : i32 to index
        %get3A_1120 = arith.constant 34 : index
        %get3A_1121 = tpu.vector_load %arg10[%get3A_1118, %get3A_1119, %get3A_1120] {strides = array<i32>} : memref<2x128x64xf32, #tpu.memory_space<vmem>>, vector<1x1x16xf32>,
        %get3A_1122 = vector.shape_cast %get3A_1121 : vector<1x1x16xf32> to vector<16xf32>
        %add3A_1123 = arith.constant 82 : i32
        %add3A_1124 = arith.addi %add3A_1032, %add3A_1123 : i32
        %swap3A_1125 = arith.constant 1 : i32
        %swap3A_1126 = arith.index_cast %swap3A_1125 : i32 to index
        %swap3A_1127 = arith.index_cast %add3A_1124 : i32 to index
        %swap3A_1128 = tpu.vector_load %arg11[%swap3A_1126, %swap3A_1127] {strides = array<i32>} : memref<2x16384xf32, #tpu.memory_space<vmem>>, vector<1x16xf32>,
        %swap3A_1129 = vector.shape_cast %swap3A_1128 : vector<1x16xf32> to vector<16xf32>
        %swap3A_1130 = vector.shape_cast %get3A_1122 : vector<16xf32> to vector<1x16xf32>
        tpu.vector_store %arg11[%swap3A_1126, %swap3A_1127], %swap3A_1130 {strides = array<i32>} : memref<2x16384xf32, #tpu.memory_space<vmem>>, vector<1x16xf32>,
        %get3A_1131 = arith.constant 1 : i32
        %get3A_1132 = arith.index_cast %get3A_1131 : i32 to index
        %get3A_1133 = arith.index_cast %add3A_1028 : i32 to index
        %get3A_1134 = arith.constant 36 : index
        %get3A_1135 = tpu.vector_load %arg10[%get3A_1132, %get3A_1133, %get3A_1134] {strides = array<i32>} : memref<2x128x64xf32, #tpu.memory_space<vmem>>, vector<1x1x16xf32>,
        %get3A_1136 = vector.shape_cast %get3A_1135 : vector<1x1x16xf32> to vector<16xf32>
        %add3A_1137 = arith.constant 84 : i32
        %add3A_1138 = arith.addi %add3A_1032, %add3A_1137 : i32
        %swap3A_1139 = arith.constant 1 : i32
        %swap3A_1140 = arith.index_cast %swap3A_1139 : i32 to index
        %swap3A_1141 = arith.index_cast %add3A_1138 : i32 to index
        %swap3A_1142 = tpu.vector_load %arg11[%swap3A_1140, %swap3A_1141] {strides = array<i32>} : memref<2x16384xf32, #tpu.memory_space<vmem>>, vector<1x16xf32>,
        %swap3A_1143 = vector.shape_cast %swap3A_1142 : vector<1x16xf32> to vector<16xf32>
        %swap3A_1144 = vector.shape_cast %get3A_1136 : vector<16xf32> to vector<1x16xf32>
        tpu.vector_store %arg11[%swap3A_1140, %swap3A_1141], %swap3A_1144 {strides = array<i32>} : memref<2x16384xf32, #tpu.memory_space<vmem>>, vector<1x16xf32>,
      }
      %scan3A_171 = arith.constant 16 : i32
      %mul3A_172 = arith.constant 64 : i32
      %mul3A_173 = arith.muli %add3A, %mul3A_172 : i32
      %add3A_174 = arith.addi %mul3A_173, %add3A_62 : i32
      %mul3A_175 = arith.constant 16384 : i32
      %mul3A_176 = arith.muli %add3A_174, %mul3A_175 : i32
      %dma_start3A_177 = arith.constant 1 : i32
      %dma_start3A_178 = arith.constant 0 : i32
      %dma_start3A_179 = tpu.memref_slice %arg11[%dma_start3A_177, %dma_start3A_178] : memref<2x16384xf32, #tpu.memory_space<vmem>> -> memref<1x16384xf32, #tpu.memory_space<vmem>>
      %dma_start3A_180 = tpu.memref_squeeze %dma_start3A_179 : memref<1x16384xf32, #tpu.memory_space<vmem>> -> memref<16384xf32, #tpu.memory_space<vmem>>
      %dma_start3A_181 = tpu.memref_slice %arg6[%mul3A_176] : memref<33554432xf32, #tpu.memory_space<hbm>> -> memref<16384xf32, #tpu.memory_space<hbm>>
      %dma_start3A_182 = tpu.memref_slice %arg6[%mul3A_176] : memref<33554432xf32, #tpu.memory_space<hbm>> -> memref<16384xf32, #tpu.memory_space<hbm>>
      %dma_start3A_183 = arith.constant 0 : i32
      %dma_start3A_184 = tpu.memref_slice %arg11[%dma_start3A_177, %dma_start3A_183] : memref<2x16384xf32, #tpu.memory_space<vmem>> -> memref<1x16384xf32, #tpu.memory_space<vmem>>
      %dma_start3A_185 = tpu.memref_squeeze %dma_start3A_184 : memref<1x16384xf32, #tpu.memory_space<vmem>> -> memref<16384xf32, #tpu.memory_space<vmem>>
      tpu.enqueue_dma source(%dma_start3A_185 : memref<16384xf32, #tpu.memory_space<vmem>>) target(%dma_start3A_182 : memref<16384xf32, #tpu.memory_space<hbm>>) target_semaphore(%arg14 : memref<!tpu.dma_semaphore, #tpu.memory_space<semaphore_mem>>)
    }
    %scan3A_28 = arith.constant 32 : i32
    %mul3A_29 = arith.constant 64 : i32
    %mul3A_30 = arith.muli %add3A, %mul3A_29 : i32
    %add3A_31 = arith.constant 0 : i32
    %add3A_32 = arith.addi %mul3A_30, %add3A_31 : i32
    %mul3A_33 = arith.constant 16384 : i32
    %mul3A_34 = arith.muli %add3A_32, %mul3A_33 : i32
    %dma_wait3A = arith.constant 0 : i32
    %dma_wait3A_35 = arith.constant 0 : i32
    %dma_wait3A_36 = tpu.memref_slice %arg11[%dma_wait3A, %dma_wait3A_35] : memref<2x16384xf32, #tpu.memory_space<vmem>> -> memref<1x16384xf32, #tpu.memory_space<vmem>>
    %dma_wait3A_37 = tpu.memref_squeeze %dma_wait3A_36 : memref<1x16384xf32, #tpu.memory_space<vmem>> -> memref<16384xf32, #tpu.memory_space<vmem>>
    %dma_wait3A_38 = tpu.memref_slice %arg6[%mul3A_34] : memref<33554432xf32, #tpu.memory_space<hbm>> -> memref<16384xf32, #tpu.memory_space<hbm>>
    %dma_wait3A_39 = tpu.memref_slice %arg6[%mul3A_34] : memref<33554432xf32, #tpu.memory_space<hbm>> -> memref<16384xf32, #tpu.memory_space<hbm>>
    %dma_wait3A_40 = arith.constant 0 : i32
    %dma_wait3A_41 = tpu.memref_slice %arg11[%dma_wait3A, %dma_wait3A_40] : memref<2x16384xf32, #tpu.memory_space<vmem>> -> memref<1x16384xf32, #tpu.memory_space<vmem>>
    %dma_wait3A_42 = tpu.memref_squeeze %dma_wait3A_41 : memref<1x16384xf32, #tpu.memory_space<vmem>> -> memref<16384xf32, #tpu.memory_space<vmem>>
    tpu.wait_dma2 semaphore(%arg14 : memref<!tpu.dma_semaphore, #tpu.memory_space<semaphore_mem>>) src(%dma_wait3A_42 : memref<16384xf32, #tpu.memory_space<vmem>>) dst(%dma_wait3A_39 : memref<16384xf32, #tpu.memory_space<hbm>>)
    %mul3A_43 = arith.constant 64 : i32
    %mul3A_44 = arith.muli %add3A, %mul3A_43 : i32
    %add3A_45 = arith.constant 1 : i32
    %add3A_46 = arith.addi %mul3A_44, %add3A_45 : i32
    %mul3A_47 = arith.constant 16384 : i32
    %mul3A_48 = arith.muli %add3A_46, %mul3A_47 : i32
    %dma_wait3A_49 = arith.constant 1 : i32
    %dma_wait3A_50 = arith.constant 0 : i32
    %dma_wait3A_51 = tpu.memref_slice %arg11[%dma_wait3A_49, %dma_wait3A_50] : memref<2x16384xf32, #tpu.memory_space<vmem>> -> memref<1x16384xf32, #tpu.memory_space<vmem>>
    %dma_wait3A_52 = tpu.memref_squeeze %dma_wait3A_51 : memref<1x16384xf32, #tpu.memory_space<vmem>> -> memref<16384xf32, #tpu.memory_space<vmem>>
    %dma_wait3A_53 = tpu.memref_slice %arg6[%mul3A_48] : memref<33554432xf32, #tpu.memory_space<hbm>> -> memref<16384xf32, #tpu.memory_space<hbm>>
    %dma_wait3A_54 = tpu.memref_slice %arg6[%mul3A_48] : memref<33554432xf32, #tpu.memory_space<hbm>> -> memref<16384xf32, #tpu.memory_space<hbm>>
    %dma_wait3A_55 = arith.constant 0 : i32
    %dma_wait3A_56 = tpu.memref_slice %arg11[%dma_wait3A_49, %dma_wait3A_55] : memref<2x16384xf32, #tpu.memory_space<vmem>> -> memref<1x16384xf32, #tpu.memory_space<vmem>>
    %dma_wait3A_57 = tpu.memref_squeeze %dma_wait3A_56 : memref<1x16384xf32, #tpu.memory_space<vmem>> -> memref<16384xf32, #tpu.memory_space<vmem>>
    tpu.wait_dma2 semaphore(%arg14 : memref<!tpu.dma_semaphore, #tpu.memory_space<semaphore_mem>>) src(%dma_wait3A_57 : memref<16384xf32, #tpu.memory_space<vmem>>) dst(%dma_wait3A_54 : memref<16384xf32, #tpu.memory_space<hbm>>)
    return
  }
}

</mosaic_0001>

<sc_bundles>
// kernel: _lookup.3.cloned.1.call-start
scs
__scs_entry_jumppad:
0x0: {  	(pc) =	sbr.rel $0x88, $3  }
0x1: {  	(tag) =	ssettag $0x0;
	lr =	simm.s32 $0x1  }
0x2: {  	[smem:$0x3F9D] =	sst lr;
	_ =	strace $0xD0000000  }
0x3: {  	_ = 	snop  }
0x4: {  	_ = 	snop  }
0x5: {  	_ = 	snop  }
0x6: {  	_ = 	snop  }
0x7: {  	_ = 	snop  }
__scs_overlays_trampoline_lowered:
0x8: {  	[smem:$0x3FAC] =	sst s0  }
0x9: {  	[smem:$0x3FAD] =	sst s1  }
0xa: {  	[smem:$0x3FAE] =	sst s2  }
0xb: {  	[smem:$0x3FAF] =	sst s3  }
0xc: {  	[smem:$0x3FB0] =	sst s4  }
0xd: {  	[smem:$0x3FB1] =	sst s5  }
0xe: {  	[smem:$0x3FB2] =	sst s6  }
0xf: {  	[smem:$0x3FB3] =	sst s7  }
0x10: {  	[smem:$0x3FB4] =	sst s8  }
0x11: {  	[smem:$0x3FB5] =	sst s9;
	s0 =	simm.s32 @!p0 $0x0  }
0x12: {  	s1 =	sld [smem:$0x3F9B];
	s0 =	simm.s32 @p0 $0x1  }
0x13: {  	[smem:$0x3FB6] =	sst s0;
	s0 =	simm.s32 @!p1 $0x0  }
0x14: {  	s2 =	sld [smem:$0x3F9A];
	s0 =	simm.s32 @p1 $0x1  }
0x15: {  	[smem:$0x3FB7] =	sst s0;
	s0 =	simm.s32 @!p2 $0x0  }
0x16: {  	s3 =	sld [smem:$0x3FDB];
	s0 =	simm.s32 @p2 $0x1  }
0x17: {  	s4 =	simm.s32 $0x1BF5;
	[smem:$0x3FB9] =	sst s0  }
0x18: {  	s0 =	sld [smem:$0x3F9C];
	_ =	swait.ge [sflag:s4], $0x0  }
0x19: {  	s7 =	sld [smem:$0x3F9D]  }
0x1a: {  	s8 =	sadd.s32 $0xFFFFE003, lr  }
0x1b: {  	s9 =	sadd.s32 $0xFFFFFEF7, lr;
	s5 =	simm.s32 $0xFFFFFFFF;
	p2 =	slt.u32 s8, $0xFFFFF086  }
0x1c: {  	p1 =	slt.u32 s9, $0xF7A;
	s5 =	simm.s32 @!p2 $0x0  }
0x1d: {  	s5 =	simm.s32 @p1 $0x1;
	p0 =	seq.s32 s7, s2  }
0x1e: {  	s7 =	smul.u32 @!p0 $0xF7A, s2;
	p2 =	seq.s32 @!p0 s5, $0x0  }
0x1f: {  	s9 =	smul.u32 $0xF7A, s1;
	s8 =	simm.s32 @!p0 $0x1BF5;
	p2 =	por !p2, p0  }
0x20: {  	[sflag:s8] =	ssyncset.s32 @!p0 $0xFFFFF086;
	s6 =	sadd.s32 @!p0 s3, s7;
	s7 =	simm.s32 @!p0 $0x108  }
0x21: {  	s3 =	sadd.s32 s3, s9;
	s6 =	sadd.s32 @!p0 $0x88, s6;
	s7 =	simm.s32 @p2 $0x1082  }
0x22: {  	[simem:s7], [sflag:s8] =	dma.local @!p0 [hbm:s6], $0xF7A  }
0x23: {  	s9 =	sor.u32 $0xD0000000, s2;
	s6 =	simm.s32 $0x108;
	_ =	swait.ge @!p0 [sflag:s8], $0x0  }
0x24: {  	s3 =	sadd.s32 $0x88, s3;
	s6 =	simm.s32 @!p1 $0x1082;
	[sflag:s4] =	ssyncset.s32 $0xFFFFF086  }
0x25: {  	[simem:s6], [sflag:s4] =	dma.local [hbm:s3], $0xF7A  }
0x26: {  	[smem:$0x3F9D] =	sst s1;
	(tag) =	ssettag s2;
	_ =	strace s9  }
0x27: {  	s1 =	sld [smem:$0x3FAD]  }
0x28: {  	s2 =	sld [smem:$0x3FAE]  }
0x29: {  	s4 =	sld [smem:$0x3FB0]  }
0x2a: {  	p0 =	seq.s32 s5, $0x0;
	s5 =	sld [smem:$0x3FB1]  }
0x2b: {  	s6 =	sld [smem:$0x3FB2]  }
0x2c: {  	s7 =	sld [smem:$0x3FB3]  }
0x2d: {  	s3 =	simm.s32 $0x108;
	s8 =	sld [smem:$0x3FB4]  }
0x2e: {  	s3 =	simm.s32 @!p0 $0x1082;
	s9 =	sld [smem:$0x3FB5]  }
0x2f: {  	lr =	sadd.s32 s0, s3;
	s0 =	sld [smem:$0x3FAC]  }
0x30: {  	s3 =	sld [smem:$0x3FAF]  }
0x31: {  	[smem:$0x3FB8] =	sst s10  }
0x32: {  	s10 =	sld [smem:$0x3FB6];
	_ =	sdelay $0x3  }
0x33: {  	p0 =	seq.s32 s10, $0x1;
	s10 =	sld [smem:$0x3FB8];
	_ =	sdelay $0x3  }
0x34: {  	[smem:$0x3FB8] =	sst s10  }
0x35: {  	s10 =	sld [smem:$0x3FB7];
	_ =	sdelay $0x3  }
0x36: {  	p1 =	seq.s32 s10, $0x1;
	s10 =	sld [smem:$0x3FB8];
	_ =	sdelay $0x3  }
0x37: {  	[smem:$0x3FB8] =	sst s10  }
0x38: {  	s10 =	sld [smem:$0x3FB9]  }
0x39: {  	_ = 	snop;
	(pc) =	sbr.ind lr, $3  }
0x3a: {  	_ = 	snop  }
0x3b: {  	_ = 	snop  }
0x3c: {  	p2 =	seq.s32 s10, $0x1;
	s10 =	sld [smem:$0x3FB8]  }
0x3d: {  	_ =	shalt  }
0x3e: {  	_ =	shalt  }
0x3f: {  	_ =	shalt  }
0x40: {  	_ =	shalt  }
0x41: {  	_ =	shalt  }
0x42: {  	_ =	shalt  }
0x43: {  	_ =	shalt  }
0x44: {  	_ =	shalt  }
0x45: {  	_ =	shalt  }
0x46: {  	_ =	shalt  }
0x47: {  	_ =	shalt  }
0x48: {  	_ =	shalt  }
0x49: {  	_ =	shalt  }
0x4a: {  	_ =	shalt  }
0x4b: {  	_ =	shalt  }
0x4c: {  	_ =	shalt  }
0x4d: {  	_ =	shalt  }
0x4e: {  	_ =	shalt  }
0x4f: {  	_ =	shalt  }
0x50: {  	_ =	shalt  }
0x51: {  	_ =	shalt  }
0x52: {  	_ =	shalt  }
0x53: {  	_ =	shalt  }
0x54: {  	_ =	shalt  }
0x55: {  	_ =	shalt  }
0x56: {  	_ =	shalt  }
0x57: {  	_ =	shalt  }
0x58: {  	_ =	shalt  }
0x59: {  	_ =	shalt  }
0x5a: {  	_ =	shalt  }
0x5b: {  	_ =	shalt  }
0x5c: {  	_ =	shalt  }
0x5d: {  	_ =	shalt  }
0x5e: {  	_ =	shalt  }
0x5f: {  	_ =	shalt  }
0x60: {  	_ =	shalt  }
0x61: {  	_ =	shalt  }
0x62: {  	_ =	shalt  }
0x63: {  	_ =	shalt  }
0x64: {  	_ =	shalt  }
0x65: {  	_ =	shalt  }
0x66: {  	_ =	shalt  }
0x67: {  	_ =	shalt  }
0x68: {  	_ =	shalt  }
0x69: {  	_ =	shalt  }
0x6a: {  	_ =	shalt  }
0x6b: {  	_ =	shalt  }
0x6c: {  	_ =	shalt  }
0x6d: {  	_ =	shalt  }
0x6e: {  	_ =	shalt  }
0x6f: {  	_ =	shalt  }
0x70: {  	_ =	shalt  }
0x71: {  	_ =	shalt  }
0x72: {  	_ =	shalt  }
0x73: {  	_ =	shalt  }
0x74: {  	_ =	shalt  }
0x75: {  	_ =	shalt  }
0x76: {  	_ =	shalt  }
0x77: {  	_ =	shalt  }
0x78: {  	_ =	shalt  }
0x79: {  	_ =	shalt  }
0x7a: {  	_ =	shalt  }
0x7b: {  	_ =	shalt  }
0x7c: {  	_ =	shalt  }
0x7d: {  	_ =	shalt  }
0x7e: {  	_ =	shalt  }
0x7f: {  	_ =	shalt  }
0x80: {  	_ =	shalt  }
0x81: {  	_ =	shalt  }
0x82: {  	_ =	shalt  }
0x83: {  	_ =	shalt  }
0x84: {  	_ =	shalt  }
0x85: {  	_ =	shalt  }
0x86: {  	_ =	shalt  }
0x87: {  	_ =	shalt  }
.Lfunc_end0:
.L_simem_size_0:
called_computation.1_lowered:
.L_overlay_start_0:
0x88: {  	s2 =	sld [smem:$0x3FD9]  }
0x89: {  	s3 =	sld [smem:$0x3FFE];
	_ =	sdelay $0x1  }
0x8a: {  	s1 =	srdreg.scid  }
0x8b: {  	s0 =	sand.u32 $0x1, s1  }
0x8c: {  	s17 =	sshll.u32 s0, $0xA;
	s2 =	sadd.s32 s3, s2  }
0x8d: {  	s2 =	sadd.s32 s2, s17  }
0x8e: {  	[smem:$0x3FC4] =	sst s2  }
0x8f: {  	_ = 	snop  }
0x90: {  	s2 =	sld [smem:$0x3FC9]  }
0x91: {  	s18 =	sld [smem:$0x3FC8];
	(tm) =	ssettm $0x1  }
0x92: {  	s4 =	sld [smem:$0x3FFB];
	_ =	sdelay $0x3  }
0x93: {  	_ =	strace s4  }
0x94: {  	s4 =	sld [smem:$0x3FFC];
	_ =	sdelay $0x3  }
0x95: {  	_ =	strace s4  }
0x96: {  	s4 =	sld [smem:$0x3FFD];
	_ =	sdelay $0x3  }
0x97: {  	_ =	strace s4  }
0x98: {  	_ =	strace $0x8FFFFFFF  }
0x99: {  	s19 =	sld [smem:$0x3FDB];
	_ =	sdelay $0x1  }
0x9a: {  	s5 =	simm.s32 $_scs_section_size  }
0x9b: {  	s6 =	simm.s32 $_size__tile_overlayer_lowered;
	s7 =	simm.s32 $_tile_overlayer_lowered  }
0x9c: {  	s22 =	simm.s32 $0x1BFF;
	s21 =	sshll.u32 s7, $0x1;
	s4 =	sadd.s32 s5, s19  }
0x9d: {  	s8 =	simm.s32 $0x0;
	s20 =	sshll.u32 s6, $0x1;
	s6 =	sadd.s32 s21, s4  }
0x9e: {  	[timem:s8], [sflag:s22] =	dma.local [hbm:s6], s20  }
0x9f: {  	_ =	swait.ge [sflag:s22], s20  }
0xa0: {  	s5 =	ssub.s32 $0x0, s20;
	[sflag:s22] =	ssyncset.done $0x0  }
0xa1: {  	[sflag:s22] =	ssyncadd.s32 s5;
	_ =	sdelay $0x1  }
0xa2: {  	s23 =	simm.s32 $0x1B8B  }
0xa3: {  	_ =	swait.ge [sflag:s23], $0x1  }
0xa4: {  	[sflag:s23] =	ssyncset.done $0x0  }
0xa5: {  	s25 =	simm.s32 $0x1B8E;
	s24 =	sld [smem:$0x3FFE];
	[sflag:s23] =	ssyncadd.s32 $0xFFFFFFFF  }
0xa6: {  	s26 =	simm.s32 $execute0_lowered;
	[smem:$0x3FD2] =	sst s25  }
0xa7: {  	s6 =	sshll.u32 s26, $0x1;
	_ =	strace $0x80000046;
	[dreg:$0x1] =	wrdreg $0xFFFFFFFF  }
0xa8: {  	s28 =	simm.s32 $_size_execute0_lowered;
	s4 =	sadd.s32 s4, s6;
	[dreg:$0x0] =	wrdreg $0x0  }
0xa9: {  	s6 =	sshll.u32 s28, $0x1;
	[dreg:$0x2] =	wrdreg s4  }
0xaa: {  	[dreg:$0x3] =	wrdreg s6  }
0xab: {  	[dreg:$0x4] =	wrdreg $0xC0  }
0xac: {  	_ =	task [dreg:s8], $0x5FFFF  }
0xad: {  	[dreg:$0x1] =	wrdreg $0xFFFFFFFF  }
0xae: {  	[dreg:$0x0] =	wrdreg $0x60  }
0xaf: {  	[dreg:$0x2] =	wrdreg s2  }
0xb0: {  	[dreg:$0x3] =	wrdreg s18  }
0xb1: {  	[dreg:$0x4] =	wrdreg s24  }
0xb2: {  	[dreg:$0x5] =	wrdreg $0x9  }
0xb3: {  	_ =	task.clear_ibuf [dreg:s8], $0x6FFFF;
	_ =	strace $0x90000046  }
0xb4: {  	s29 =	simm.s32 $0x9;
	_ =	strace $0x80000048  }
0xb5: {  	_ =	swait.ge [sflag:s29], $0x1  }
0xb6: {  	[sflag:s29] =	ssyncadd.s32 $0xFFFFFFFF  }
0xb7: {  	_ =	strace $0x90000048  }
0xb8: {  	_ =	sfence  }
0xb9: {  	s30 =	sld [smem:$0x0];
	_ =	sdelay $0x2  }
0xba: {  	s31 =	sshll.u32 s1, $0xD;
	s1 =	sshrl.u32 s1, $0x2  }
0xbb: {  	s3 =	sand.u32 $0x4000, s31;
	s1 =	sadd.s32 s1, s30  }
0xbc: {  	s0 =	sor.u32 s3, s0;
	s1 =	sshll.u32 s1, $0x11  }
0xbd: {  	s0 =	sor.u32 s1, s0  }
0xbe: {  	s0 =	sadd.s32 $0x8F2B, s0  }
0xbf: {  	[sflag:s0] =	ssyncadd.remote.s32 $0x1  }
0xc0: {  	_ =	sfence.sel $0xFFFF  }
0xc1: {  	[dreg:$0x0] =	wrdreg $0xFFFFFFFF;
	(pc) =	sbr.abs _section_cstart, $3  }
0xc2: {  	[dreg:$0x1] =	wrdreg $0xFFFFFFFF  }
0xc3: {  	_ =	task.clear_ibuf [dreg:s8], $0x2FFFF;
	_ =	strace $0x9FFFFFFF  }
0xc4: {  	(tm) =	ssettm $0x7FFFFFFF  }
0xc5: {  	_ =	shalt  }
tec
execute0_lowered:
.L_overlay_start_1:
0x0: {  	(tag) =	ssettag $0x1  }
0x1: {  	s6 =	rddreg [dreg:$0x0]  }
0x2: {  	s7 =	rddreg [dreg:$0x1]  }
0x3: {  	s5 =	rddreg [dreg:$0x2]  }
0x4: {  	s0 =	rddreg [dreg:$0x3];
	s2 =	simm.s32 $0x0;
	s4 =	srdreg.scid  }
0x5: {  	s1 =	stileid.u32;
	s12 =	simm.s32 $0x80;
	s13 =	simm.s32 $0x4000  }
0x6: {  	s14 =	simm.s32 $0x8000;
	s15 =	simm.s32 $0x1;
	s16 =	simm.s32 $0x2  }
0x7: {  	s17 =	simm.s32 $0x6000;
	s18 =	simm.s32 $0xA000;
	s19 =	simm.s32 $0xC000  }
0x8: {  	s20 =	simm.s32 $0x10000;
	s21 =	simm.s32 $0x3;
	s22 =	simm.s32 $0x0  }
0x9: {  	[smem:$0x7FF] =	sst s2;
	s3 =	sadd.s32 $0x800, s5;
	s8 =	sand.u32 $0x1, s4  }
0xa: {  	s9 =	sshll.u32 s1, $0x1;
	s4 =	sadd.s32 $0xE400, s5;
	s5 =	sadd.s32 $0xD1A00, s5  }
0xb: {  	_ =	strace $0x80000047;
	s10 =	ssub.s32 $0x2, s8;
	s8 =	sor.u32 s8, s9  }
0xc: {  	s31 =	sshrl.u32 s10, $0x1;
	s11 =	sshll.u32 s8, $0xA;
	s8 =	sshll.u32 s8, $0x6  }
0xd: {  	s9 =	ssub.s32 s10, s31;
	s6 =	sadd.s32 s6, s11;
	s7 =	sadd.s32 s7, s11  }
0xe: {  	s10 =	simm.s32 $0x4;
	s11 =	simm.s32 $0x2000;
	s9 =	smax.u32 s9, $0x1  }
.LBB2_1:
0xf: {  	[tilespmem:s2], [sflag:$0x4] =	stream.linear.gather [hbm4b:s6+s2], $0x2000, $0x38;
	[tilespmem:$0x14000] =	vst v63  }
0x10: {  	_ =	swait.ge [sflag:s10], $0x2000  }
0x11: {  	[sflag:s10] =	ssyncset.done $0x0  }
0x12: {  	[sflag:s10] =	ssyncadd.s32 $0xFFFFE000  }
0x13: {  	[tilespmem:s11], [sflag:$0x4] =	stream.linear.gather [hbm4b:s7+s2], $0x2000, $0x38;
	[tilespmem:$0x14000] =	vst v63  }
0x14: {  	_ =	swait.ge [sflag:s10], $0x2000  }
0x15: {  	[sflag:s10] =	ssyncset.done $0x0  }
0x16: {  	[sflag:s10] =	ssyncadd.s32 $0xFFFFE000  }
0x17: {  	[tilespmem:s13], [sflag:$0x1] =	stream.indirect.gather [hbm4b:s3+s12], $0x40, s2, s12, $0xb8;
	[tilespmem:$0x14000] =	vst v63  }
0x18: {  	s23 =	simm.s32 $0x0  }
0x19: {  	[tilespmem:s14], [sflag:$0x2] =	stream.indirect.gather [hbm4b:s4+s12], $0x40, s11, s12, $0xb8;
	[tilespmem:$0x14000] =	vst v63  }
.LBB2_2:
0x1a: {  	_ =	swait.ge [sflag:s15], $0x2000  }
0x1b: {  	[sflag:s15] =	ssyncset.done $0x0  }
0x1c: {  	[sflag:s15] =	ssyncadd.s32 $0xFFFFE000  }
0x1d: {  	_ =	swait.ge [sflag:s16], $0x2000  }
0x1e: {  	s24 =	sshllo.u32 s23, $0x1;
	[sflag:s16] =	ssyncset.done $0x0  }
0x1f: {  	s25 =	sshll.u32 s24, $0x7;
	[sflag:s16] =	ssyncadd.s32 $0xFFFFE000  }
0x20: {  	[tilespmem:s17], [sflag:$0x1] =	stream.indirect.gather [hbm4b:s3+s12], $0x40, s25, s12, $0xb8;
	[tilespmem:$0x14000] =	vst v63  }
0x21: {  	p0 =	seq.s32 s23, $0x0;
	s25 =	sadd.s32 $0x2000, s25  }
0x22: {  	[tilespmem:s18], [sflag:$0x2] =	stream.indirect.gather [hbm4b:s4+s12], $0x40, s25, s12, $0xb8;
	[tilespmem:$0x14000] =	vst v63  }
0x23: {  	s25 =	simm.s32 @!p0 $0x3  }
0x24: {  	_ =	swait.ge @!p0 [sflag:s25], $0x4000  }
0x25: {  	[sflag:s25] =	ssyncset.done @!p0 $0x0  }
0x26: {  	s31 =	simm.s32 $0x0;
	[sflag:s25] =	ssyncadd.s32 @!p0 $0xFFFFC000  }
0x27: {  	v0 =	vld [tilespmem:s31+$0x4000];
	_ =	sdelay $0x3  }
0x28: {  	s26 =	simm.s32 $0xC200  }
0x29: {  	[tilespmem:s26+$0xFFFFFE00] =	vst v0  }
0x2a: {  	v0 =	vld [tilespmem:s31+$0x4010];
	_ =	sdelay $0x4  }
0x2b: {  	[tilespmem:s26+$0xFFFFFE10] =	vst v0  }
0x2c: {  	v0 =	vld [tilespmem:s31+$0x4020];
	_ =	sdelay $0x4  }
0x2d: {  	[tilespmem:s26+$0xFFFFFE20] =	vst v0  }
0x2e: {  	v0 =	vld [tilespmem:s31+$0x4022];
	_ =	sdelay $0x4  }
0x2f: {  	[tilespmem:s26+$0xFFFFFE22] =	vst v0  }
0x30: {  	v0 =	vld [tilespmem:s31+$0x8002];
	_ =	sdelay $0x4  }
0x31: {  	[tilespmem:s26+$0xFFFFFE32] =	vst v0  }
0x32: {  	v0 =	vld [tilespmem:s31+$0x8012];
	_ =	sdelay $0x4  }
0x33: {  	[tilespmem:s26+$0xFFFFFE42] =	vst v0  }
0x34: {  	v0 =	vld [tilespmem:s31+$0x8022];
	_ =	sdelay $0x4  }
0x35: {  	[tilespmem:s26+$0xFFFFFE52] =	vst v0  }
0x36: {  	v0 =	vld [tilespmem:s31+$0x8024];
	_ =	sdelay $0x4  }
0x37: {  	[tilespmem:s26+$0xFFFFFE54] =	vst v0  }
0x38: {  	v0 =	vld [tilespmem:s31+$0x4040];
	_ =	sdelay $0x4  }
0x39: {  	[tilespmem:s26+$0xFFFFFE80] =	vst v0  }
0x3a: {  	v0 =	vld [tilespmem:s31+$0x4050];
	_ =	sdelay $0x4  }
0x3b: {  	[tilespmem:s26+$0xFFFFFE90] =	vst v0  }
0x3c: {  	v0 =	vld [tilespmem:s31+$0x4060];
	_ =	sdelay $0x4  }
0x3d: {  	[tilespmem:s26+$0xFFFFFEA0] =	vst v0  }
0x3e: {  	v0 =	vld [tilespmem:s31+$0x4062];
	_ =	sdelay $0x4  }
0x3f: {  	[tilespmem:s26+$0xFFFFFEA2] =	vst v0  }
0x40: {  	v0 =	vld [tilespmem:s31+$0x8042];
	_ =	sdelay $0x4  }
0x41: {  	[tilespmem:s26+$0xFFFFFEB2] =	vst v0  }
0x42: {  	v0 =	vld [tilespmem:s31+$0x8052];
	_ =	sdelay $0x4  }
0x43: {  	[tilespmem:s26+$0xFFFFFEC2] =	vst v0  }
0x44: {  	v0 =	vld [tilespmem:s31+$0x8062];
	_ =	sdelay $0x4  }
0x45: {  	[tilespmem:s26+$0xFFFFFED2] =	vst v0  }
0x46: {  	v0 =	vld [tilespmem:s31+$0x8064];
	_ =	sdelay $0x4  }
0x47: {  	[tilespmem:s26+$0xFFFFFED4] =	vst v0  }
0x48: {  	v0 =	vld [tilespmem:s31+$0x4080];
	_ =	sdelay $0x4  }
0x49: {  	[tilespmem:s26+$0xFFFFFF00] =	vst v0  }
0x4a: {  	v0 =	vld [tilespmem:s31+$0x4090];
	_ =	sdelay $0x4  }
0x4b: {  	[tilespmem:s26+$0xFFFFFF10] =	vst v0  }
0x4c: {  	v0 =	vld [tilespmem:s31+$0x40A0];
	_ =	sdelay $0x4  }
0x4d: {  	[tilespmem:s26+$0xFFFFFF20] =	vst v0  }
0x4e: {  	v0 =	vld [tilespmem:s31+$0x40A2];
	_ =	sdelay $0x4  }
0x4f: {  	[tilespmem:s26+$0xFFFFFF22] =	vst v0  }
0x50: {  	v0 =	vld [tilespmem:s31+$0x8082];
	_ =	sdelay $0x4  }
0x51: {  	[tilespmem:s26+$0xFFFFFF32] =	vst v0  }
0x52: {  	v0 =	vld [tilespmem:s31+$0x8092];
	_ =	sdelay $0x4  }
0x53: {  	[tilespmem:s26+$0xFFFFFF42] =	vst v0  }
0x54: {  	v0 =	vld [tilespmem:s31+$0x80A2];
	_ =	sdelay $0x4  }
0x55: {  	[tilespmem:s26+$0xFFFFFF52] =	vst v0  }
0x56: {  	v0 =	vld [tilespmem:s31+$0x80A4];
	_ =	sdelay $0x4  }
0x57: {  	[tilespmem:s26+$0xFFFFFF54] =	vst v0  }
0x58: {  	v0 =	vld [tilespmem:s31+$0x40C0];
	_ =	sdelay $0x4  }
0x59: {  	[tilespmem:s26+$0xFFFFFF80] =	vst v0  }
0x5a: {  	v0 =	vld [tilespmem:s31+$0x40D0];
	_ =	sdelay $0x4  }
0x5b: {  	[tilespmem:s26+$0xFFFFFF90] =	vst v0  }
0x5c: {  	v0 =	vld [tilespmem:s31+$0x40E0];
	_ =	sdelay $0x4  }
0x5d: {  	[tilespmem:s26+$0xFFFFFFA0] =	vst v0  }
0x5e: {  	v0 =	vld [tilespmem:s31+$0x40E2];
	_ =	sdelay $0x4  }
0x5f: {  	[tilespmem:s26+$0xFFFFFFA2] =	vst v0  }
0x60: {  	v0 =	vld [tilespmem:s31+$0x80C2];
	_ =	sdelay $0x4  }
0x61: {  	[tilespmem:s26+$0xFFFFFFB2] =	vst v0  }
0x62: {  	v0 =	vld [tilespmem:s31+$0x80D2];
	_ =	sdelay $0x4  }
0x63: {  	[tilespmem:s26+$0xFFFFFFC2] =	vst v0  }
0x64: {  	v0 =	vld [tilespmem:s31+$0x80E2];
	_ =	sdelay $0x4  }
0x65: {  	[tilespmem:s26+$0xFFFFFFD2] =	vst v0  }
0x66: {  	v0 =	vld [tilespmem:s31+$0x80E4];
	_ =	sdelay $0x4  }
0x67: {  	[tilespmem:s26+$0xFFFFFFD4] =	vst v0  }
0x68: {  	v0 =	vld [tilespmem:s31+$0x4100];
	_ =	sdelay $0x4  }
0x69: {  	[tilespmem:s26+$0x0] =	vst v0  }
0x6a: {  	v0 =	vld [tilespmem:s31+$0x4110];
	_ =	sdelay $0x4  }
0x6b: {  	[tilespmem:s26+$0x10] =	vst v0  }
0x6c: {  	v0 =	vld [tilespmem:s31+$0x4120];
	_ =	sdelay $0x4  }
0x6d: {  	[tilespmem:s26+$0x20] =	vst v0  }
0x6e: {  	v0 =	vld [tilespmem:s31+$0x4122];
	_ =	sdelay $0x4  }
0x6f: {  	[tilespmem:s26+$0x22] =	vst v0  }
0x70: {  	v0 =	vld [tilespmem:s31+$0x8102];
	_ =	sdelay $0x4  }
0x71: {  	[tilespmem:s26+$0x32] =	vst v0  }
0x72: {  	v0 =	vld [tilespmem:s31+$0x8112];
	_ =	sdelay $0x4  }
0x73: {  	[tilespmem:s26+$0x42] =	vst v0  }
0x74: {  	v0 =	vld [tilespmem:s31+$0x8122];
	_ =	sdelay $0x4  }
0x75: {  	[tilespmem:s26+$0x52] =	vst v0  }
0x76: {  	v0 =	vld [tilespmem:s31+$0x8124];
	_ =	sdelay $0x4  }
0x77: {  	[tilespmem:s26+$0x54] =	vst v0  }
0x78: {  	v0 =	vld [tilespmem:s31+$0x4140];
	_ =	sdelay $0x4  }
0x79: {  	[tilespmem:s26+$0x80] =	vst v0  }
0x7a: {  	v0 =	vld [tilespmem:s31+$0x4150];
	_ =	sdelay $0x4  }
0x7b: {  	[tilespmem:s26+$0x90] =	vst v0  }
0x7c: {  	v0 =	vld [tilespmem:s31+$0x4160];
	_ =	sdelay $0x4  }
0x7d: {  	[tilespmem:s26+$0xA0] =	vst v0  }
0x7e: {  	v0 =	vld [tilespmem:s31+$0x4162];
	_ =	sdelay $0x4  }
0x7f: {  	[tilespmem:s26+$0xA2] =	vst v0  }
0x80: {  	v0 =	vld [tilespmem:s31+$0x8142];
	_ =	sdelay $0x4  }
0x81: {  	[tilespmem:s26+$0xB2] =	vst v0  }
0x82: {  	v0 =	vld [tilespmem:s31+$0x8152];
	_ =	sdelay $0x4  }
0x83: {  	[tilespmem:s26+$0xC2] =	vst v0  }
0x84: {  	v0 =	vld [tilespmem:s31+$0x8162];
	_ =	sdelay $0x4  }
0x85: {  	[tilespmem:s26+$0xD2] =	vst v0  }
0x86: {  	v0 =	vld [tilespmem:s31+$0x8164];
	_ =	sdelay $0x4  }
0x87: {  	[tilespmem:s26+$0xD4] =	vst v0  }
0x88: {  	v0 =	vld [tilespmem:s31+$0x4180];
	_ =	sdelay $0x4  }
0x89: {  	[tilespmem:s26+$0x100] =	vst v0  }
0x8a: {  	v0 =	vld [tilespmem:s31+$0x4190];
	_ =	sdelay $0x4  }
0x8b: {  	[tilespmem:s26+$0x110] =	vst v0  }
0x8c: {  	v0 =	vld [tilespmem:s31+$0x41A0];
	_ =	sdelay $0x4  }
0x8d: {  	[tilespmem:s26+$0x120] =	vst v0  }
0x8e: {  	v0 =	vld [tilespmem:s31+$0x41A2];
	_ =	sdelay $0x4  }
0x8f: {  	[tilespmem:s26+$0x122] =	vst v0  }
0x90: {  	v0 =	vld [tilespmem:s31+$0x8182];
	_ =	sdelay $0x4  }
0x91: {  	[tilespmem:s26+$0x132] =	vst v0  }
0x92: {  	v0 =	vld [tilespmem:s31+$0x8192];
	_ =	sdelay $0x4  }
0x93: {  	[tilespmem:s26+$0x142] =	vst v0  }
0x94: {  	v0 =	vld [tilespmem:s31+$0x81A2];
	_ =	sdelay $0x4  }
0x95: {  	[tilespmem:s26+$0x152] =	vst v0  }
0x96: {  	v0 =	vld [tilespmem:s31+$0x81A4];
	_ =	sdelay $0x4  }
0x97: {  	[tilespmem:s26+$0x154] =	vst v0  }
0x98: {  	v0 =	vld [tilespmem:s31+$0x41C0];
	_ =	sdelay $0x4  }
0x99: {  	[tilespmem:s26+$0x180] =	vst v0  }
0x9a: {  	v0 =	vld [tilespmem:s31+$0x41D0];
	_ =	sdelay $0x4  }
0x9b: {  	[tilespmem:s26+$0x190] =	vst v0  }
0x9c: {  	v0 =	vld [tilespmem:s31+$0x41E0];
	_ =	sdelay $0x4  }
0x9d: {  	[tilespmem:s26+$0x1A0] =	vst v0  }
0x9e: {  	v0 =	vld [tilespmem:s31+$0x41E2];
	_ =	sdelay $0x4  }
0x9f: {  	[tilespmem:s26+$0x1A2] =	vst v0  }
0xa0: {  	v0 =	vld [tilespmem:s31+$0x81C2];
	_ =	sdelay $0x4  }
0xa1: {  	[tilespmem:s26+$0x1B2] =	vst v0  }
0xa2: {  	v0 =	vld [tilespmem:s31+$0x81D2];
	_ =	sdelay $0x4  }
0xa3: {  	[tilespmem:s26+$0x1C2] =	vst v0  }
0xa4: {  	v0 =	vld [tilespmem:s31+$0x81E2];
	_ =	sdelay $0x4  }
0xa5: {  	[tilespmem:s26+$0x1D2] =	vst v0  }
0xa6: {  	v0 =	vld [tilespmem:s31+$0x81E4];
	_ =	sdelay $0x4  }
0xa7: {  	s28 =	simm.s32 $0x200;
	s29 =	simm.s32 $0x1000;
	s25 =	sshll.u32 s23, $0x1;
	[tilespmem:s26+$0x1D4] =	vst v0  }
.LBB2_3:
0xa8: {  	p1 =	sne.s32 s29, $0x7800;
	v0 =	vld [tilespmem:s28+$0x4000];
	_ =	sdelay $0x3  }
0xa9: {  	s26 =	sadd.s32 $0x400, s26  }
0xaa: {  	[tilespmem:s26+$0xFFFFFE00] =	vst v0  }
0xab: {  	v0 =	vld [tilespmem:s28+$0x4010];
	_ =	sdelay $0x4  }
0xac: {  	[tilespmem:s26+$0xFFFFFE10] =	vst v0  }
0xad: {  	v0 =	vld [tilespmem:s28+$0x4020];
	_ =	sdelay $0x4  }
0xae: {  	[tilespmem:s26+$0xFFFFFE20] =	vst v0  }
0xaf: {  	v0 =	vld [tilespmem:s28+$0x4022];
	_ =	sdelay $0x4  }
0xb0: {  	[tilespmem:s26+$0xFFFFFE22] =	vst v0  }
0xb1: {  	v0 =	vld [tilespmem:s28+$0x8002];
	_ =	sdelay $0x4  }
0xb2: {  	[tilespmem:s26+$0xFFFFFE32] =	vst v0  }
0xb3: {  	v0 =	vld [tilespmem:s28+$0x8012];
	_ =	sdelay $0x4  }
0xb4: {  	[tilespmem:s26+$0xFFFFFE42] =	vst v0  }
0xb5: {  	v0 =	vld [tilespmem:s28+$0x8022];
	_ =	sdelay $0x4  }
0xb6: {  	[tilespmem:s26+$0xFFFFFE52] =	vst v0  }
0xb7: {  	v0 =	vld [tilespmem:s28+$0x8024];
	_ =	sdelay $0x4  }
0xb8: {  	[tilespmem:s26+$0xFFFFFE54] =	vst v0  }
0xb9: {  	v0 =	vld [tilespmem:s28+$0x4040];
	_ =	sdelay $0x4  }
0xba: {  	[tilespmem:s26+$0xFFFFFE80] =	vst v0  }
0xbb: {  	v0 =	vld [tilespmem:s28+$0x4050];
	_ =	sdelay $0x4  }
0xbc: {  	[tilespmem:s26+$0xFFFFFE90] =	vst v0  }
0xbd: {  	v0 =	vld [tilespmem:s28+$0x4060];
	_ =	sdelay $0x4  }
0xbe: {  	[tilespmem:s26+$0xFFFFFEA0] =	vst v0  }
0xbf: {  	v0 =	vld [tilespmem:s28+$0x4062];
	_ =	sdelay $0x4  }
0xc0: {  	[tilespmem:s26+$0xFFFFFEA2] =	vst v0  }
0xc1: {  	v0 =	vld [tilespmem:s28+$0x8042];
	_ =	sdelay $0x4  }
0xc2: {  	[tilespmem:s26+$0xFFFFFEB2] =	vst v0  }
0xc3: {  	v0 =	vld [tilespmem:s28+$0x8052];
	_ =	sdelay $0x4  }
0xc4: {  	[tilespmem:s26+$0xFFFFFEC2] =	vst v0  }
0xc5: {  	v0 =	vld [tilespmem:s28+$0x8062];
	_ =	sdelay $0x4  }
0xc6: {  	[tilespmem:s26+$0xFFFFFED2] =	vst v0  }
0xc7: {  	v0 =	vld [tilespmem:s28+$0x8064];
	_ =	sdelay $0x4  }
0xc8: {  	[tilespmem:s26+$0xFFFFFED4] =	vst v0  }
0xc9: {  	v0 =	vld [tilespmem:s28+$0x4080];
	_ =	sdelay $0x4  }
0xca: {  	[tilespmem:s26+$0xFFFFFF00] =	vst v0  }
0xcb: {  	v0 =	vld [tilespmem:s28+$0x4090];
	_ =	sdelay $0x4  }
0xcc: {  	[tilespmem:s26+$0xFFFFFF10] =	vst v0  }
0xcd: {  	v0 =	vld [tilespmem:s28+$0x40A0];
	_ =	sdelay $0x4  }
0xce: {  	[tilespmem:s26+$0xFFFFFF20] =	vst v0  }
0xcf: {  	v0 =	vld [tilespmem:s28+$0x40A2];
	_ =	sdelay $0x4  }
0xd0: {  	[tilespmem:s26+$0xFFFFFF22] =	vst v0  }
0xd1: {  	v0 =	vld [tilespmem:s28+$0x8082];
	_ =	sdelay $0x4  }
0xd2: {  	[tilespmem:s26+$0xFFFFFF32] =	vst v0  }
0xd3: {  	v0 =	vld [tilespmem:s28+$0x8092];
	_ =	sdelay $0x4  }
0xd4: {  	[tilespmem:s26+$0xFFFFFF42] =	vst v0  }
0xd5: {  	v0 =	vld [tilespmem:s28+$0x80A2];
	_ =	sdelay $0x4  }
0xd6: {  	[tilespmem:s26+$0xFFFFFF52] =	vst v0  }
0xd7: {  	v0 =	vld [tilespmem:s28+$0x80A4];
	_ =	sdelay $0x4  }
0xd8: {  	[tilespmem:s26+$0xFFFFFF54] =	vst v0  }
0xd9: {  	v0 =	vld [tilespmem:s28+$0x40C0];
	_ =	sdelay $0x4  }
0xda: {  	[tilespmem:s26+$0xFFFFFF80] =	vst v0  }
0xdb: {  	v0 =	vld [tilespmem:s28+$0x40D0];
	_ =	sdelay $0x4  }
0xdc: {  	[tilespmem:s26+$0xFFFFFF90] =	vst v0  }
0xdd: {  	v0 =	vld [tilespmem:s28+$0x40E0];
	_ =	sdelay $0x4  }
0xde: {  	[tilespmem:s26+$0xFFFFFFA0] =	vst v0  }
0xdf: {  	v0 =	vld [tilespmem:s28+$0x40E2];
	_ =	sdelay $0x4  }
0xe0: {  	[tilespmem:s26+$0xFFFFFFA2] =	vst v0  }
0xe1: {  	v0 =	vld [tilespmem:s28+$0x80C2];
	_ =	sdelay $0x4  }
0xe2: {  	[tilespmem:s26+$0xFFFFFFB2] =	vst v0  }
0xe3: {  	v0 =	vld [tilespmem:s28+$0x80D2];
	_ =	sdelay $0x4  }
0xe4: {  	[tilespmem:s26+$0xFFFFFFC2] =	vst v0  }
0xe5: {  	v0 =	vld [tilespmem:s28+$0x80E2];
	_ =	sdelay $0x4  }
0xe6: {  	[tilespmem:s26+$0xFFFFFFD2] =	vst v0  }
0xe7: {  	v0 =	vld [tilespmem:s28+$0x80E4];
	_ =	sdelay $0x4  }
0xe8: {  	[tilespmem:s26+$0xFFFFFFD4] =	vst v0  }
0xe9: {  	v0 =	vld [tilespmem:s28+$0x4100];
	_ =	sdelay $0x4  }
0xea: {  	[tilespmem:s26+$0x0] =	vst v0  }
0xeb: {  	v0 =	vld [tilespmem:s28+$0x4110];
	_ =	sdelay $0x4  }
0xec: {  	[tilespmem:s26+$0x10] =	vst v0  }
0xed: {  	v0 =	vld [tilespmem:s28+$0x4120];
	_ =	sdelay $0x4  }
0xee: {  	[tilespmem:s26+$0x20] =	vst v0  }
0xef: {  	v0 =	vld [tilespmem:s28+$0x4122];
	_ =	sdelay $0x4  }
0xf0: {  	[tilespmem:s26+$0x22] =	vst v0  }
0xf1: {  	v0 =	vld [tilespmem:s28+$0x8102];
	_ =	sdelay $0x4  }
0xf2: {  	[tilespmem:s26+$0x32] =	vst v0  }
0xf3: {  	v0 =	vld [tilespmem:s28+$0x8112];
	_ =	sdelay $0x4  }
0xf4: {  	[tilespmem:s26+$0x42] =	vst v0  }
0xf5: {  	v0 =	vld [tilespmem:s28+$0x8122];
	_ =	sdelay $0x4  }
0xf6: {  	[tilespmem:s26+$0x52] =	vst v0  }
0xf7: {  	v0 =	vld [tilespmem:s28+$0x8124];
	_ =	sdelay $0x4  }
0xf8: {  	[tilespmem:s26+$0x54] =	vst v0  }
0xf9: {  	v0 =	vld [tilespmem:s28+$0x4140];
	_ =	sdelay $0x4  }
0xfa: {  	[tilespmem:s26+$0x80] =	vst v0  }
0xfb: {  	v0 =	vld [tilespmem:s28+$0x4150];
	_ =	sdelay $0x4  }
0xfc: {  	[tilespmem:s26+$0x90] =	vst v0  }
0xfd: {  	v0 =	vld [tilespmem:s28+$0x4160];
	_ =	sdelay $0x4  }
0xfe: {  	[tilespmem:s26+$0xA0] =	vst v0  }
0xff: {  	v0 =	vld [tilespmem:s28+$0x4162];
	_ =	sdelay $0x4  }
0x100: {  	[tilespmem:s26+$0xA2] =	vst v0  }
0x101: {  	v0 =	vld [tilespmem:s28+$0x8142];
	_ =	sdelay $0x4  }
0x102: {  	[tilespmem:s26+$0xB2] =	vst v0  }
0x103: {  	v0 =	vld [tilespmem:s28+$0x8152];
	_ =	sdelay $0x4  }
0x104: {  	[tilespmem:s26+$0xC2] =	vst v0  }
0x105: {  	v0 =	vld [tilespmem:s28+$0x8162];
	_ =	sdelay $0x4  }
0x106: {  	[tilespmem:s26+$0xD2] =	vst v0  }
0x107: {  	v0 =	vld [tilespmem:s28+$0x8164];
	_ =	sdelay $0x4  }
0x108: {  	[tilespmem:s26+$0xD4] =	vst v0  }
0x109: {  	v0 =	vld [tilespmem:s28+$0x4180];
	_ =	sdelay $0x4  }
0x10a: {  	[tilespmem:s26+$0x100] =	vst v0  }
0x10b: {  	v0 =	vld [tilespmem:s28+$0x4190];
	_ =	sdelay $0x4  }
0x10c: {  	[tilespmem:s26+$0x110] =	vst v0  }
0x10d: {  	v0 =	vld [tilespmem:s28+$0x41A0];
	_ =	sdelay $0x4  }
0x10e: {  	[tilespmem:s26+$0x120] =	vst v0  }
0x10f: {  	v0 =	vld [tilespmem:s28+$0x41A2];
	_ =	sdelay $0x4  }
0x110: {  	[tilespmem:s26+$0x122] =	vst v0  }
0x111: {  	v0 =	vld [tilespmem:s28+$0x8182];
	_ =	sdelay $0x4  }
0x112: {  	[tilespmem:s26+$0x132] =	vst v0  }
0x113: {  	v0 =	vld [tilespmem:s28+$0x8192];
	_ =	sdelay $0x4  }
0x114: {  	[tilespmem:s26+$0x142] =	vst v0  }
0x115: {  	v0 =	vld [tilespmem:s28+$0x81A2];
	_ =	sdelay $0x4  }
0x116: {  	[tilespmem:s26+$0x152] =	vst v0  }
0x117: {  	v0 =	vld [tilespmem:s28+$0x81A4];
	_ =	sdelay $0x4  }
0x118: {  	[tilespmem:s26+$0x154] =	vst v0  }
0x119: {  	v0 =	vld [tilespmem:s28+$0x41C0];
	_ =	sdelay $0x4  }
0x11a: {  	[tilespmem:s26+$0x180] =	vst v0  }
0x11b: {  	v0 =	vld [tilespmem:s28+$0x41D0];
	_ =	sdelay $0x4  }
0x11c: {  	[tilespmem:s26+$0x190] =	vst v0  }
0x11d: {  	v0 =	vld [tilespmem:s28+$0x41E0];
	_ =	sdelay $0x4  }
0x11e: {  	[tilespmem:s26+$0x1A0] =	vst v0  }
0x11f: {  	v0 =	vld [tilespmem:s28+$0x41E2];
	_ =	sdelay $0x4  }
0x120: {  	[tilespmem:s26+$0x1A2] =	vst v0  }
0x121: {  	v0 =	vld [tilespmem:s28+$0x81C2];
	_ =	sdelay $0x4  }
0x122: {  	[tilespmem:s26+$0x1B2] =	vst v0  }
0x123: {  	v0 =	vld [tilespmem:s28+$0x81D2];
	_ =	sdelay $0x4  }
0x124: {  	[tilespmem:s26+$0x1C2] =	vst v0  }
0x125: {  	v0 =	vld [tilespmem:s28+$0x81E2];
	_ =	sdelay $0x4  }
0x126: {  	[tilespmem:s26+$0x1D2] =	vst v0  }
0x127: {  	v0 =	vld [tilespmem:s28+$0x81E4]  }
.Ltmp0:
0x128: {  	(pc) =	sbr.rel @p1 .LBB2_3-.Ltmp0, $2  }
0x129: {  	_ =	sdelay $0x2  }
0x12a: {  	s28 =	sshra.s32 s29, $0x2;
	s29 =	sadd.s32 $0x800, s29;
	[tilespmem:s26+$0x1D4] =	vst v0  }
0x12b: {  	v0 =	vld [tilespmem:s28+$0x4000];
	_ =	sdelay $0x3  }
0x12c: {  	s26 =	sadd.s32 $0x400, s26  }
0x12d: {  	[tilespmem:s26+$0xFFFFFE00] =	vst v0  }
0x12e: {  	v0 =	vld [tilespmem:s28+$0x4010];
	_ =	sdelay $0x4  }
0x12f: {  	[tilespmem:s26+$0xFFFFFE10] =	vst v0  }
0x130: {  	v0 =	vld [tilespmem:s28+$0x4020];
	_ =	sdelay $0x4  }
0x131: {  	[tilespmem:s26+$0xFFFFFE20] =	vst v0  }
0x132: {  	v0 =	vld [tilespmem:s28+$0x4022];
	_ =	sdelay $0x4  }
0x133: {  	[tilespmem:s26+$0xFFFFFE22] =	vst v0  }
0x134: {  	v0 =	vld [tilespmem:s28+$0x8002];
	_ =	sdelay $0x4  }
0x135: {  	[tilespmem:s26+$0xFFFFFE32] =	vst v0  }
0x136: {  	v0 =	vld [tilespmem:s28+$0x8012];
	_ =	sdelay $0x4  }
0x137: {  	[tilespmem:s26+$0xFFFFFE42] =	vst v0  }
0x138: {  	v0 =	vld [tilespmem:s28+$0x8022];
	_ =	sdelay $0x4  }
0x139: {  	[tilespmem:s26+$0xFFFFFE52] =	vst v0  }
0x13a: {  	v0 =	vld [tilespmem:s28+$0x8024];
	_ =	sdelay $0x4  }
0x13b: {  	[tilespmem:s26+$0xFFFFFE54] =	vst v0  }
0x13c: {  	v0 =	vld [tilespmem:s28+$0x4040];
	_ =	sdelay $0x4  }
0x13d: {  	[tilespmem:s26+$0xFFFFFE80] =	vst v0  }
0x13e: {  	v0 =	vld [tilespmem:s28+$0x4050];
	_ =	sdelay $0x4  }
0x13f: {  	[tilespmem:s26+$0xFFFFFE90] =	vst v0  }
0x140: {  	v0 =	vld [tilespmem:s28+$0x4060];
	_ =	sdelay $0x4  }
0x141: {  	[tilespmem:s26+$0xFFFFFEA0] =	vst v0  }
0x142: {  	v0 =	vld [tilespmem:s28+$0x4062];
	_ =	sdelay $0x4  }
0x143: {  	[tilespmem:s26+$0xFFFFFEA2] =	vst v0  }
0x144: {  	v0 =	vld [tilespmem:s28+$0x8042];
	_ =	sdelay $0x4  }
0x145: {  	[tilespmem:s26+$0xFFFFFEB2] =	vst v0  }
0x146: {  	v0 =	vld [tilespmem:s28+$0x8052];
	_ =	sdelay $0x4  }
0x147: {  	[tilespmem:s26+$0xFFFFFEC2] =	vst v0  }
0x148: {  	v0 =	vld [tilespmem:s28+$0x8062];
	_ =	sdelay $0x4  }
0x149: {  	[tilespmem:s26+$0xFFFFFED2] =	vst v0  }
0x14a: {  	v0 =	vld [tilespmem:s28+$0x8064];
	_ =	sdelay $0x4  }
0x14b: {  	[tilespmem:s26+$0xFFFFFED4] =	vst v0  }
0x14c: {  	v0 =	vld [tilespmem:s28+$0x4080];
	_ =	sdelay $0x4  }
0x14d: {  	[tilespmem:s26+$0xFFFFFF00] =	vst v0  }
0x14e: {  	v0 =	vld [tilespmem:s28+$0x4090];
	_ =	sdelay $0x4  }
0x14f: {  	[tilespmem:s26+$0xFFFFFF10] =	vst v0  }
0x150: {  	v0 =	vld [tilespmem:s28+$0x40A0];
	_ =	sdelay $0x4  }
0x151: {  	[tilespmem:s26+$0xFFFFFF20] =	vst v0  }
0x152: {  	v0 =	vld [tilespmem:s28+$0x40A2];
	_ =	sdelay $0x4  }
0x153: {  	[tilespmem:s26+$0xFFFFFF22] =	vst v0  }
0x154: {  	v0 =	vld [tilespmem:s28+$0x8082];
	_ =	sdelay $0x4  }
0x155: {  	[tilespmem:s26+$0xFFFFFF32] =	vst v0  }
0x156: {  	v0 =	vld [tilespmem:s28+$0x8092];
	_ =	sdelay $0x4  }
0x157: {  	[tilespmem:s26+$0xFFFFFF42] =	vst v0  }
0x158: {  	v0 =	vld [tilespmem:s28+$0x80A2];
	_ =	sdelay $0x4  }
0x159: {  	[tilespmem:s26+$0xFFFFFF52] =	vst v0  }
0x15a: {  	v0 =	vld [tilespmem:s28+$0x80A4];
	_ =	sdelay $0x4  }
0x15b: {  	[tilespmem:s26+$0xFFFFFF54] =	vst v0  }
0x15c: {  	v0 =	vld [tilespmem:s28+$0x40C0];
	_ =	sdelay $0x4  }
0x15d: {  	[tilespmem:s26+$0xFFFFFF80] =	vst v0  }
0x15e: {  	v0 =	vld [tilespmem:s28+$0x40D0];
	_ =	sdelay $0x4  }
0x15f: {  	[tilespmem:s26+$0xFFFFFF90] =	vst v0  }
0x160: {  	v0 =	vld [tilespmem:s28+$0x40E0];
	_ =	sdelay $0x4  }
0x161: {  	[tilespmem:s26+$0xFFFFFFA0] =	vst v0  }
0x162: {  	v0 =	vld [tilespmem:s28+$0x40E2];
	_ =	sdelay $0x4  }
0x163: {  	[tilespmem:s26+$0xFFFFFFA2] =	vst v0  }
0x164: {  	v0 =	vld [tilespmem:s28+$0x80C2];
	_ =	sdelay $0x4  }
0x165: {  	[tilespmem:s26+$0xFFFFFFB2] =	vst v0  }
0x166: {  	v0 =	vld [tilespmem:s28+$0x80D2];
	_ =	sdelay $0x4  }
0x167: {  	[tilespmem:s26+$0xFFFFFFC2] =	vst v0  }
0x168: {  	v0 =	vld [tilespmem:s28+$0x80E2];
	_ =	sdelay $0x4  }
0x169: {  	[tilespmem:s26+$0xFFFFFFD2] =	vst v0  }
0x16a: {  	v0 =	vld [tilespmem:s28+$0x80E4];
	_ =	sdelay $0x4  }
0x16b: {  	[tilespmem:s26+$0xFFFFFFD4] =	vst v0  }
0x16c: {  	v0 =	vld [tilespmem:s28+$0x4100];
	_ =	sdelay $0x4  }
0x16d: {  	[tilespmem:s26+$0x0] =	vst v0  }
0x16e: {  	v0 =	vld [tilespmem:s28+$0x4110];
	_ =	sdelay $0x4  }
0x16f: {  	[tilespmem:s26+$0x10] =	vst v0  }
0x170: {  	v0 =	vld [tilespmem:s28+$0x4120];
	_ =	sdelay $0x4  }
0x171: {  	[tilespmem:s26+$0x20] =	vst v0  }
0x172: {  	v0 =	vld [tilespmem:s28+$0x4122];
	_ =	sdelay $0x4  }
0x173: {  	[tilespmem:s26+$0x22] =	vst v0  }
0x174: {  	v0 =	vld [tilespmem:s28+$0x8102];
	_ =	sdelay $0x4  }
0x175: {  	[tilespmem:s26+$0x32] =	vst v0  }
0x176: {  	v0 =	vld [tilespmem:s28+$0x8112];
	_ =	sdelay $0x4  }
0x177: {  	[tilespmem:s26+$0x42] =	vst v0  }
0x178: {  	v0 =	vld [tilespmem:s28+$0x8122];
	_ =	sdelay $0x4  }
0x179: {  	[tilespmem:s26+$0x52] =	vst v0  }
0x17a: {  	v0 =	vld [tilespmem:s28+$0x8124];
	_ =	sdelay $0x4  }
0x17b: {  	[tilespmem:s26+$0x54] =	vst v0  }
0x17c: {  	v0 =	vld [tilespmem:s28+$0x4140];
	_ =	sdelay $0x4  }
0x17d: {  	[tilespmem:s26+$0x80] =	vst v0  }
0x17e: {  	v0 =	vld [tilespmem:s28+$0x4150];
	_ =	sdelay $0x4  }
0x17f: {  	[tilespmem:s26+$0x90] =	vst v0  }
0x180: {  	v0 =	vld [tilespmem:s28+$0x4160];
	_ =	sdelay $0x4  }
0x181: {  	[tilespmem:s26+$0xA0] =	vst v0  }
0x182: {  	v0 =	vld [tilespmem:s28+$0x4162];
	_ =	sdelay $0x4  }
0x183: {  	[tilespmem:s26+$0xA2] =	vst v0  }
0x184: {  	v0 =	vld [tilespmem:s28+$0x8142];
	_ =	sdelay $0x4  }
0x185: {  	[tilespmem:s26+$0xB2] =	vst v0  }
0x186: {  	v0 =	vld [tilespmem:s28+$0x8152];
	_ =	sdelay $0x4  }
0x187: {  	[tilespmem:s26+$0xC2] =	vst v0  }
0x188: {  	v0 =	vld [tilespmem:s28+$0x8162];
	_ =	sdelay $0x4  }
0x189: {  	[tilespmem:s26+$0xD2] =	vst v0  }
0x18a: {  	v0 =	vld [tilespmem:s28+$0x8164];
	_ =	sdelay $0x4  }
0x18b: {  	[tilespmem:s26+$0xD4] =	vst v0  }
0x18c: {  	v0 =	vld [tilespmem:s28+$0x4180];
	_ =	sdelay $0x4  }
0x18d: {  	[tilespmem:s26+$0x100] =	vst v0  }
0x18e: {  	v0 =	vld [tilespmem:s28+$0x4190];
	_ =	sdelay $0x4  }
0x18f: {  	[tilespmem:s26+$0x110] =	vst v0  }
0x190: {  	v0 =	vld [tilespmem:s28+$0x41A0];
	_ =	sdelay $0x4  }
0x191: {  	[tilespmem:s26+$0x120] =	vst v0  }
0x192: {  	v0 =	vld [tilespmem:s28+$0x41A2];
	_ =	sdelay $0x4  }
0x193: {  	[tilespmem:s26+$0x122] =	vst v0  }
0x194: {  	v0 =	vld [tilespmem:s28+$0x8182];
	_ =	sdelay $0x4  }
0x195: {  	[tilespmem:s26+$0x132] =	vst v0  }
0x196: {  	v0 =	vld [tilespmem:s28+$0x8192];
	_ =	sdelay $0x4  }
0x197: {  	[tilespmem:s26+$0x142] =	vst v0  }
0x198: {  	v0 =	vld [tilespmem:s28+$0x81A2];
	_ =	sdelay $0x4  }
0x199: {  	[tilespmem:s26+$0x152] =	vst v0  }
0x19a: {  	v0 =	vld [tilespmem:s28+$0x81A4];
	_ =	sdelay $0x4  }
0x19b: {  	[tilespmem:s26+$0x154] =	vst v0  }
0x19c: {  	v0 =	vld [tilespmem:s28+$0x41C0];
	_ =	sdelay $0x4  }
0x19d: {  	[tilespmem:s26+$0x180] =	vst v0  }
0x19e: {  	v0 =	vld [tilespmem:s28+$0x41D0];
	_ =	sdelay $0x4  }
0x19f: {  	[tilespmem:s26+$0x190] =	vst v0  }
0x1a0: {  	v0 =	vld [tilespmem:s28+$0x41E0];
	_ =	sdelay $0x4  }
0x1a1: {  	[tilespmem:s26+$0x1A0] =	vst v0  }
0x1a2: {  	v0 =	vld [tilespmem:s28+$0x41E2];
	_ =	sdelay $0x4  }
0x1a3: {  	[tilespmem:s26+$0x1A2] =	vst v0  }
0x1a4: {  	v0 =	vld [tilespmem:s28+$0x81C2];
	_ =	sdelay $0x4  }
0x1a5: {  	[tilespmem:s26+$0x1B2] =	vst v0  }
0x1a6: {  	v0 =	vld [tilespmem:s28+$0x81D2];
	_ =	sdelay $0x4  }
0x1a7: {  	[tilespmem:s26+$0x1C2] =	vst v0  }
0x1a8: {  	v0 =	vld [tilespmem:s28+$0x81E2];
	_ =	sdelay $0x4  }
0x1a9: {  	[tilespmem:s26+$0x1D2] =	vst v0  }
0x1aa: {  	v0 =	vld [tilespmem:s28+$0x81E4];
	_ =	sdelay $0x2  }
0x1ab: {  	s25 =	sadd.s32 s8, s25  }
0x1ac: {  	s25 =	sshll.u32 s25, $0xB  }
0x1ad: {  	p1 =	seq.s32 s23, $0x1F;
	s25 =	sadd.s32 s5, s25;
	[tilespmem:s26+$0x1D4] =	vst v0  }
0x1ae: {  	[hbm4b:s25+s2] =	stream.linear.scatter [tilespmem:s19], [sflag:$0x3], $0x4000, $0x38;
	[tilespmem:$0x14000] =	vst v63  }
0x1af: {  	s25 =	sshll.u32 @!p1 s23, $0x8  }
0x1b0: {  	s29 =	simm.s32 @!p1 $0x4000;
	s28 =	simm.s32 @!p1 $0x80;
	s26 =	sadd.s32 @!p1 $0x100, s25  }
0x1b1: {  	[tilespmem:s29], [sflag:$0x1] =	stream.indirect.gather @!p1 [hbm4b:s3+s28], $0x40, s26, s28, $0xb8;
	[tilespmem:$0x14000] =	vst v63  }
0x1b2: {  	s25 =	sadd.s32 @!p1 $0x2100, s25;
	s26 =	simm.s32 @!p1 $0x8000  }
0x1b3: {  	[tilespmem:s26], [sflag:$0x2] =	stream.indirect.gather @!p1 [hbm4b:s4+s28], $0x40, s25, s28, $0xb8;
	[tilespmem:$0x14000] =	vst v63  }
0x1b4: {  	_ =	swait.ge [sflag:s15], $0x2000  }
0x1b5: {  	[sflag:s15] =	ssyncset.done $0x0  }
0x1b6: {  	[sflag:s15] =	ssyncadd.s32 $0xFFFFE000  }
0x1b7: {  	_ =	swait.ge [sflag:s16], $0x2000  }
0x1b8: {  	[sflag:s16] =	ssyncset.done $0x0  }
0x1b9: {  	s25 =	simm.s32 @!p0 $0x3;
	[sflag:s16] =	ssyncadd.s32 $0xFFFFE000  }
0x1ba: {  	_ =	swait.ge @!p0 [sflag:s25], $0x4000  }
0x1bb: {  	[sflag:s25] =	ssyncset.done @!p0 $0x0  }
0x1bc: {  	s28 =	simm.s32 $0x61E2;
	[sflag:s25] =	ssyncadd.s32 @!p0 $0xFFFFC000  }
0x1bd: {  	v0 =	vld [tilespmem:s28+$0xFFFFFE1E];
	_ =	sdelay $0x3  }
0x1be: {  	s31 =	simm.s32 $0x0  }
0x1bf: {  	[tilespmem:s31+$0x10000] =	vst v0  }
0x1c0: {  	v0 =	vld [tilespmem:s28+$0xFFFFFE2E];
	_ =	sdelay $0x4  }
0x1c1: {  	[tilespmem:s31+$0x10010] =	vst v0  }
0x1c2: {  	v0 =	vld [tilespmem:s28+$0xFFFFFE3E];
	_ =	sdelay $0x4  }
0x1c3: {  	[tilespmem:s31+$0x10020] =	vst v0  }
0x1c4: {  	v0 =	vld [tilespmem:s28+$0xFFFFFE40];
	_ =	sdelay $0x4  }
0x1c5: {  	s25 =	simm.s32 $0xA1E4;
	[tilespmem:s31+$0x10022] =	vst v0  }
0x1c6: {  	v0 =	vld [tilespmem:s25+$0xFFFFFE1E];
	_ =	sdelay $0x4  }
0x1c7: {  	[tilespmem:s31+$0x10032] =	vst v0  }
0x1c8: {  	v0 =	vld [tilespmem:s25+$0xFFFFFE2E];
	_ =	sdelay $0x4  }
0x1c9: {  	[tilespmem:s31+$0x10042] =	vst v0  }
0x1ca: {  	v0 =	vld [tilespmem:s25+$0xFFFFFE3E];
	_ =	sdelay $0x4  }
0x1cb: {  	[tilespmem:s31+$0x10052] =	vst v0  }
0x1cc: {  	v0 =	vld [tilespmem:s25+$0xFFFFFE40];
	_ =	sdelay $0x4  }
0x1cd: {  	[tilespmem:s31+$0x10054] =	vst v0  }
0x1ce: {  	v0 =	vld [tilespmem:s28+$0xFFFFFE5E];
	_ =	sdelay $0x4  }
0x1cf: {  	[tilespmem:s31+$0x10080] =	vst v0  }
0x1d0: {  	v0 =	vld [tilespmem:s28+$0xFFFFFE6E];
	_ =	sdelay $0x4  }
0x1d1: {  	[tilespmem:s31+$0x10090] =	vst v0  }
0x1d2: {  	v0 =	vld [tilespmem:s28+$0xFFFFFE7E];
	_ =	sdelay $0x4  }
0x1d3: {  	[tilespmem:s31+$0x100A0] =	vst v0  }
0x1d4: {  	v0 =	vld [tilespmem:s28+$0xFFFFFE80];
	_ =	sdelay $0x4  }
0x1d5: {  	[tilespmem:s31+$0x100A2] =	vst v0  }
0x1d6: {  	v0 =	vld [tilespmem:s25+$0xFFFFFE5E];
	_ =	sdelay $0x4  }
0x1d7: {  	[tilespmem:s31+$0x100B2] =	vst v0  }
0x1d8: {  	v0 =	vld [tilespmem:s25+$0xFFFFFE6E];
	_ =	sdelay $0x4  }
0x1d9: {  	[tilespmem:s31+$0x100C2] =	vst v0  }
0x1da: {  	v0 =	vld [tilespmem:s25+$0xFFFFFE7E];
	_ =	sdelay $0x4  }
0x1db: {  	[tilespmem:s31+$0x100D2] =	vst v0  }
0x1dc: {  	v0 =	vld [tilespmem:s25+$0xFFFFFE80];
	_ =	sdelay $0x4  }
0x1dd: {  	[tilespmem:s31+$0x100D4] =	vst v0  }
0x1de: {  	v0 =	vld [tilespmem:s28+$0xFFFFFE9E];
	_ =	sdelay $0x4  }
0x1df: {  	[tilespmem:s31+$0x10100] =	vst v0  }
0x1e0: {  	v0 =	vld [tilespmem:s28+$0xFFFFFEAE];
	_ =	sdelay $0x4  }
0x1e1: {  	[tilespmem:s31+$0x10110] =	vst v0  }
0x1e2: {  	v0 =	vld [tilespmem:s28+$0xFFFFFEBE];
	_ =	sdelay $0x4  }
0x1e3: {  	[tilespmem:s31+$0x10120] =	vst v0  }
0x1e4: {  	v0 =	vld [tilespmem:s28+$0xFFFFFEC0];
	_ =	sdelay $0x4  }
0x1e5: {  	[tilespmem:s31+$0x10122] =	vst v0  }
0x1e6: {  	v0 =	vld [tilespmem:s25+$0xFFFFFE9E];
	_ =	sdelay $0x4  }
0x1e7: {  	[tilespmem:s31+$0x10132] =	vst v0  }
0x1e8: {  	v0 =	vld [tilespmem:s25+$0xFFFFFEAE];
	_ =	sdelay $0x4  }
0x1e9: {  	[tilespmem:s31+$0x10142] =	vst v0  }
0x1ea: {  	v0 =	vld [tilespmem:s25+$0xFFFFFEBE];
	_ =	sdelay $0x4  }
0x1eb: {  	[tilespmem:s31+$0x10152] =	vst v0  }
0x1ec: {  	v0 =	vld [tilespmem:s25+$0xFFFFFEC0];
	_ =	sdelay $0x4  }
0x1ed: {  	[tilespmem:s31+$0x10154] =	vst v0  }
0x1ee: {  	v0 =	vld [tilespmem:s28+$0xFFFFFEDE];
	_ =	sdelay $0x4  }
0x1ef: {  	[tilespmem:s31+$0x10180] =	vst v0  }
0x1f0: {  	v0 =	vld [tilespmem:s28+$0xFFFFFEEE];
	_ =	sdelay $0x4  }
0x1f1: {  	[tilespmem:s31+$0x10190] =	vst v0  }
0x1f2: {  	v0 =	vld [tilespmem:s28+$0xFFFFFEFE];
	_ =	sdelay $0x4  }
0x1f3: {  	[tilespmem:s31+$0x101A0] =	vst v0  }
0x1f4: {  	v0 =	vld [tilespmem:s28+$0xFFFFFF00];
	_ =	sdelay $0x4  }
0x1f5: {  	[tilespmem:s31+$0x101A2] =	vst v0  }
0x1f6: {  	v0 =	vld [tilespmem:s25+$0xFFFFFEDE];
	_ =	sdelay $0x4  }
0x1f7: {  	[tilespmem:s31+$0x101B2] =	vst v0  }
0x1f8: {  	v0 =	vld [tilespmem:s25+$0xFFFFFEEE];
	_ =	sdelay $0x4  }
0x1f9: {  	[tilespmem:s31+$0x101C2] =	vst v0  }
0x1fa: {  	v0 =	vld [tilespmem:s25+$0xFFFFFEFE];
	_ =	sdelay $0x4  }
0x1fb: {  	[tilespmem:s31+$0x101D2] =	vst v0  }
0x1fc: {  	v0 =	vld [tilespmem:s25+$0xFFFFFF00];
	_ =	sdelay $0x4  }
0x1fd: {  	[tilespmem:s31+$0x101D4] =	vst v0  }
0x1fe: {  	v0 =	vld [tilespmem:s28+$0xFFFFFF1E];
	_ =	sdelay $0x4  }
0x1ff: {  	[tilespmem:s31+$0x10200] =	vst v0  }
0x200: {  	v0 =	vld [tilespmem:s28+$0xFFFFFF2E];
	_ =	sdelay $0x4  }
0x201: {  	[tilespmem:s31+$0x10210] =	vst v0  }
0x202: {  	v0 =	vld [tilespmem:s28+$0xFFFFFF3E];
	_ =	sdelay $0x4  }
0x203: {  	[tilespmem:s31+$0x10220] =	vst v0  }
0x204: {  	v0 =	vld [tilespmem:s28+$0xFFFFFF40];
	_ =	sdelay $0x4  }
0x205: {  	[tilespmem:s31+$0x10222] =	vst v0  }
0x206: {  	v0 =	vld [tilespmem:s25+$0xFFFFFF1E];
	_ =	sdelay $0x4  }
0x207: {  	[tilespmem:s31+$0x10232] =	vst v0  }
0x208: {  	v0 =	vld [tilespmem:s25+$0xFFFFFF2E];
	_ =	sdelay $0x4  }
0x209: {  	[tilespmem:s31+$0x10242] =	vst v0  }
0x20a: {  	v0 =	vld [tilespmem:s25+$0xFFFFFF3E];
	_ =	sdelay $0x4  }
0x20b: {  	[tilespmem:s31+$0x10252] =	vst v0  }
0x20c: {  	v0 =	vld [tilespmem:s25+$0xFFFFFF40];
	_ =	sdelay $0x4  }
0x20d: {  	[tilespmem:s31+$0x10254] =	vst v0  }
0x20e: {  	v0 =	vld [tilespmem:s28+$0xFFFFFF5E];
	_ =	sdelay $0x4  }
0x20f: {  	[tilespmem:s31+$0x10280] =	vst v0  }
0x210: {  	v0 =	vld [tilespmem:s28+$0xFFFFFF6E];
	_ =	sdelay $0x4  }
0x211: {  	[tilespmem:s31+$0x10290] =	vst v0  }
0x212: {  	v0 =	vld [tilespmem:s28+$0xFFFFFF7E];
	_ =	sdelay $0x4  }
0x213: {  	[tilespmem:s31+$0x102A0] =	vst v0  }
0x214: {  	v0 =	vld [tilespmem:s28+$0xFFFFFF80];
	_ =	sdelay $0x4  }
0x215: {  	[tilespmem:s31+$0x102A2] =	vst v0  }
0x216: {  	v0 =	vld [tilespmem:s25+$0xFFFFFF5E];
	_ =	sdelay $0x4  }
0x217: {  	[tilespmem:s31+$0x102B2] =	vst v0  }
0x218: {  	v0 =	vld [tilespmem:s25+$0xFFFFFF6E];
	_ =	sdelay $0x4  }
0x219: {  	[tilespmem:s31+$0x102C2] =	vst v0  }
0x21a: {  	v0 =	vld [tilespmem:s25+$0xFFFFFF7E];
	_ =	sdelay $0x4  }
0x21b: {  	[tilespmem:s31+$0x102D2] =	vst v0  }
0x21c: {  	v0 =	vld [tilespmem:s25+$0xFFFFFF80];
	_ =	sdelay $0x4  }
0x21d: {  	[tilespmem:s31+$0x102D4] =	vst v0  }
0x21e: {  	v0 =	vld [tilespmem:s28+$0xFFFFFF9E];
	_ =	sdelay $0x4  }
0x21f: {  	[tilespmem:s31+$0x10300] =	vst v0  }
0x220: {  	v0 =	vld [tilespmem:s28+$0xFFFFFFAE];
	_ =	sdelay $0x4  }
0x221: {  	[tilespmem:s31+$0x10310] =	vst v0  }
0x222: {  	v0 =	vld [tilespmem:s28+$0xFFFFFFBE];
	_ =	sdelay $0x4  }
0x223: {  	[tilespmem:s31+$0x10320] =	vst v0  }
0x224: {  	v0 =	vld [tilespmem:s28+$0xFFFFFFC0];
	_ =	sdelay $0x4  }
0x225: {  	[tilespmem:s31+$0x10322] =	vst v0  }
0x226: {  	v0 =	vld [tilespmem:s25+$0xFFFFFF9E];
	_ =	sdelay $0x4  }
0x227: {  	[tilespmem:s31+$0x10332] =	vst v0  }
0x228: {  	v0 =	vld [tilespmem:s25+$0xFFFFFFAE];
	_ =	sdelay $0x4  }
0x229: {  	[tilespmem:s31+$0x10342] =	vst v0  }
0x22a: {  	v0 =	vld [tilespmem:s25+$0xFFFFFFBE];
	_ =	sdelay $0x4  }
0x22b: {  	[tilespmem:s31+$0x10352] =	vst v0  }
0x22c: {  	v0 =	vld [tilespmem:s25+$0xFFFFFFC0];
	_ =	sdelay $0x4  }
0x22d: {  	[tilespmem:s31+$0x10354] =	vst v0  }
0x22e: {  	v0 =	vld [tilespmem:s28+$0xFFFFFFDE];
	_ =	sdelay $0x4  }
0x22f: {  	[tilespmem:s31+$0x10380] =	vst v0  }
0x230: {  	v0 =	vld [tilespmem:s28+$0xFFFFFFEE];
	_ =	sdelay $0x4  }
0x231: {  	[tilespmem:s31+$0x10390] =	vst v0  }
0x232: {  	v0 =	vld [tilespmem:s28+$0xFFFFFFFE];
	_ =	sdelay $0x4  }
0x233: {  	[tilespmem:s31+$0x103A0] =	vst v0  }
0x234: {  	v0 =	vld [tilespmem:s28+$0x0];
	_ =	sdelay $0x4  }
0x235: {  	[tilespmem:s31+$0x103A2] =	vst v0  }
0x236: {  	v0 =	vld [tilespmem:s25+$0xFFFFFFDE];
	_ =	sdelay $0x4  }
0x237: {  	[tilespmem:s31+$0x103B2] =	vst v0  }
0x238: {  	v0 =	vld [tilespmem:s25+$0xFFFFFFEE];
	_ =	sdelay $0x4  }
0x239: {  	[tilespmem:s31+$0x103C2] =	vst v0  }
0x23a: {  	v0 =	vld [tilespmem:s25+$0xFFFFFFFE];
	_ =	sdelay $0x4  }
0x23b: {  	[tilespmem:s31+$0x103D2] =	vst v0  }
0x23c: {  	v0 =	vld [tilespmem:s25+$0x0];
	_ =	sdelay $0x4  }
0x23d: {  	s26 =	simm.s32 $0x63E2;
	[tilespmem:s31+$0x103D4] =	vst v0  }
0x23e: {  	s29 =	simm.s32 $0x2000;
	s28 =	simm.s32 $0x1000;
	v0 =	vld [tilespmem:s26+$0xFFFFFE1E]  }
.LBB2_5:
0x23f: {  	p0 =	sne.s32 s29, $0xF000;
	_ =	sdelay $0x2  }
0x240: {  	s30 =	sshra.s32 s28, $0x2;
	s28 =	smov.u32 s29  }
0x241: {  	[tilespmem:s30+$0x10000] =	vst v0  }
0x242: {  	v0 =	vld [tilespmem:s26+$0xFFFFFE2E];
	_ =	sdelay $0x4  }
0x243: {  	[tilespmem:s30+$0x10010] =	vst v0  }
0x244: {  	v0 =	vld [tilespmem:s26+$0xFFFFFE3E];
	_ =	sdelay $0x4  }
0x245: {  	[tilespmem:s30+$0x10020] =	vst v0  }
0x246: {  	v0 =	vld [tilespmem:s26+$0xFFFFFE40];
	_ =	sdelay $0x4  }
0x247: {  	s25 =	sadd.s32 $0x200, s25;
	[tilespmem:s30+$0x10022] =	vst v0  }
0x248: {  	v0 =	vld [tilespmem:s25+$0xFFFFFE1E];
	_ =	sdelay $0x4  }
0x249: {  	[tilespmem:s30+$0x10032] =	vst v0  }
0x24a: {  	v0 =	vld [tilespmem:s25+$0xFFFFFE2E];
	_ =	sdelay $0x4  }
0x24b: {  	[tilespmem:s30+$0x10042] =	vst v0  }
0x24c: {  	v0 =	vld [tilespmem:s25+$0xFFFFFE3E];
	_ =	sdelay $0x4  }
0x24d: {  	[tilespmem:s30+$0x10052] =	vst v0  }
0x24e: {  	v0 =	vld [tilespmem:s25+$0xFFFFFE40];
	_ =	sdelay $0x4  }
0x24f: {  	[tilespmem:s30+$0x10054] =	vst v0  }
0x250: {  	v0 =	vld [tilespmem:s26+$0xFFFFFE5E];
	_ =	sdelay $0x4  }
0x251: {  	[tilespmem:s30+$0x10080] =	vst v0  }
0x252: {  	v0 =	vld [tilespmem:s26+$0xFFFFFE6E];
	_ =	sdelay $0x4  }
0x253: {  	[tilespmem:s30+$0x10090] =	vst v0  }
0x254: {  	v0 =	vld [tilespmem:s26+$0xFFFFFE7E];
	_ =	sdelay $0x4  }
0x255: {  	[tilespmem:s30+$0x100A0] =	vst v0  }
0x256: {  	v0 =	vld [tilespmem:s26+$0xFFFFFE80];
	_ =	sdelay $0x4  }
0x257: {  	[tilespmem:s30+$0x100A2] =	vst v0  }
0x258: {  	v0 =	vld [tilespmem:s25+$0xFFFFFE5E];
	_ =	sdelay $0x4  }
0x259: {  	[tilespmem:s30+$0x100B2] =	vst v0  }
0x25a: {  	v0 =	vld [tilespmem:s25+$0xFFFFFE6E];
	_ =	sdelay $0x4  }
0x25b: {  	[tilespmem:s30+$0x100C2] =	vst v0  }
0x25c: {  	v0 =	vld [tilespmem:s25+$0xFFFFFE7E];
	_ =	sdelay $0x4  }
0x25d: {  	[tilespmem:s30+$0x100D2] =	vst v0  }
0x25e: {  	v0 =	vld [tilespmem:s25+$0xFFFFFE80];
	_ =	sdelay $0x4  }
0x25f: {  	[tilespmem:s30+$0x100D4] =	vst v0  }
0x260: {  	v0 =	vld [tilespmem:s26+$0xFFFFFE9E];
	_ =	sdelay $0x4  }
0x261: {  	[tilespmem:s30+$0x10100] =	vst v0  }
0x262: {  	v0 =	vld [tilespmem:s26+$0xFFFFFEAE];
	_ =	sdelay $0x4  }
0x263: {  	[tilespmem:s30+$0x10110] =	vst v0  }
0x264: {  	v0 =	vld [tilespmem:s26+$0xFFFFFEBE];
	_ =	sdelay $0x4  }
0x265: {  	[tilespmem:s30+$0x10120] =	vst v0  }
0x266: {  	v0 =	vld [tilespmem:s26+$0xFFFFFEC0];
	_ =	sdelay $0x4  }
0x267: {  	[tilespmem:s30+$0x10122] =	vst v0  }
0x268: {  	v0 =	vld [tilespmem:s25+$0xFFFFFE9E];
	_ =	sdelay $0x4  }
0x269: {  	[tilespmem:s30+$0x10132] =	vst v0  }
0x26a: {  	v0 =	vld [tilespmem:s25+$0xFFFFFEAE];
	_ =	sdelay $0x4  }
0x26b: {  	[tilespmem:s30+$0x10142] =	vst v0  }
0x26c: {  	v0 =	vld [tilespmem:s25+$0xFFFFFEBE];
	_ =	sdelay $0x4  }
0x26d: {  	[tilespmem:s30+$0x10152] =	vst v0  }
0x26e: {  	v0 =	vld [tilespmem:s25+$0xFFFFFEC0];
	_ =	sdelay $0x4  }
0x26f: {  	[tilespmem:s30+$0x10154] =	vst v0  }
0x270: {  	v0 =	vld [tilespmem:s26+$0xFFFFFEDE];
	_ =	sdelay $0x4  }
0x271: {  	[tilespmem:s30+$0x10180] =	vst v0  }
0x272: {  	v0 =	vld [tilespmem:s26+$0xFFFFFEEE];
	_ =	sdelay $0x4  }
0x273: {  	[tilespmem:s30+$0x10190] =	vst v0  }
0x274: {  	v0 =	vld [tilespmem:s26+$0xFFFFFEFE];
	_ =	sdelay $0x4  }
0x275: {  	[tilespmem:s30+$0x101A0] =	vst v0  }
0x276: {  	v0 =	vld [tilespmem:s26+$0xFFFFFF00];
	_ =	sdelay $0x4  }
0x277: {  	[tilespmem:s30+$0x101A2] =	vst v0  }
0x278: {  	v0 =	vld [tilespmem:s25+$0xFFFFFEDE];
	_ =	sdelay $0x4  }
0x279: {  	[tilespmem:s30+$0x101B2] =	vst v0  }
0x27a: {  	v0 =	vld [tilespmem:s25+$0xFFFFFEEE];
	_ =	sdelay $0x4  }
0x27b: {  	[tilespmem:s30+$0x101C2] =	vst v0  }
0x27c: {  	v0 =	vld [tilespmem:s25+$0xFFFFFEFE];
	_ =	sdelay $0x4  }
0x27d: {  	[tilespmem:s30+$0x101D2] =	vst v0  }
0x27e: {  	v0 =	vld [tilespmem:s25+$0xFFFFFF00];
	_ =	sdelay $0x4  }
0x27f: {  	[tilespmem:s30+$0x101D4] =	vst v0  }
0x280: {  	v0 =	vld [tilespmem:s26+$0xFFFFFF1E];
	_ =	sdelay $0x4  }
0x281: {  	[tilespmem:s30+$0x10200] =	vst v0  }
0x282: {  	v0 =	vld [tilespmem:s26+$0xFFFFFF2E];
	_ =	sdelay $0x4  }
0x283: {  	[tilespmem:s30+$0x10210] =	vst v0  }
0x284: {  	v0 =	vld [tilespmem:s26+$0xFFFFFF3E];
	_ =	sdelay $0x4  }
0x285: {  	[tilespmem:s30+$0x10220] =	vst v0  }
0x286: {  	v0 =	vld [tilespmem:s26+$0xFFFFFF40];
	_ =	sdelay $0x4  }
0x287: {  	[tilespmem:s30+$0x10222] =	vst v0  }
0x288: {  	v0 =	vld [tilespmem:s25+$0xFFFFFF1E];
	_ =	sdelay $0x4  }
0x289: {  	[tilespmem:s30+$0x10232] =	vst v0  }
0x28a: {  	v0 =	vld [tilespmem:s25+$0xFFFFFF2E];
	_ =	sdelay $0x4  }
0x28b: {  	[tilespmem:s30+$0x10242] =	vst v0  }
0x28c: {  	v0 =	vld [tilespmem:s25+$0xFFFFFF3E];
	_ =	sdelay $0x4  }
0x28d: {  	[tilespmem:s30+$0x10252] =	vst v0  }
0x28e: {  	v0 =	vld [tilespmem:s25+$0xFFFFFF40];
	_ =	sdelay $0x4  }
0x28f: {  	[tilespmem:s30+$0x10254] =	vst v0  }
0x290: {  	v0 =	vld [tilespmem:s26+$0xFFFFFF5E];
	_ =	sdelay $0x4  }
0x291: {  	[tilespmem:s30+$0x10280] =	vst v0  }
0x292: {  	v0 =	vld [tilespmem:s26+$0xFFFFFF6E];
	_ =	sdelay $0x4  }
0x293: {  	[tilespmem:s30+$0x10290] =	vst v0  }
0x294: {  	v0 =	vld [tilespmem:s26+$0xFFFFFF7E];
	_ =	sdelay $0x4  }
0x295: {  	[tilespmem:s30+$0x102A0] =	vst v0  }
0x296: {  	v0 =	vld [tilespmem:s26+$0xFFFFFF80];
	_ =	sdelay $0x4  }
0x297: {  	[tilespmem:s30+$0x102A2] =	vst v0  }
0x298: {  	v0 =	vld [tilespmem:s25+$0xFFFFFF5E];
	_ =	sdelay $0x4  }
0x299: {  	[tilespmem:s30+$0x102B2] =	vst v0  }
0x29a: {  	v0 =	vld [tilespmem:s25+$0xFFFFFF6E];
	_ =	sdelay $0x4  }
0x29b: {  	[tilespmem:s30+$0x102C2] =	vst v0  }
0x29c: {  	v0 =	vld [tilespmem:s25+$0xFFFFFF7E];
	_ =	sdelay $0x4  }
0x29d: {  	[tilespmem:s30+$0x102D2] =	vst v0  }
0x29e: {  	v0 =	vld [tilespmem:s25+$0xFFFFFF80];
	_ =	sdelay $0x4  }
0x29f: {  	[tilespmem:s30+$0x102D4] =	vst v0  }
0x2a0: {  	v0 =	vld [tilespmem:s26+$0xFFFFFF9E];
	_ =	sdelay $0x4  }
0x2a1: {  	[tilespmem:s30+$0x10300] =	vst v0  }
0x2a2: {  	v0 =	vld [tilespmem:s26+$0xFFFFFFAE];
	_ =	sdelay $0x4  }
0x2a3: {  	[tilespmem:s30+$0x10310] =	vst v0  }
0x2a4: {  	v0 =	vld [tilespmem:s26+$0xFFFFFFBE];
	_ =	sdelay $0x4  }
0x2a5: {  	[tilespmem:s30+$0x10320] =	vst v0  }
0x2a6: {  	v0 =	vld [tilespmem:s26+$0xFFFFFFC0];
	_ =	sdelay $0x4  }
0x2a7: {  	[tilespmem:s30+$0x10322] =	vst v0  }
0x2a8: {  	v0 =	vld [tilespmem:s25+$0xFFFFFF9E];
	_ =	sdelay $0x4  }
0x2a9: {  	[tilespmem:s30+$0x10332] =	vst v0  }
0x2aa: {  	v0 =	vld [tilespmem:s25+$0xFFFFFFAE];
	_ =	sdelay $0x4  }
0x2ab: {  	[tilespmem:s30+$0x10342] =	vst v0  }
0x2ac: {  	v0 =	vld [tilespmem:s25+$0xFFFFFFBE];
	_ =	sdelay $0x4  }
0x2ad: {  	[tilespmem:s30+$0x10352] =	vst v0  }
0x2ae: {  	v0 =	vld [tilespmem:s25+$0xFFFFFFC0];
	_ =	sdelay $0x4  }
0x2af: {  	[tilespmem:s30+$0x10354] =	vst v0  }
0x2b0: {  	v0 =	vld [tilespmem:s26+$0xFFFFFFDE];
	_ =	sdelay $0x4  }
0x2b1: {  	[tilespmem:s30+$0x10380] =	vst v0  }
0x2b2: {  	v0 =	vld [tilespmem:s26+$0xFFFFFFEE];
	_ =	sdelay $0x4  }
0x2b3: {  	[tilespmem:s30+$0x10390] =	vst v0  }
0x2b4: {  	v0 =	vld [tilespmem:s26+$0xFFFFFFFE];
	_ =	sdelay $0x4  }
0x2b5: {  	[tilespmem:s30+$0x103A0] =	vst v0  }
0x2b6: {  	v0 =	vld [tilespmem:s26+$0x0];
	_ =	sdelay $0x4  }
0x2b7: {  	[tilespmem:s30+$0x103A2] =	vst v0  }
0x2b8: {  	v0 =	vld [tilespmem:s25+$0xFFFFFFDE];
	_ =	sdelay $0x4  }
0x2b9: {  	[tilespmem:s30+$0x103B2] =	vst v0  }
0x2ba: {  	v0 =	vld [tilespmem:s25+$0xFFFFFFEE];
	_ =	sdelay $0x4  }
0x2bb: {  	[tilespmem:s30+$0x103C2] =	vst v0  }
0x2bc: {  	v0 =	vld [tilespmem:s25+$0xFFFFFFFE];
	_ =	sdelay $0x4  }
0x2bd: {  	[tilespmem:s30+$0x103D2] =	vst v0  }
0x2be: {  	v0 =	vld [tilespmem:s25+$0x0];
	_ =	sdelay $0x1  }
.Ltmp1:
0x2bf: {  	(pc) =	sbr.rel @p0 .LBB2_5-.Ltmp1, $3  }
0x2c0: {  	_ =	sdelay $0x1  }
0x2c1: {  	s26 =	sadd.s32 $0x200, s26;
	[tilespmem:s30+$0x103D4] =	vst v0  }
0x2c2: {  	s29 =	sadd.s32 $0x1000, s29;
	v0 =	vld [tilespmem:s26+$0xFFFFFE1E]  }
0x2c3: {  	_ =	sdelay $0x2  }
0x2c4: {  	s28 =	sshra.s32 s28, $0x2  }
0x2c5: {  	[tilespmem:s28+$0x10000] =	vst v0  }
0x2c6: {  	v0 =	vld [tilespmem:s26+$0xFFFFFE2E];
	_ =	sdelay $0x4  }
0x2c7: {  	[tilespmem:s28+$0x10010] =	vst v0  }
0x2c8: {  	v0 =	vld [tilespmem:s26+$0xFFFFFE3E];
	_ =	sdelay $0x4  }
0x2c9: {  	[tilespmem:s28+$0x10020] =	vst v0  }
0x2ca: {  	v0 =	vld [tilespmem:s26+$0xFFFFFE40];
	_ =	sdelay $0x4  }
0x2cb: {  	s25 =	sadd.s32 $0x200, s25;
	[tilespmem:s28+$0x10022] =	vst v0  }
0x2cc: {  	v0 =	vld [tilespmem:s25+$0xFFFFFE1E];
	_ =	sdelay $0x4  }
0x2cd: {  	[tilespmem:s28+$0x10032] =	vst v0  }
0x2ce: {  	v0 =	vld [tilespmem:s25+$0xFFFFFE2E];
	_ =	sdelay $0x4  }
0x2cf: {  	[tilespmem:s28+$0x10042] =	vst v0  }
0x2d0: {  	v0 =	vld [tilespmem:s25+$0xFFFFFE3E];
	_ =	sdelay $0x4  }
0x2d1: {  	[tilespmem:s28+$0x10052] =	vst v0  }
0x2d2: {  	v0 =	vld [tilespmem:s25+$0xFFFFFE40];
	_ =	sdelay $0x4  }
0x2d3: {  	[tilespmem:s28+$0x10054] =	vst v0  }
0x2d4: {  	v0 =	vld [tilespmem:s26+$0xFFFFFE5E];
	_ =	sdelay $0x4  }
0x2d5: {  	[tilespmem:s28+$0x10080] =	vst v0  }
0x2d6: {  	v0 =	vld [tilespmem:s26+$0xFFFFFE6E];
	_ =	sdelay $0x4  }
0x2d7: {  	[tilespmem:s28+$0x10090] =	vst v0  }
0x2d8: {  	v0 =	vld [tilespmem:s26+$0xFFFFFE7E];
	_ =	sdelay $0x4  }
0x2d9: {  	[tilespmem:s28+$0x100A0] =	vst v0  }
0x2da: {  	v0 =	vld [tilespmem:s26+$0xFFFFFE80];
	_ =	sdelay $0x4  }
0x2db: {  	[tilespmem:s28+$0x100A2] =	vst v0  }
0x2dc: {  	v0 =	vld [tilespmem:s25+$0xFFFFFE5E];
	_ =	sdelay $0x4  }
0x2dd: {  	[tilespmem:s28+$0x100B2] =	vst v0  }
0x2de: {  	v0 =	vld [tilespmem:s25+$0xFFFFFE6E];
	_ =	sdelay $0x4  }
0x2df: {  	[tilespmem:s28+$0x100C2] =	vst v0  }
0x2e0: {  	v0 =	vld [tilespmem:s25+$0xFFFFFE7E];
	_ =	sdelay $0x4  }
0x2e1: {  	[tilespmem:s28+$0x100D2] =	vst v0  }
0x2e2: {  	v0 =	vld [tilespmem:s25+$0xFFFFFE80];
	_ =	sdelay $0x4  }
0x2e3: {  	[tilespmem:s28+$0x100D4] =	vst v0  }
0x2e4: {  	v0 =	vld [tilespmem:s26+$0xFFFFFE9E];
	_ =	sdelay $0x4  }
0x2e5: {  	[tilespmem:s28+$0x10100] =	vst v0  }
0x2e6: {  	v0 =	vld [tilespmem:s26+$0xFFFFFEAE];
	_ =	sdelay $0x4  }
0x2e7: {  	[tilespmem:s28+$0x10110] =	vst v0  }
0x2e8: {  	v0 =	vld [tilespmem:s26+$0xFFFFFEBE];
	_ =	sdelay $0x4  }
0x2e9: {  	[tilespmem:s28+$0x10120] =	vst v0  }
0x2ea: {  	v0 =	vld [tilespmem:s26+$0xFFFFFEC0];
	_ =	sdelay $0x4  }
0x2eb: {  	[tilespmem:s28+$0x10122] =	vst v0  }
0x2ec: {  	v0 =	vld [tilespmem:s25+$0xFFFFFE9E];
	_ =	sdelay $0x4  }
0x2ed: {  	[tilespmem:s28+$0x10132] =	vst v0  }
0x2ee: {  	v0 =	vld [tilespmem:s25+$0xFFFFFEAE];
	_ =	sdelay $0x4  }
0x2ef: {  	[tilespmem:s28+$0x10142] =	vst v0  }
0x2f0: {  	v0 =	vld [tilespmem:s25+$0xFFFFFEBE];
	_ =	sdelay $0x4  }
0x2f1: {  	[tilespmem:s28+$0x10152] =	vst v0  }
0x2f2: {  	v0 =	vld [tilespmem:s25+$0xFFFFFEC0];
	_ =	sdelay $0x4  }
0x2f3: {  	[tilespmem:s28+$0x10154] =	vst v0  }
0x2f4: {  	v0 =	vld [tilespmem:s26+$0xFFFFFEDE];
	_ =	sdelay $0x4  }
0x2f5: {  	[tilespmem:s28+$0x10180] =	vst v0  }
0x2f6: {  	v0 =	vld [tilespmem:s26+$0xFFFFFEEE];
	_ =	sdelay $0x4  }
0x2f7: {  	[tilespmem:s28+$0x10190] =	vst v0  }
0x2f8: {  	v0 =	vld [tilespmem:s26+$0xFFFFFEFE];
	_ =	sdelay $0x4  }
0x2f9: {  	[tilespmem:s28+$0x101A0] =	vst v0  }
0x2fa: {  	v0 =	vld [tilespmem:s26+$0xFFFFFF00];
	_ =	sdelay $0x4  }
0x2fb: {  	[tilespmem:s28+$0x101A2] =	vst v0  }
0x2fc: {  	v0 =	vld [tilespmem:s25+$0xFFFFFEDE];
	_ =	sdelay $0x4  }
0x2fd: {  	[tilespmem:s28+$0x101B2] =	vst v0  }
0x2fe: {  	v0 =	vld [tilespmem:s25+$0xFFFFFEEE];
	_ =	sdelay $0x4  }
0x2ff: {  	[tilespmem:s28+$0x101C2] =	vst v0  }
0x300: {  	v0 =	vld [tilespmem:s25+$0xFFFFFEFE];
	_ =	sdelay $0x4  }
0x301: {  	[tilespmem:s28+$0x101D2] =	vst v0  }
0x302: {  	v0 =	vld [tilespmem:s25+$0xFFFFFF00];
	_ =	sdelay $0x4  }
0x303: {  	[tilespmem:s28+$0x101D4] =	vst v0  }
0x304: {  	v0 =	vld [tilespmem:s26+$0xFFFFFF1E];
	_ =	sdelay $0x4  }
0x305: {  	[tilespmem:s28+$0x10200] =	vst v0  }
0x306: {  	v0 =	vld [tilespmem:s26+$0xFFFFFF2E];
	_ =	sdelay $0x4  }
0x307: {  	[tilespmem:s28+$0x10210] =	vst v0  }
0x308: {  	v0 =	vld [tilespmem:s26+$0xFFFFFF3E];
	_ =	sdelay $0x4  }
0x309: {  	[tilespmem:s28+$0x10220] =	vst v0  }
0x30a: {  	v0 =	vld [tilespmem:s26+$0xFFFFFF40];
	_ =	sdelay $0x4  }
0x30b: {  	[tilespmem:s28+$0x10222] =	vst v0  }
0x30c: {  	v0 =	vld [tilespmem:s25+$0xFFFFFF1E];
	_ =	sdelay $0x4  }
0x30d: {  	[tilespmem:s28+$0x10232] =	vst v0  }
0x30e: {  	v0 =	vld [tilespmem:s25+$0xFFFFFF2E];
	_ =	sdelay $0x4  }
0x30f: {  	[tilespmem:s28+$0x10242] =	vst v0  }
0x310: {  	v0 =	vld [tilespmem:s25+$0xFFFFFF3E];
	_ =	sdelay $0x4  }
0x311: {  	[tilespmem:s28+$0x10252] =	vst v0  }
0x312: {  	v0 =	vld [tilespmem:s25+$0xFFFFFF40];
	_ =	sdelay $0x4  }
0x313: {  	[tilespmem:s28+$0x10254] =	vst v0  }
0x314: {  	v0 =	vld [tilespmem:s26+$0xFFFFFF5E];
	_ =	sdelay $0x4  }
0x315: {  	[tilespmem:s28+$0x10280] =	vst v0  }
0x316: {  	v0 =	vld [tilespmem:s26+$0xFFFFFF6E];
	_ =	sdelay $0x4  }
0x317: {  	[tilespmem:s28+$0x10290] =	vst v0  }
0x318: {  	v0 =	vld [tilespmem:s26+$0xFFFFFF7E];
	_ =	sdelay $0x4  }
0x319: {  	[tilespmem:s28+$0x102A0] =	vst v0  }
0x31a: {  	v0 =	vld [tilespmem:s26+$0xFFFFFF80];
	_ =	sdelay $0x4  }
0x31b: {  	[tilespmem:s28+$0x102A2] =	vst v0  }
0x31c: {  	v0 =	vld [tilespmem:s25+$0xFFFFFF5E];
	_ =	sdelay $0x4  }
0x31d: {  	[tilespmem:s28+$0x102B2] =	vst v0  }
0x31e: {  	v0 =	vld [tilespmem:s25+$0xFFFFFF6E];
	_ =	sdelay $0x4  }
0x31f: {  	[tilespmem:s28+$0x102C2] =	vst v0  }
0x320: {  	v0 =	vld [tilespmem:s25+$0xFFFFFF7E];
	_ =	sdelay $0x4  }
0x321: {  	[tilespmem:s28+$0x102D2] =	vst v0  }
0x322: {  	v0 =	vld [tilespmem:s25+$0xFFFFFF80];
	_ =	sdelay $0x4  }
0x323: {  	[tilespmem:s28+$0x102D4] =	vst v0  }
0x324: {  	v0 =	vld [tilespmem:s26+$0xFFFFFF9E];
	_ =	sdelay $0x4  }
0x325: {  	[tilespmem:s28+$0x10300] =	vst v0  }
0x326: {  	v0 =	vld [tilespmem:s26+$0xFFFFFFAE];
	_ =	sdelay $0x4  }
0x327: {  	[tilespmem:s28+$0x10310] =	vst v0  }
0x328: {  	v0 =	vld [tilespmem:s26+$0xFFFFFFBE];
	_ =	sdelay $0x4  }
0x329: {  	[tilespmem:s28+$0x10320] =	vst v0  }
0x32a: {  	v0 =	vld [tilespmem:s26+$0xFFFFFFC0];
	_ =	sdelay $0x4  }
0x32b: {  	[tilespmem:s28+$0x10322] =	vst v0  }
0x32c: {  	v0 =	vld [tilespmem:s25+$0xFFFFFF9E];
	_ =	sdelay $0x4  }
0x32d: {  	[tilespmem:s28+$0x10332] =	vst v0  }
0x32e: {  	v0 =	vld [tilespmem:s25+$0xFFFFFFAE];
	_ =	sdelay $0x4  }
0x32f: {  	[tilespmem:s28+$0x10342] =	vst v0  }
0x330: {  	v0 =	vld [tilespmem:s25+$0xFFFFFFBE];
	_ =	sdelay $0x4  }
0x331: {  	[tilespmem:s28+$0x10352] =	vst v0  }
0x332: {  	v0 =	vld [tilespmem:s25+$0xFFFFFFC0];
	_ =	sdelay $0x4  }
0x333: {  	[tilespmem:s28+$0x10354] =	vst v0  }
0x334: {  	v0 =	vld [tilespmem:s26+$0xFFFFFFDE];
	_ =	sdelay $0x4  }
0x335: {  	[tilespmem:s28+$0x10380] =	vst v0  }
0x336: {  	v0 =	vld [tilespmem:s26+$0xFFFFFFEE];
	_ =	sdelay $0x4  }
0x337: {  	[tilespmem:s28+$0x10390] =	vst v0  }
0x338: {  	v0 =	vld [tilespmem:s26+$0xFFFFFFFE];
	_ =	sdelay $0x4  }
0x339: {  	[tilespmem:s28+$0x103A0] =	vst v0  }
0x33a: {  	v0 =	vld [tilespmem:s26+$0x0];
	_ =	sdelay $0x4  }
0x33b: {  	[tilespmem:s28+$0x103A2] =	vst v0  }
0x33c: {  	v0 =	vld [tilespmem:s25+$0xFFFFFFDE];
	_ =	sdelay $0x4  }
0x33d: {  	[tilespmem:s28+$0x103B2] =	vst v0  }
0x33e: {  	v0 =	vld [tilespmem:s25+$0xFFFFFFEE];
	_ =	sdelay $0x4  }
0x33f: {  	[tilespmem:s28+$0x103C2] =	vst v0  }
0x340: {  	v0 =	vld [tilespmem:s25+$0xFFFFFFFE];
	_ =	sdelay $0x4  }
0x341: {  	[tilespmem:s28+$0x103D2] =	vst v0  }
0x342: {  	s23 =	sadd.s32 $0x1, s23;
	v0 =	vld [tilespmem:s25+$0x0]  }
0x343: {  	p0 =	sne.s32 s23, $0x20  }
.Ltmp2:
0x344: {  	s24 =	sadd.s32 s8, s24;
	(pc) =	sbr.rel @p0 .LBB2_2-.Ltmp2, $4  }
0x345: {  	s24 =	sshll.u32 s24, $0xB  }
0x346: {  	s24 =	sand.u32 $0x1FFFF800, s24  }
0x347: {  	s24 =	sadd.s32 s5, s24;
	[tilespmem:s28+$0x103D4] =	vst v0  }
0x348: {  	[hbm4b:s24+s2] =	stream.linear.scatter [tilespmem:s20], [sflag:$0x3], $0x4000, $0x38;
	[tilespmem:$0x14000] =	vst v63  }
0x349: {  	s22 =	sadd.s32 $0x1, s22  }
0x34a: {  	_ =	swait.ge [sflag:s21], $0x4000;
	p0 =	sne.s32 s22, s9  }
.Ltmp3:
0x34b: {  	[sflag:s21] =	ssyncset.done $0x0;
	(pc) =	sbr.rel @p0 .LBB2_1-.Ltmp3, $4  }
0x34c: {  	[sflag:s21] =	ssyncadd.s32 $0xFFFFC000  }
0x34d: {  	_ =	swait.ge [sflag:s21], $0x4000  }
0x34e: {  	[sflag:s21] =	ssyncset.done $0x0  }
0x34f: {  	[sflag:s21] =	ssyncadd.s32 $0xFFFFC000  }
0x350: {  	_ =	sfence.sel $0x180000  }
0x351: {  	[bflag:$0x0] =	sbarrier.arrive $0xFFFF  }
0x352: {  	p0 =	sne.s32 s1, $0x0;
	_ =	strace $0x90000047  }
0x353: {  	s0 =	sadd.s32 @!p0 $0x100000, s0;
	[bflag:$0x2] =	sbarrier.arrive $0xFFFF  }
0x354: {  	[sflag:s0] =	ssyncadd.tile.s32 @!p0 $0x1;
	_ =	shalt  }
.Lfunc_end2:
_tile_overlayer_lowered:
.L_overlay_start_2:
0x355: {  	(tag) =	ssettag $0x2  }
0x356: {  	s0 =	rddreg [dreg:$0x0];
	s2 =	stileid.u32  }
0x357: {  	s1 =	rddreg [dreg:$0x1];
	p0 =	sne.s32 s2, $0x0  }
0x358: {  	s3 =	rddreg [dreg:$0x2];
	[bflag:$0x3] =	sbarrier.arrive $0xFFFF;
	s2 =	simm.s32 @!p0 $0x1C04  }
0x359: {  	[timem:s3], [sflag:s2] =	dma.local @!p0 [hbm:s0], s1  }
0x35a: {  	s0 =	simm.s32 @!p0 $0x4  }
0x35b: {  	_ =	swait.ge @!p0 [sflag:s0], s1  }
0x35c: {  	s1 =	ssub.s32 @!p0 $0x0, s1;
	[sflag:s0] =	ssyncset.done @!p0 $0x0  }
0x35d: {  	[sflag:s0] =	ssyncadd.s32 @!p0 s1  }
0x35e: {  	[bflag:$0x3] =	sbarrier.arrive $0xFFFF  }
0x35f: {  	_ =	shalt  }

// kernel: sparse-core-data-format-call.cloned.1.call-start
scs
called_computation_lowered:
.L_overlay_start_0:
0x0: {  	s2 =	sld [smem:$0x3FD9]  }
0x1: {  	s3 =	sld [smem:$0x3FFE];
	_ =	sdelay $0x1  }
0x2: {  	s1 =	srdreg.scid  }
0x3: {  	s0 =	sand.u32 $0x1, s1  }
0x4: {  	s18 =	sshll.u32 s0, $0xA;
	s2 =	sadd.s32 s3, s2  }
0x5: {  	s2 =	sadd.s32 s2, s18  }
0x6: {  	[smem:$0x3FC4] =	sst s2  }
0x7: {  	_ = 	snop  }
0x8: {  	s2 =	sld [smem:$0x3FD0];
	(tm) =	ssettm $0x1  }
0x9: {  	s19 =	sld [smem:$0x3FFB];
	_ =	sdelay $0x3  }
0xa: {  	_ =	strace s19  }
0xb: {  	s3 =	sld [smem:$0x3FFC];
	_ =	sdelay $0x3  }
0xc: {  	_ =	strace s3  }
0xd: {  	s3 =	sld [smem:$0x3FFD];
	_ =	sdelay $0x3  }
0xe: {  	_ =	strace s3  }
0xf: {  	_ =	strace $0x8FFFFFFF  }
0x10: {  	s20 =	sld [smem:$0x3FDB];
	_ =	sdelay $0x1  }
0x11: {  	s4 =	simm.s32 $_scs_section_size  }
0x12: {  	s5 =	simm.s32 $_size__tile_overlayer_lowered;
	s6 =	simm.s32 $_tile_overlayer_lowered  }
0x13: {  	s23 =	simm.s32 $0x1BFF;
	s22 =	sshll.u32 s6, $0x1;
	s3 =	sadd.s32 s4, s20  }
0x14: {  	s7 =	simm.s32 $0x0;
	s21 =	sshll.u32 s5, $0x1;
	s5 =	sadd.s32 s22, s3  }
0x15: {  	[timem:s7], [sflag:s23] =	dma.local [hbm:s5], s21  }
0x16: {  	_ =	swait.ge [sflag:s23], s21  }
0x17: {  	s4 =	ssub.s32 $0x0, s21;
	[sflag:s23] =	ssyncset.done $0x0  }
0x18: {  	[sflag:s23] =	ssyncadd.s32 s4;
	_ =	sdelay $0x1  }
0x19: {  	s24 =	simm.s32 $0x1B8B  }
0x1a: {  	_ =	swait.ge [sflag:s24], $0x1  }
0x1b: {  	[sflag:s24] =	ssyncset.done $0x0  }
0x1c: {  	s26 =	simm.s32 $0x1B8E;
	s25 =	sld [smem:$0x3FFE];
	[sflag:s24] =	ssyncadd.s32 $0xFFFFFFFF  }
0x1d: {  	s27 =	simm.s32 $execute0_lowered;
	[smem:$0x3FD2] =	sst s26  }
0x1e: {  	s5 =	sshll.u32 s27, $0x1;
	_ =	strace $0x80000049;
	[dreg:$0x1] =	wrdreg $0xFFFFFFFF  }
0x1f: {  	s28 =	simm.s32 $_size_execute0_lowered;
	s3 =	sadd.s32 s3, s5;
	[dreg:$0x0] =	wrdreg $0x0  }
0x20: {  	s5 =	sshll.u32 s28, $0x1;
	[dreg:$0x2] =	wrdreg s3  }
0x21: {  	[dreg:$0x3] =	wrdreg s5  }
0x22: {  	[dreg:$0x4] =	wrdreg $0xC0  }
0x23: {  	_ =	task [dreg:s7], $0x5FFFF  }
0x24: {  	[dreg:$0x1] =	wrdreg $0xFFFFFFFF  }
0x25: {  	[dreg:$0x0] =	wrdreg $0x60  }
0x26: {  	[dreg:$0x2] =	wrdreg s25  }
0x27: {  	[dreg:$0x3] =	wrdreg s2  }
0x28: {  	[dreg:$0x4] =	wrdreg $0x9  }
0x29: {  	_ =	task.clear_ibuf [dreg:s7], $0x5FFFF;
	_ =	strace $0x90000049  }
0x2a: {  	s29 =	simm.s32 $0x9;
	_ =	strace $0x8000004B  }
0x2b: {  	_ =	swait.ge [sflag:s29], $0x1  }
0x2c: {  	[sflag:s29] =	ssyncadd.s32 $0xFFFFFFFF  }
0x2d: {  	_ =	strace $0x9000004B  }
0x2e: {  	_ =	sfence  }
0x2f: {  	s30 =	sld [smem:$0x0];
	_ =	sdelay $0x2  }
0x30: {  	s31 =	sshll.u32 s1, $0xD;
	s1 =	sshrl.u32 s1, $0x2  }
0x31: {  	s3 =	sand.u32 $0x4000, s31;
	s1 =	sadd.s32 s1, s30  }
0x32: {  	s0 =	sor.u32 s3, s0;
	s1 =	sshll.u32 s1, $0x11  }
0x33: {  	s0 =	sor.u32 s1, s0  }
0x34: {  	s0 =	sadd.s32 $0x8F2B, s0  }
0x35: {  	[sflag:s0] =	ssyncadd.remote.s32 $0x1  }
0x36: {  	_ =	sfence.sel $0xFFFF  }
0x37: {  	[dreg:$0x0] =	wrdreg $0xFFFFFFFF;
	(pc) =	sbr.abs _section_cstart, $3  }
0x38: {  	[dreg:$0x1] =	wrdreg $0xFFFFFFFF  }
0x39: {  	_ =	task.clear_ibuf [dreg:s7], $0x2FFFF;
	_ =	strace $0x9FFFFFFF  }
0x3a: {  	(tm) =	ssettm $0x7FFFFFFF  }
0x3b: {  	_ =	shalt  }
tec
execute0_lowered:
.L_overlay_start_1:
0x0: {  	(tag) =	ssettag $0x1  }
0x1: {  	s1 =	rddreg [dreg:$0x0]  }
0x2: {  	s2 =	rddreg [dreg:$0x1]  }
0x3: {  	s0 =	rddreg [dreg:$0x2]  }
0x4: {  	s4 =	srdreg.scid;
	_ =	strace $0x8000004A;
	s6 =	simm.s32 $0x2  }
0x5: {  	s12 =	simm.s32 $0x0;
	p0 =	por $0x0, $0x0;
	s13 =	simm.s32 $0x0  }
.Ltmp0:
0x6: {  	s8 =	simm.s32 $0x0;
	s9 =	simm.s32 $0x0;
	(pc) =	sbr.rel .LBB1_1-.Ltmp0, $4  }
0x7: {  	s10 =	simm.s32 $0x0;
	s3 =	sadd.s32 $0xD1A00, s1;
	s4 =	sshll.u32 s4, $0x4  }
0x8: {  	s1 =	stileid.u32;
	s5 =	sand.u32 $0x10, s4;
	s4 =	simm.s32 $0x1  }
0x9: {  	s7 =	simm.s32 $0x0;
	s5 =	sor.u32 s1, s5;
	[sflag:s4] =	ssyncpa.u1 $0x0  }
0xa: {  	[sflag:s6] =	ssyncpa.u1 $0x0;
	s6 =	simm.s32 $0x40000;
	s11 =	smov.u32 s5  }
.LBB1_5:
0xb: {  	p1 =	slt.u32 s7, $0x2  }
0xc: {  	s15 =	smov.u32 s13;
	p2 =	sgt.s32 @!p1 s13, $0x3FF;
	s14 =	sshra.s32 @!p1 s13, $0x1F  }
0xd: {  	p3 =	sgt.s32 @!p1 s12, $0x80;
	s16 =	sshra.s32 @!p1 s12, $0x1F;
	p2 =	por !p2, p1  }
0xe: {  	s13 =	sand.u32 @!p1 s14, s13;
	p3 =	por !p3, p1;
	s14 =	smov.u32 s12  }
0xf: {  	s12 =	sand.u32 @!p1 s16, s12;
	s15 =	simm.s32 @p2 $0x3FF;
	s14 =	simm.s32 @p3 $0x80  }
0x10: {  	s16 =	smov.u32 s11;
	s13 =	ssub.s32 @!p1 s15, s13;
	s12 =	ssub.s32 @!p1 s14, s12  }
0x11: {  	s14 =	sadd.s32 @!p1 $0xFFFFFC01, s13;
	s13 =	ssub.s32 @!p1 $0x400, s13;
	s15 =	sadd.s32 @!p1 $0xFFFFFF80, s12  }
0x12: {  	p2 =	sgt.s32 @!p1 s14, $0x0;
	s13 =	smul.u32 @!p1 $0x64, s13;
	p3 =	sgt.s32 @!p1 s15, $0x7F  }
0x13: {  	s12 =	ssub.s32 @!p1 $0x100, s12;
	p2 =	por !p2, p1;
	p3 =	por !p3, p1  }
0x14: {  	s14 =	sadd.s32 $0x80, s10;
	s13 =	simm.s32 @!p2 $0x0;
	s12 =	simm.s32 @!p3 $0x0  }
0x15: {  	p2 =	sgt.s32 s14, $0xFF;
	s12 =	smul.u32 @!p1 s12, s13;
	s13 =	sadd.s32 $0x20, s11  }
0x16: {  	s16 =	smov.u32 @p2 s13  }
0x17: {  	s7 =	sadd.s32 $0x1, s7;
	s14 =	simm.s32 @p2 $0x0;
	p2 =	sgt.s32 s16, $0x3FF  }
0x18: {  	s16 =	smov.u32 @p2 s5;
	p2 =	sne.s32 s7, $0x42  }
.Ltmp1:
0x19: {  	p0 =	por !p0, !p0;
	(pc) =	sbr.rel @!p2 .LBB1_6-.Ltmp1, $4  }
0x1a: {  	s15 =	simm.s32 @!p1 $0x2;
	s13 =	smov.u32 s9;
	s12 =	sand.u32 @!p1 $0x3FFFFFFC, s12  }
0x1b: {  	s9 =	smov.u32 s11;
	_ =	swait.ge @!p1 [sflag:s15], s12;
	s17 =	ssub.s32 @!p1 $0x0, s12  }
0x1c: {  	s12 =	smov.u32 s8;
	s8 =	smov.u32 s10;
	[sflag:s15] =	ssyncset.done @!p1 $0x0  }
0x1d: {  	s10 =	smov.u32 s14;
	s11 =	smov.u32 s16;
	[sflag:s15] =	ssyncadd.s32 @!p1 s17  }
.LBB1_1:
0x1e: {  	p1 =	sgt.u32 s7, $0x3F  }
0x1f: {  	s14 =	sxor.u32 @!p1 $0xFFFFFFFF, s7;
	s15 =	sshll.u32 @!p1 s11, $0xC;
	s16 =	sshll.u32 @!p1 s10, $0x4  }
0x20: {  	s14 =	sshll.u32 @!p1 s14, $0xE;
	s16 =	sand.u32 @!p1 $0xFF0, s16;
	s15 =	sadd.s32 @!p1 s3, s15  }
0x21: {  	s14 =	sand.u32 @!p1 $0x4000, s14;
	s15 =	sadd.s32 @!p1 s16, s15;
	s16 =	simm.s32 @!p1 $0x0  }
0x22: {  	[tilespmem:s14], [sflag:$0x1] =	stream.linear.gather @!p1 [hbm4b:s15+s16], $0x4000, $0x38;
	[tilespmem:$0x10100] =	vst v63  }
0x23: {  	p1 =	seq.s32 s7, $0x0  }
0x24: {  	p2 =	seq.s32 @!p1 s7, $0x41  }
0x25: {  	p1 =	por p1, p2  }
.Ltmp2:
0x26: {  	_ = 	snop;
	(pc) =	sbr.rel @p1 .LBB1_5-.Ltmp2, $1  }
0x27: {  	_ =	sdelay $0x3  }
0x28: {  	s14 =	simm.s32 $0x1  }
0x29: {  	_ =	swait.ge [sflag:s4], $0x4000;
	s14 =	simm.s32 @!p0 $0x0  }
0x2a: {  	[sflag:s4] =	ssyncset.done $0x0;
	s15 =	sshll.u32 s14, $0xE  }
0x2b: {  	[sflag:s4] =	ssyncadd.s32 $0xFFFFC000;
	s15 =	sor.u32 $0x40, s15  }
0x2c: {  	s14 =	smul.u32 $0x10200, s14;
	v0 =	vld [tilespmem:s15+$0x30]  }
0x2d: {  	v1 =	vld [tilespmem:s15+$0xFFFFFFD0]  }
0x2e: {  	s14 =	sshrl.u32 s14, $0x2;
	v5 =	vld [tilespmem:s15+$0xFFFFFFE0]  }
0x2f: {  	v6 =	vld [tilespmem:s15+$0xFFFFFFF0];
	s17 =	sor.u32 $0x8000, s14  }
0x30: {  	s31 =	sand.u32 $0x1, s7;
	v4 =	vld [tilespmem:s15+$0x0];
	s16 =	sadd.s32 $0x0, s17  }
0x31: {  	v3 =	vld [tilespmem:s15+$0x10];
	s14 =	smul.u32 $0x10200, s31;
	[tilespmem:s16+$0x3870 ss:$0x81] =	vst.msk $0xffff, v0  }
0x32: {  	v2 =	vld [tilespmem:s15+$0x20];
	[tilespmem:s16+$0x810 ss:$0x81] =	vst.msk $0xffff, v1  }
0x33: {  	s14 =	sshrl.u32 s14, $0x2;
	v0 =	vld [tilespmem:s15+$0xFFFFFFC0];
	[tilespmem:s16+$0x1020 ss:$0x81] =	vst.msk $0xffff, v5;
	s15 =	sadd.s32 $0x80, s15  }
0x34: {  	s18 =	simm.s32 $0x4;
	s19 =	simm.s32 $0x8;
	s14 =	sor.u32 $0x8000, s14;
	[tilespmem:s16+$0x1830 ss:$0x81] =	vst.msk $0xffff, v6;
	v1 =	vld [tilespmem:s15+$0x30]  }
.LBB1_3:
0x35: {  	p1 =	sne.s32 s19, $0x1FC;
	v5 =	vld [tilespmem:s15+$0xFFFFFFD0];
	[tilespmem:s16+$0x2040 ss:$0x81] =	vst.msk $0xffff, v4  }
0x36: {  	v6 =	vld [tilespmem:s15+$0xFFFFFFE0];
	[tilespmem:s16+$0x2850 ss:$0x81] =	vst.msk $0xffff, v3  }
0x37: {  	s20 =	sshra.s32 s18, $0x2;
	s18 =	smov.u32 s19;
	v7 =	vld [tilespmem:s15+$0xFFFFFFF0];
	[tilespmem:s16+$0x3060 ss:$0x81] =	vst.msk $0xffff, v2  }
.Ltmp3:
0x38: {  	v4 =	vld [tilespmem:s15+$0x0];
	[tilespmem:s16+$0x0 ss:$0x81] =	vst.msk $0xffff, v0;
	s16 =	sadd.s32 s20, s17;
	(pc) =	sbr.rel @p1 .LBB1_3-.Ltmp3, $4  }
0x39: {  	v3 =	vld [tilespmem:s15+$0x10];
	[tilespmem:s16+$0x3870 ss:$0x81] =	vst.msk $0xffff, v1  }
0x3a: {  	[tilespmem:s16+$0x810 ss:$0x81] =	vst.msk $0xffff, v5;
	v2 =	vld [tilespmem:s15+$0x20]  }
0x3b: {  	v0 =	vld [tilespmem:s15+$0xFFFFFFC0];
	[tilespmem:s16+$0x1020 ss:$0x81] =	vst.msk $0xffff, v6;
	s15 =	sadd.s32 $0x80, s15  }
0x3c: {  	s19 =	sadd.s32 $0x4, s19;
	v1 =	vld [tilespmem:s15+$0x30];
	[tilespmem:s16+$0x1830 ss:$0x81] =	vst.msk $0xffff, v7  }
0x3d: {  	v5 =	vld [tilespmem:s15+$0xFFFFFFD0]  }
0x3e: {  	v58 =	vld [tilespmem:s15+$0xFFFFFFE0]  }
0x3f: {  	s18 =	sshra.s32 s18, $0x2;
	p1 =	sgt.s32 s9, $0x3FF;
	s19 =	smov.u32 s9;
	v59 =	vld [tilespmem:s15+$0xFFFFFFF0]  }
0x40: {  	s20 =	sshra.s32 s9, $0x1F;
	s22 =	sshra.s32 s8, $0x1F;
	v60 =	vld [tilespmem:s15+$0x0];
	s25 =	sshll.u32 s8, $0x3  }
0x41: {  	[tilespmem:s16+$0x2040 ss:$0x81] =	vst.msk $0xffff, v4;
	v61 =	vld [tilespmem:s15+$0x10];
	s27 =	sshll.u32 s9, $0x7;
	s28 =	sand.u32 $0x78, s8;
	s17 =	sadd.s32 s18, s17  }
0x42: {  	v62 =	vld [tilespmem:s15+$0x20];
	s19 =	simm.s32 @!p1 $0x3FF;
	s21 =	sand.u32 s20, s9;
	[tilespmem:s16+$0x2850 ss:$0x81] =	vst.msk $0xffff, v3;
	p1 =	sgt.s32 s8, $0x80  }
0x43: {  	v63 =	vld [tilespmem:s15+$0xFFFFFFC0];
	s20 =	sand.u32 s22, s8;
	s15 =	sand.u32 $0x380, s27;
	s18 =	ssub.s32 s19, s21;
	[tilespmem:s16+$0x3060 ss:$0x81] =	vst.msk $0xffff, v2  }
0x44: {  	s19 =	smov.u32 s8;
	s21 =	sshll.u32 s9, $0x8;
	s15 =	sor.u32 s15, s28;
	[tilespmem:s16+$0x0 ss:$0x81] =	vst.msk $0xffff, v0  }
0x45: {  	s19 =	simm.s32 @!p1 $0x80;
	s23 =	sand.u32 $0x3F800, s21;
	s24 =	ssub.s32 $0x400, s18;
	[tilespmem:s17+$0x3870 ss:$0x81] =	vst.msk $0xffff, v1  }
0x46: {  	s18 =	sadd.s32 $0xFFFFFC01, s18;
	s19 =	ssub.s32 s19, s20;
	s21 =	smul.u32 $0x64, s24;
	[tilespmem:s17+$0x810 ss:$0x81] =	vst.msk $0xffff, v5  }
0x47: {  	s16 =	sadd.s32 s23, s25;
	p1 =	sgt.s32 s18, $0x0;
	s26 =	sadd.s32 $0xFFFFFF80, s19;
	[tilespmem:s17+$0x1020 ss:$0x81] =	vst.msk $0xffff, v58  }
0x48: {  	[tilespmem:s17+$0x1830 ss:$0x81] =	vst.msk $0xffff, v59;
	s19 =	ssub.s32 $0x100, s19;
	s21 =	simm.s32 @p1 $0x0;
	p1 =	sgt.s32 s26, $0x7F  }
.Ltmp4:
0x49: {  	[tilespmem:s17+$0x2040 ss:$0x81] =	vst.msk $0xffff, v60;
	s16 =	sand.u32 $0x3FC00, s16;
	s19 =	simm.s32 @p1 $0x0;
	(pc) =	sbr.rel .LBB1_5-.Ltmp4, $4  }
0x4a: {  	s30 =	sand.u32 $0x7, s8;
	[tilespmem:s17+$0x2850 ss:$0x81] =	vst.msk $0xffff, v61;
	s15 =	sor.u32 s16, s15;
	s29 =	smul.u32 s19, s21  }
0x4b: {  	[tilespmem:s17+$0x3060 ss:$0x81] =	vst.msk $0xffff, v62;
	s16 =	sshll.u32 s30, $0x12;
	s15 =	sshrl.u32 s15, $0x3  }
0x4c: {  	[tilespmem:s17+$0x0 ss:$0x81] =	vst.msk $0xffff, v63;
	s16 =	sor.u32 $0x80, s16;
	s15 =	sadd.s32 s2, s15;
	s31 =	sand.u32 $0x3FFFFFFC, s29  }
0x4d: {  	[hbm4b:s15+s16] =	stream.strided.scatter [tilespmem:s14], [sflag:$0x2], s31, s6, s16, $0x20;
	[tilespmem:$0x10100] =	vst v63  }
.LBB1_6:
0x4e: {  	_ =	sfence.sel $0x180000  }
0x4f: {  	s2 =	simm.s32 $0x1;
	[bflag:$0x0] =	sbarrier.arrive $0xFFFF  }
0x50: {  	s31 =	simm.s32 $0x2;
	[sflag:s2] =	ssyncpa.u1 $0x1  }
0x51: {  	[sflag:s31] =	ssyncpa.u1 $0x1  }
0x52: {  	p0 =	sne.s32 s1, $0x0;
	_ =	strace $0x9000004A  }
0x53: {  	s0 =	sadd.s32 @!p0 $0x100000, s0;
	[bflag:$0x2] =	sbarrier.arrive $0xFFFF  }
0x54: {  	[sflag:s0] =	ssyncadd.tile.s32 @!p0 $0x1;
	_ =	shalt  }
.Lfunc_end1:
_tile_overlayer_lowered:
.L_overlay_start_2:
0x55: {  	(tag) =	ssettag $0x2  }
0x56: {  	s0 =	rddreg [dreg:$0x0];
	s2 =	stileid.u32  }
0x57: {  	s1 =	rddreg [dreg:$0x1];
	p0 =	sne.s32 s2, $0x0  }
0x58: {  	s3 =	rddreg [dreg:$0x2];
	[bflag:$0x3] =	sbarrier.arrive $0xFFFF;
	s2 =	simm.s32 @!p0 $0x1C01  }
0x59: {  	[timem:s3], [sflag:s2] =	dma.local @!p0 [hbm:s0], s1  }
0x5a: {  	s0 =	simm.s32 @!p0 $0x1  }
0x5b: {  	_ =	swait.ge @!p0 [sflag:s0], s1  }
0x5c: {  	s1 =	ssub.s32 @!p0 $0x0, s1;
	[sflag:s0] =	ssyncset.done @!p0 $0x0  }
0x5d: {  	[sflag:s0] =	ssyncadd.s32 @!p0 s1  }
0x5e: {  	[bflag:$0x3] =	sbarrier.arrive $0xFFFF  }
0x5f: {  	_ =	shalt  }

</sc_bundles>
